<compile_context>
chip_gen: v7x
topology: tpu7x:2x2x1
jax: 0.10.2.dev20260603
libtpu: 0.0.44.dev20260713+nightly
codegen_flags: <defaults>
</compile_context>

<pallas_src>
import jax
import jax.numpy as jnp
from jax import lax
from jax.experimental import pallas as pl
from jax.experimental.pallas import tpu as pltpu
from jax.experimental.pallas import tpu_sc as plsc

_N = 4096
_E = 256
_K = 16
_SCALE = 2
_BN = 256
_NW = 32
_EW = 4


def _topk_body(xe_ref, ye_ref, score_ref, idx_ref, idxt_ref, xet_ref,
               yet_ref, d2_ref, y2_ref):
    i = pl.program_id(0)
    xb = xe_ref[...]
    y = ye_ref[...]
    x2 = jnp.sum(xb * xb, axis=1, keepdims=True)

    @pl.when(i == 0)
    def _():
        y2_ref[...] = jnp.sum(y * y, axis=1)[None, :]

    y2 = y2_ref[0, :]
    prod = lax.dot_general(xb, y, (((1,), (1,)), ((), ())),
                           preferred_element_type=jnp.float32)
    d2 = x2 + y2[None, :] - 2.0 * prod
    d2_ref[...] = jnp.sqrt(jnp.maximum(d2, jnp.float32(1e-12)))
    xet_ref[...] = xb.T
    yet_ref[...] = ye_ref[pl.ds(i * _BN, _BN), :].T
    iota_f = lax.broadcasted_iota(jnp.int32, (_BN, _N), 1).astype(jnp.float32)
    scores = []
    idxs = []
    for kk in range(_K):
        d = d2_ref[...]
        mv = jnp.min(d, axis=1)
        t = jnp.where(d == mv[:, None], iota_f, jnp.float32(_N))
        mif = jnp.min(t, axis=1)
        if kk < _K - 1:
            d2_ref[...] = jnp.where(t == mif[:, None], jnp.float32(jnp.inf), d)
        scores.append(jnp.exp(-mv / 10.0))
        idxs.append(mif.astype(jnp.int32))
    score_ref[...] = jnp.stack(scores, axis=0)
    idx_ref[...] = jnp.stack(idxs, axis=1)
    idxt_ref[...] = jnp.stack(idxs, axis=0)


def _topk(xe, ye):
    return pl.pallas_call(
        _topk_body,
        grid=(_N // _BN,),
        in_specs=[
            pl.BlockSpec((_BN, _E), lambda i: (i, 0)),
            pl.BlockSpec((_N, _E), lambda i: (0, 0)),
        ],
        out_specs=[
            pl.BlockSpec((_K, _BN), lambda i: (0, i)),
            pl.BlockSpec((_BN, _K), lambda i: (i, 0)),
            pl.BlockSpec((_K, _BN), lambda i: (0, i)),
            pl.BlockSpec((_E, _BN), lambda i: (0, i)),
            pl.BlockSpec((_E, _BN), lambda i: (0, i)),
        ],
        out_shape=[
            jax.ShapeDtypeStruct((_K, _N), jnp.float32),
            jax.ShapeDtypeStruct((_N, _K), jnp.int32),
            jax.ShapeDtypeStruct((_K, _N), jnp.int32),
            jax.ShapeDtypeStruct((_E, _N), jnp.float32),
            jax.ShapeDtypeStruct((_E, _N), jnp.float32),
        ],
        scratch_shapes=[pltpu.VMEM((_BN, _N), jnp.float32),
                        pltpu.VMEM((1, _N), jnp.float32)],
    )(xe, ye)


def _sc_diff_body(xet_hbm, yet_hbm, idxt_hbm, out_hbm,
                  xcols, ycols, idxv, ob0, ob1, sem0, sem1):
    wid = lax.axis_index("s") * 2 + lax.axis_index("c")

    for h in range(2):
        ee0 = wid * (2 * _EW) + h * _EW
        pltpu.sync_copy(xet_hbm.at[pl.ds(ee0, _EW)], xcols)
        pltpu.sync_copy(yet_hbm.at[pl.ds(ee0, _EW)], ycols)

        def kk2_body(kk2, carry):
            for ob, sem, b in ((ob0, sem0, 0), (ob1, sem1, 1)):
                kk = kk2 * 2 + b
                base = kk * _E + ee0
                dst0 = out_hbm.at[0, pl.ds(base, _EW), pl.ds(0, _N)]
                dst1 = out_hbm.at[0, pl.ds(base, _EW), pl.ds(_N, _N)]

                @pl.when(kk2 > 0)
                def _drain():
                    pltpu.make_async_copy(ob, dst0, sem).wait()
                    pltpu.make_async_copy(ob, dst1, sem).wait()

                pltpu.sync_copy(idxt_hbm.at[kk], idxv)

                @plsc.parallel_loop(0, _N // 16, step=1, unroll=8)
                def _gather(iv):
                    sl = pl.ds(iv * 16, 16)
                    idx16 = idxv[sl]
                    for ee in range(_EW):
                        row = jnp.full((16,), ee, jnp.int32)
                        g = plsc.load_gather(xcols, [row, idx16])
                        ob[ee, sl] = jnp.abs(ycols[ee, sl] - g)
                pltpu.make_async_copy(ob, dst0, sem).start()
                pltpu.make_async_copy(ob, dst1, sem).start()
            return carry

        lax.fori_loop(0, _K // 2, kk2_body, 0)
        for ob, sem, b in ((ob0, sem0, 0), (ob1, sem1, 1)):
            kk = _K - 2 + b
            base = kk * _E + ee0
            pltpu.make_async_copy(
                ob, out_hbm.at[0, pl.ds(base, _EW), pl.ds(0, _N)], sem).wait()
            pltpu.make_async_copy(
                ob, out_hbm.at[0, pl.ds(base, _EW), pl.ds(_N, _N)], sem).wait()


def _sc_diff(xet, yet, idxt):
    mesh = plsc.VectorSubcoreMesh(core_axis_name="c", subcore_axis_name="s",
                                  num_cores=2, num_subcores=16)
    return pl.kernel(
        _sc_diff_body,
        out_type=jax.ShapeDtypeStruct((1, _K * _E, _SCALE * _N), jnp.float32),
        mesh=mesh,
        scratch_types=[
            pltpu.VMEM((_EW, _N), jnp.float32),
            pltpu.VMEM((_EW, _N), jnp.float32),
            pltpu.VMEM((_N,), jnp.int32),
            pltpu.VMEM((_EW, _N), jnp.float32),
            pltpu.VMEM((_EW, _N), jnp.float32),
            pltpu.SemaphoreType.DMA,
            pltpu.SemaphoreType.DMA,
        ],
        compiler_params=pltpu.CompilerParams(use_tc_tiling_on_sc=True,
                                             needs_layout_passes=False),
    )(xet, yet, idxt)


def kernel(xe_patch, ye_patch, spatial):
    del spatial
    score_t, idx, idxt, xet, yet = _topk(xe_patch, ye_patch)
    diff = _sc_diff(xet, yet, idxt)
    sk = jnp.concatenate([score_t, score_t], axis=1)[None]
    return sk, idx[None], diff

# --- scband reference (transcript-rebuilt; emitter-appended) ---
"""Pipeline reference for scband-graph-construct-spatial-gai-74285754351632 (READ-ONLY COPY).

The authoritative reference and input builder live on the scoring server;
editing this copy changes nothing except your own understanding.
"""

import jax, jax.numpy as jnp
import numpy as np

SCALE = 2
K = 16

def setup_inputs(seed: int = 0) -> dict:
    key = jax.random.key(seed)
    k1, k2, k3 = jax.random.split(key, 3)
    xe_patch = jax.random.normal(k1, (4096, 256), dtype=jnp.float32)
    ye_patch = jax.random.normal(k2, (4096, 256), dtype=jnp.float32)
    spatial = jax.random.normal(k3, (4096, 2), dtype=jnp.float32)
    return {"xe_patch": xe_patch, "ye_patch": ye_patch, "spatial": spatial}

def _pairwise_euclidean(x, y):
    # faithful to scipy.spatial.distance.cdist(..., 'euclidean'),
    # computed via the expanded quadratic form to avoid an n*m*e temp
    x2 = jnp.sum(x * x, axis=1)[:, None]
    y2 = jnp.sum(y * y, axis=1)[None, :]
    d2 = x2 + y2 - 2.0 * (x @ y.T)
    return jnp.sqrt(jnp.clip(d2, 1e-12, None))

def reference(xe_patch, ye_patch, spatial):
    scale = SCALE
    k = K
    xe = xe_patch[None]  # [1, n, e]
    ye = ye_patch[None]  # [1, m, e]
    b, m, e = ye.shape
    n = xe.shape[1]
    # D: [1, n, m] distances from each xe row to every ye row (matches the numpy loop)
    D = _pairwise_euclidean(xe[0], ye[0])[None]
    # hard_knn: smallest k along dim 2
    neg_score, idx_k = jax.lax.top_k(-D, k)
    score_k = -neg_score  # [1, m, k]
    # gather neighbors: xe permuted to [b, e, n], gather along last dim
    xe_t = jnp.transpose(xe, (0, 2, 1))  # [b, e, n]
    gathered = xe_t[0][:, idx_k[0]]      # [e, m, k]
    gathered = jnp.transpose(gathered, (1, 0, 2))[None]  # [b, m, e, k]
    diff_patch = ye[:, :, :, None] - gathered  # [b, m, e, k]
    score_k = jnp.exp(-score_k / 10.0)
    # forward post-processing
    diff_patch = jnp.abs(diff_patch.reshape(b, m, e, 1, k))
    diff_patch = jnp.sum(diff_patch, axis=3, keepdims=True)  # [b, m, e, 1, k]
    diff_patch = jnp.broadcast_to(diff_patch, (b, m, e, scale, k))
    diff_patch = jnp.transpose(diff_patch, (0, 4, 2, 3, 1))  # [b, k, e, scale, m]
    diff_patch = diff_patch.reshape(b, k * e, scale, m).reshape(b, k * e, m * scale)
    sk = jnp.transpose(score_k, (0, 2, 1)).reshape(b, k, 1, m)
    sk = jnp.broadcast_to(sk, (b, k, scale, m)).reshape(b, k, m * scale)
    return sk, idx_k, diff_patch

if __name__ == "__main__":
    import jax
    _d = setup_inputs()
    print(jax.jit(kernel)(*tuple(_d.values())))

</pallas_src>

<mosaic_0001>
#map = affine_map<(d0, d1) -> (0, 0)>
#map1 = affine_map<(d0, d1) -> (0, 0, 0)>
module attributes {stable_mosaic.version = 14 : i64} {
  func.func @_sc_diff_body(%arg0: i32, %arg1: i32, %arg2: memref<256x4096xf32, #tpu.memory_space<hbm>>, %arg3: memref<256x4096xf32, #tpu.memory_space<hbm>>, %arg4: memref<16x4096xi32, #tpu.memory_space<hbm>>, %arg5: memref<1x4096x8192xf32, #tpu.memory_space<hbm>>, %arg6: memref<4x4096xf32, #tpu.memory_space<vmem>>, %arg7: memref<4x4096xf32, #tpu.memory_space<vmem>>, %arg8: memref<4096xi32, #tpu.memory_space<vmem>>, %arg9: memref<4x4096xf32, #tpu.memory_space<vmem>>, %arg10: memref<4x4096xf32, #tpu.memory_space<vmem>>, %arg11: memref<!tpu.dma_semaphore, #tpu.memory_space<semaphore_mem>>, %arg12: memref<!tpu.dma_semaphore, #tpu.memory_space<semaphore_mem>>) attributes {dimension_semantics = [#tpu.dimension_semantics<core_parallel>, #tpu.dimension_semantics<subcore_parallel>], iteration_bounds = array<i64: 2, 16>, scalar_prefetch = 0 : i64, scratch_operands = 7 : i64, tpu.core_type = #tpu.core_type<sc_vector_subcore>, window_params = [{transform_indices = #map}, {transform_indices = #map}, {transform_indices = #map}, {transform_indices = #map1}]} {
    %mul3A = arith.constant 2 : i32
    %mul3A_0 = arith.muli %arg1, %mul3A : i32
    %add3A = arith.addi %mul3A_0, %arg0 : i32
    %mul3A_1 = arith.constant 8 : i32
    %mul3A_2 = arith.muli %add3A, %mul3A_1 : i32
    %add3A_3 = arith.constant 0 : i32
    %add3A_4 = arith.addi %mul3A_2, %add3A_3 : i32
    "tpu.region"() ({
      %run_scoped3A = tpu.sem_alloc : memref<!tpu.dma_semaphore, #tpu.memory_space<semaphore_mem>>
      %dma_start3A = arith.constant 0 : i32
      %dma_start3A_83 = tpu.memref_slice %arg2[%add3A_4, %dma_start3A] : memref<256x4096xf32, #tpu.memory_space<hbm>> -> memref<4x4096xf32, #tpu.memory_space<hbm>>
      %dma_start3A_84 = arith.constant 0 : i32
      %dma_start3A_85 = tpu.memref_slice %arg2[%add3A_4, %dma_start3A_84] : memref<256x4096xf32, #tpu.memory_space<hbm>> -> memref<4x4096xf32, #tpu.memory_space<hbm>>
      tpu.enqueue_dma source(%dma_start3A_85 : memref<4x4096xf32, #tpu.memory_space<hbm>>) target(%arg6 : memref<4x4096xf32, #tpu.memory_space<vmem>>) target_semaphore(%run_scoped3A : memref<!tpu.dma_semaphore, #tpu.memory_space<semaphore_mem>>)
      %dma_wait3A_86 = arith.constant 0 : i32
      %dma_wait3A_87 = tpu.memref_slice %arg2[%add3A_4, %dma_wait3A_86] : memref<256x4096xf32, #tpu.memory_space<hbm>> -> memref<4x4096xf32, #tpu.memory_space<hbm>>
      %dma_wait3A_88 = arith.constant 0 : i32
      %dma_wait3A_89 = tpu.memref_slice %arg2[%add3A_4, %dma_wait3A_88] : memref<256x4096xf32, #tpu.memory_space<hbm>> -> memref<4x4096xf32, #tpu.memory_space<hbm>>
      tpu.wait_dma2 semaphore(%run_scoped3A : memref<!tpu.dma_semaphore, #tpu.memory_space<semaphore_mem>>) src(%dma_wait3A_89 : memref<4x4096xf32, #tpu.memory_space<hbm>>) dst(%arg6 : memref<4x4096xf32, #tpu.memory_space<vmem>>)
      tpu.yield
    }) : () -> ()
    "tpu.region"() ({
      %run_scoped3A = tpu.sem_alloc : memref<!tpu.dma_semaphore, #tpu.memory_space<semaphore_mem>>
      %dma_start3A = arith.constant 0 : i32
      %dma_start3A_83 = tpu.memref_slice %arg3[%add3A_4, %dma_start3A] : memref<256x4096xf32, #tpu.memory_space<hbm>> -> memref<4x4096xf32, #tpu.memory_space<hbm>>
      %dma_start3A_84 = arith.constant 0 : i32
      %dma_start3A_85 = tpu.memref_slice %arg3[%add3A_4, %dma_start3A_84] : memref<256x4096xf32, #tpu.memory_space<hbm>> -> memref<4x4096xf32, #tpu.memory_space<hbm>>
      tpu.enqueue_dma source(%dma_start3A_85 : memref<4x4096xf32, #tpu.memory_space<hbm>>) target(%arg7 : memref<4x4096xf32, #tpu.memory_space<vmem>>) target_semaphore(%run_scoped3A : memref<!tpu.dma_semaphore, #tpu.memory_space<semaphore_mem>>)
      %dma_wait3A_86 = arith.constant 0 : i32
      %dma_wait3A_87 = tpu.memref_slice %arg3[%add3A_4, %dma_wait3A_86] : memref<256x4096xf32, #tpu.memory_space<hbm>> -> memref<4x4096xf32, #tpu.memory_space<hbm>>
      %dma_wait3A_88 = arith.constant 0 : i32
      %dma_wait3A_89 = tpu.memref_slice %arg3[%add3A_4, %dma_wait3A_88] : memref<256x4096xf32, #tpu.memory_space<hbm>> -> memref<4x4096xf32, #tpu.memory_space<hbm>>
      tpu.wait_dma2 semaphore(%run_scoped3A : memref<!tpu.dma_semaphore, #tpu.memory_space<semaphore_mem>>) src(%dma_wait3A_89 : memref<4x4096xf32, #tpu.memory_space<hbm>>) dst(%arg7 : memref<4x4096xf32, #tpu.memory_space<vmem>>)
      tpu.yield
    }) : () -> ()
    %scan3A = arith.constant 0 : i32
    %scan3A_5 = arith.constant 0 : i32
    %scan3A_6 = arith.constant 8 : i32
    %scan3A_7 = arith.addi %scan3A_5, %scan3A_6 : i32
    %scan3A_8 = arith.constant 1 : i32
    scf.for %scan3A_83 = %scan3A_5 to %scan3A_7 step %scan3A_8  : i32 {
      %mul3A_84 = arith.constant 2 : i32
      %mul3A_85 = arith.muli %scan3A_83, %mul3A_84 : i32
      %add3A_86 = arith.constant 0 : i32
      %add3A_87 = arith.addi %mul3A_85, %add3A_86 : i32
      %mul3A_88 = arith.constant 256 : i32
      %mul3A_89 = arith.muli %add3A_87, %mul3A_88 : i32
      %add3A_90 = arith.addi %mul3A_89, %add3A_4 : i32
      %gt3A = arith.constant 0 : i32
      %gt3A_91 = arith.cmpi sgt, %scan3A_83, %gt3A : i32
      %convert_element_type3A = arith.extui %gt3A_91 : i1 to i32
      %cond3A = arith.constant 0 : i32
      %cond3A_92 = arith.constant 0 : i32
      %cond3A_93 = arith.constant 0 : i32
      %cond3A_94 = arith.cmpi ne, %convert_element_type3A, %cond3A_93 : i32
      scf.if %cond3A_94 {
        %dma_wait3A_141 = arith.constant 0 : i32
        %dma_wait3A_142 = tpu.memref_slice %arg5[%cond3A, %add3A_90, %dma_wait3A_141] : memref<1x4096x8192xf32, #tpu.memory_space<hbm>> -> memref<1x4x4096xf32, #tpu.memory_space<hbm>>
        %dma_wait3A_143 = tpu.memref_squeeze %dma_wait3A_142 : memref<1x4x4096xf32, #tpu.memory_space<hbm>> -> memref<4x4096xf32, #tpu.memory_space<hbm>>
        %dma_wait3A_144 = arith.constant 0 : i32
        %dma_wait3A_145 = tpu.memref_slice %arg5[%cond3A, %add3A_90, %dma_wait3A_144] : memref<1x4096x8192xf32, #tpu.memory_space<hbm>> -> memref<1x4x4096xf32, #tpu.memory_space<hbm>>
        %dma_wait3A_146 = tpu.memref_squeeze %dma_wait3A_145 : memref<1x4x4096xf32, #tpu.memory_space<hbm>> -> memref<4x4096xf32, #tpu.memory_space<hbm>>
        tpu.wait_dma2 semaphore(%arg11 : memref<!tpu.dma_semaphore, #tpu.memory_space<semaphore_mem>>) src(%arg9 : memref<4x4096xf32, #tpu.memory_space<vmem>>) dst(%dma_wait3A_146 : memref<4x4096xf32, #tpu.memory_space<hbm>>)
        %dma_wait3A_147 = arith.constant 4096 : i32
        %dma_wait3A_148 = tpu.memref_slice %arg5[%cond3A_92, %add3A_90, %dma_wait3A_147] : memref<1x4096x8192xf32, #tpu.memory_space<hbm>> -> memref<1x4x4096xf32, #tpu.memory_space<hbm>>
        %dma_wait3A_149 = tpu.memref_squeeze %dma_wait3A_148 : memref<1x4x4096xf32, #tpu.memory_space<hbm>> -> memref<4x4096xf32, #tpu.memory_space<hbm>>
        %dma_wait3A_150 = arith.constant 4096 : i32
        %dma_wait3A_151 = tpu.memref_slice %arg5[%cond3A_92, %add3A_90, %dma_wait3A_150] : memref<1x4096x8192xf32, #tpu.memory_space<hbm>> -> memref<1x4x4096xf32, #tpu.memory_space<hbm>>
        %dma_wait3A_152 = tpu.memref_squeeze %dma_wait3A_151 : memref<1x4x4096xf32, #tpu.memory_space<hbm>> -> memref<4x4096xf32, #tpu.memory_space<hbm>>
        tpu.wait_dma2 semaphore(%arg11 : memref<!tpu.dma_semaphore, #tpu.memory_space<semaphore_mem>>) src(%arg9 : memref<4x4096xf32, #tpu.memory_space<vmem>>) dst(%dma_wait3A_152 : memref<4x4096xf32, #tpu.memory_space<hbm>>)
      } else {
      }
      "tpu.region"() ({
        %run_scoped3A = tpu.sem_alloc : memref<!tpu.dma_semaphore, #tpu.memory_space<semaphore_mem>>
        %dma_start3A_141 = arith.constant 0 : i32
        %dma_start3A_142 = tpu.memref_slice %arg4[%add3A_87, %dma_start3A_141] : memref<16x4096xi32, #tpu.memory_space<hbm>> -> memref<1x4096xi32, #tpu.memory_space<hbm>>
        %dma_start3A_143 = tpu.memref_squeeze %dma_start3A_142 : memref<1x4096xi32, #tpu.memory_space<hbm>> -> memref<4096xi32, #tpu.memory_space<hbm>>
        %dma_start3A_144 = arith.constant 0 : i32
        %dma_start3A_145 = tpu.memref_slice %arg4[%add3A_87, %dma_start3A_144] : memref<16x4096xi32, #tpu.memory_space<hbm>> -> memref<1x4096xi32, #tpu.memory_space<hbm>>
        %dma_start3A_146 = tpu.memref_squeeze %dma_start3A_145 : memref<1x4096xi32, #tpu.memory_space<hbm>> -> memref<4096xi32, #tpu.memory_space<hbm>>
        tpu.enqueue_dma source(%dma_start3A_146 : memref<4096xi32, #tpu.memory_space<hbm>>) target(%arg8 : memref<4096xi32, #tpu.memory_space<vmem>>) target_semaphore(%run_scoped3A : memref<!tpu.dma_semaphore, #tpu.memory_space<semaphore_mem>>)
        %dma_wait3A_147 = arith.constant 0 : i32
        %dma_wait3A_148 = tpu.memref_slice %arg4[%add3A_87, %dma_wait3A_147] : memref<16x4096xi32, #tpu.memory_space<hbm>> -> memref<1x4096xi32, #tpu.memory_space<hbm>>
        %dma_wait3A_149 = tpu.memref_squeeze %dma_wait3A_148 : memref<1x4096xi32, #tpu.memory_space<hbm>> -> memref<4096xi32, #tpu.memory_space<hbm>>
        %dma_wait3A_150 = arith.constant 0 : i32
        %dma_wait3A_151 = tpu.memref_slice %arg4[%add3A_87, %dma_wait3A_150] : memref<16x4096xi32, #tpu.memory_space<hbm>> -> memref<1x4096xi32, #tpu.memory_space<hbm>>
        %dma_wait3A_152 = tpu.memref_squeeze %dma_wait3A_151 : memref<1x4096xi32, #tpu.memory_space<hbm>> -> memref<4096xi32, #tpu.memory_space<hbm>>
        tpu.wait_dma2 semaphore(%run_scoped3A : memref<!tpu.dma_semaphore, #tpu.memory_space<semaphore_mem>>) src(%dma_wait3A_152 : memref<4096xi32, #tpu.memory_space<hbm>>) dst(%arg8 : memref<4096xi32, #tpu.memory_space<vmem>>)
        tpu.yield
      }) : () -> ()
      %parallel_loop3A = arith.constant 0 : i32
      %parallel_loop3A_95 = arith.constant 256 : i32
      %parallel_loop3A_96 = arith.constant 1 : i32
      scf.for %parallel_loop3A_141 = %parallel_loop3A to %parallel_loop3A_95 step %parallel_loop3A_96  : i32 {
        %parallel_loop3A_142 = arith.constant 16 : i32
        %parallel_loop3A_143 = arith.muli %parallel_loop3A_141, %parallel_loop3A_142 : i32
        %parallel_loop3A_144 = arith.index_cast %parallel_loop3A_143 : i32 to index
        %parallel_loop3A_145 = tpu.vector_load %arg8[%parallel_loop3A_144] {strides = array<i32>} : memref<4096xi32, #tpu.memory_space<vmem>>, vector<16xi32>,
        %parallel_loop3A_146 = arith.constant 0 : i32
        %parallel_loop3A_147 = vector.broadcast %parallel_loop3A_146 : i32 to vector<16xi32>
        %parallel_loop3A_148 = tpu.vector_load_idx %arg6[%parallel_loop3A_147, %parallel_loop3A_145] : memref<4x4096xf32, #tpu.memory_space<vmem>>[vector<16xi32>, vector<16xi32>], vector<16xf32>,
        %parallel_loop3A_149 = arith.constant 0 : i32
        %parallel_loop3A_150 = arith.index_cast %parallel_loop3A_149 : i32 to index
        %parallel_loop3A_151 = arith.index_cast %parallel_loop3A_143 : i32 to index
        %parallel_loop3A_152 = tpu.vector_load %arg7[%parallel_loop3A_150, %parallel_loop3A_151] {strides = array<i32>} : memref<4x4096xf32, #tpu.memory_space<vmem>>, vector<16xf32>,
        %parallel_loop3A_153 = arith.subf %parallel_loop3A_152, %parallel_loop3A_148 : vector<16xf32>
        %parallel_loop3A_154 = math.absf %parallel_loop3A_153 : vector<16xf32>
        %parallel_loop3A_155 = arith.constant 0 : i32
        %parallel_loop3A_156 = arith.index_cast %parallel_loop3A_155 : i32 to index
        %parallel_loop3A_157 = arith.index_cast %parallel_loop3A_143 : i32 to index
        %parallel_loop3A_158 = tpu.vector_load %arg9[%parallel_loop3A_156, %parallel_loop3A_157] {strides = array<i32>} : memref<4x4096xf32, #tpu.memory_space<vmem>>, vector<16xf32>,
        tpu.vector_store %arg9[%parallel_loop3A_156, %parallel_loop3A_157], %parallel_loop3A_154 {strides = array<i32>} : memref<4x4096xf32, #tpu.memory_space<vmem>>, vector<16xf32>,
        %parallel_loop3A_159 = arith.constant 1 : i32
        %parallel_loop3A_160 = vector.broadcast %parallel_loop3A_159 : i32 to vector<16xi32>
        %parallel_loop3A_161 = tpu.vector_load_idx %arg6[%parallel_loop3A_160, %parallel_loop3A_145] : memref<4x4096xf32, #tpu.memory_space<vmem>>[vector<16xi32>, vector<16xi32>], vector<16xf32>,
        %parallel_loop3A_162 = arith.constant 1 : i32
        %parallel_loop3A_163 = arith.index_cast %parallel_loop3A_162 : i32 to index
        %parallel_loop3A_164 = arith.index_cast %parallel_loop3A_143 : i32 to index
        %parallel_loop3A_165 = tpu.vector_load %arg7[%parallel_loop3A_163, %parallel_loop3A_164] {strides = array<i32>} : memref<4x4096xf32, #tpu.memory_space<vmem>>, vector<16xf32>,
        %parallel_loop3A_166 = arith.subf %parallel_loop3A_165, %parallel_loop3A_161 : vector<16xf32>
        %parallel_loop3A_167 = math.absf %parallel_loop3A_166 : vector<16xf32>
        %parallel_loop3A_168 = arith.constant 1 : i32
        %parallel_loop3A_169 = arith.index_cast %parallel_loop3A_168 : i32 to index
        %parallel_loop3A_170 = arith.index_cast %parallel_loop3A_143 : i32 to index
        %parallel_loop3A_171 = tpu.vector_load %arg9[%parallel_loop3A_169, %parallel_loop3A_170] {strides = array<i32>} : memref<4x4096xf32, #tpu.memory_space<vmem>>, vector<16xf32>,
        tpu.vector_store %arg9[%parallel_loop3A_169, %parallel_loop3A_170], %parallel_loop3A_167 {strides = array<i32>} : memref<4x4096xf32, #tpu.memory_space<vmem>>, vector<16xf32>,
        %parallel_loop3A_172 = arith.constant 2 : i32
        %parallel_loop3A_173 = vector.broadcast %parallel_loop3A_172 : i32 to vector<16xi32>
        %parallel_loop3A_174 = tpu.vector_load_idx %arg6[%parallel_loop3A_173, %parallel_loop3A_145] : memref<4x4096xf32, #tpu.memory_space<vmem>>[vector<16xi32>, vector<16xi32>], vector<16xf32>,
        %parallel_loop3A_175 = arith.constant 2 : i32
        %parallel_loop3A_176 = arith.index_cast %parallel_loop3A_175 : i32 to index
        %parallel_loop3A_177 = arith.index_cast %parallel_loop3A_143 : i32 to index
        %parallel_loop3A_178 = tpu.vector_load %arg7[%parallel_loop3A_176, %parallel_loop3A_177] {strides = array<i32>} : memref<4x4096xf32, #tpu.memory_space<vmem>>, vector<16xf32>,
        %parallel_loop3A_179 = arith.subf %parallel_loop3A_178, %parallel_loop3A_174 : vector<16xf32>
        %parallel_loop3A_180 = math.absf %parallel_loop3A_179 : vector<16xf32>
        %parallel_loop3A_181 = arith.constant 2 : i32
        %parallel_loop3A_182 = arith.index_cast %parallel_loop3A_181 : i32 to index
        %parallel_loop3A_183 = arith.index_cast %parallel_loop3A_143 : i32 to index
        %parallel_loop3A_184 = tpu.vector_load %arg9[%parallel_loop3A_182, %parallel_loop3A_183] {strides = array<i32>} : memref<4x4096xf32, #tpu.memory_space<vmem>>, vector<16xf32>,
        tpu.vector_store %arg9[%parallel_loop3A_182, %parallel_loop3A_183], %parallel_loop3A_180 {strides = array<i32>} : memref<4x4096xf32, #tpu.memory_space<vmem>>, vector<16xf32>,
        %parallel_loop3A_185 = arith.constant 3 : i32
        %parallel_loop3A_186 = vector.broadcast %parallel_loop3A_185 : i32 to vector<16xi32>
        %parallel_loop3A_187 = tpu.vector_load_idx %arg6[%parallel_loop3A_186, %parallel_loop3A_145] : memref<4x4096xf32, #tpu.memory_space<vmem>>[vector<16xi32>, vector<16xi32>], vector<16xf32>,
        %parallel_loop3A_188 = arith.constant 3 : i32
        %parallel_loop3A_189 = arith.index_cast %parallel_loop3A_188 : i32 to index
        %parallel_loop3A_190 = arith.index_cast %parallel_loop3A_143 : i32 to index
        %parallel_loop3A_191 = tpu.vector_load %arg7[%parallel_loop3A_189, %parallel_loop3A_190] {strides = array<i32>} : memref<4x4096xf32, #tpu.memory_space<vmem>>, vector<16xf32>,
        %parallel_loop3A_192 = arith.subf %parallel_loop3A_191, %parallel_loop3A_187 : vector<16xf32>
        %parallel_loop3A_193 = math.absf %parallel_loop3A_192 : vector<16xf32>
        %parallel_loop3A_194 = arith.constant 3 : i32
        %parallel_loop3A_195 = arith.index_cast %parallel_loop3A_194 : i32 to index
        %parallel_loop3A_196 = arith.index_cast %parallel_loop3A_143 : i32 to index
        %parallel_loop3A_197 = tpu.vector_load %arg9[%parallel_loop3A_195, %parallel_loop3A_196] {strides = array<i32>} : memref<4x4096xf32, #tpu.memory_space<vmem>>, vector<16xf32>,
        tpu.vector_store %arg9[%parallel_loop3A_195, %parallel_loop3A_196], %parallel_loop3A_193 {strides = array<i32>} : memref<4x4096xf32, #tpu.memory_space<vmem>>, vector<16xf32>,
      } {sc.loop_unroll_factor = 8 : i64, sc.parallel_access}
      %dma_start3A = arith.constant 0 : i32
      %dma_start3A_97 = arith.constant 0 : i32
      %dma_start3A_98 = tpu.memref_slice %arg5[%dma_start3A, %add3A_90, %dma_start3A_97] : memref<1x4096x8192xf32, #tpu.memory_space<hbm>> -> memref<1x4x4096xf32, #tpu.memory_space<hbm>>
      %dma_start3A_99 = tpu.memref_squeeze %dma_start3A_98 : memref<1x4x4096xf32, #tpu.memory_space<hbm>> -> memref<4x4096xf32, #tpu.memory_space<hbm>>
      %dma_start3A_100 = arith.constant 0 : i32
      %dma_start3A_101 = tpu.memref_slice %arg5[%dma_start3A, %add3A_90, %dma_start3A_100] : memref<1x4096x8192xf32, #tpu.memory_space<hbm>> -> memref<1x4x4096xf32, #tpu.memory_space<hbm>>
      %dma_start3A_102 = tpu.memref_squeeze %dma_start3A_101 : memref<1x4x4096xf32, #tpu.memory_space<hbm>> -> memref<4x4096xf32, #tpu.memory_space<hbm>>
      tpu.enqueue_dma source(%arg9 : memref<4x4096xf32, #tpu.memory_space<vmem>>) target(%dma_start3A_102 : memref<4x4096xf32, #tpu.memory_space<hbm>>) target_semaphore(%arg11 : memref<!tpu.dma_semaphore, #tpu.memory_space<semaphore_mem>>)
      %dma_start3A_103 = arith.constant 0 : i32
      %dma_start3A_104 = arith.constant 4096 : i32
      %dma_start3A_105 = tpu.memref_slice %arg5[%dma_start3A_103, %add3A_90, %dma_start3A_104] : memref<1x4096x8192xf32, #tpu.memory_space<hbm>> -> memref<1x4x4096xf32, #tpu.memory_space<hbm>>
      %dma_start3A_106 = tpu.memref_squeeze %dma_start3A_105 : memref<1x4x4096xf32, #tpu.memory_space<hbm>> -> memref<4x4096xf32, #tpu.memory_space<hbm>>
      %dma_start3A_107 = arith.constant 4096 : i32
      %dma_start3A_108 = tpu.memref_slice %arg5[%dma_start3A_103, %add3A_90, %dma_start3A_107] : memref<1x4096x8192xf32, #tpu.memory_space<hbm>> -> memref<1x4x4096xf32, #tpu.memory_space<hbm>>
      %dma_start3A_109 = tpu.memref_squeeze %dma_start3A_108 : memref<1x4x4096xf32, #tpu.memory_space<hbm>> -> memref<4x4096xf32, #tpu.memory_space<hbm>>
      tpu.enqueue_dma source(%arg9 : memref<4x4096xf32, #tpu.memory_space<vmem>>) target(%dma_start3A_109 : memref<4x4096xf32, #tpu.memory_space<hbm>>) target_semaphore(%arg11 : memref<!tpu.dma_semaphore, #tpu.memory_space<semaphore_mem>>)
      %mul3A_110 = arith.constant 2 : i32
      %mul3A_111 = arith.muli %scan3A_83, %mul3A_110 : i32
      %add3A_112 = arith.constant 1 : i32
      %add3A_113 = arith.addi %mul3A_111, %add3A_112 : i32
      %mul3A_114 = arith.constant 256 : i32
      %mul3A_115 = arith.muli %add3A_113, %mul3A_114 : i32
      %add3A_116 = arith.addi %mul3A_115, %add3A_4 : i32
      %gt3A_117 = arith.constant 0 : i32
      %gt3A_118 = arith.cmpi sgt, %scan3A_83, %gt3A_117 : i32
      %convert_element_type3A_119 = arith.extui %gt3A_118 : i1 to i32
      %cond3A_120 = arith.constant 0 : i32
      %cond3A_121 = arith.constant 0 : i32
      %cond3A_122 = arith.constant 0 : i32
      %cond3A_123 = arith.cmpi ne, %convert_element_type3A_119, %cond3A_122 : i32
      scf.if %cond3A_123 {
        %dma_wait3A_141 = arith.constant 0 : i32
        %dma_wait3A_142 = tpu.memref_slice %arg5[%cond3A_120, %add3A_116, %dma_wait3A_141] : memref<1x4096x8192xf32, #tpu.memory_space<hbm>> -> memref<1x4x4096xf32, #tpu.memory_space<hbm>>
        %dma_wait3A_143 = tpu.memref_squeeze %dma_wait3A_142 : memref<1x4x4096xf32, #tpu.memory_space<hbm>> -> memref<4x4096xf32, #tpu.memory_space<hbm>>
        %dma_wait3A_144 = arith.constant 0 : i32
        %dma_wait3A_145 = tpu.memref_slice %arg5[%cond3A_120, %add3A_116, %dma_wait3A_144] : memref<1x4096x8192xf32, #tpu.memory_space<hbm>> -> memref<1x4x4096xf32, #tpu.memory_space<hbm>>
        %dma_wait3A_146 = tpu.memref_squeeze %dma_wait3A_145 : memref<1x4x4096xf32, #tpu.memory_space<hbm>> -> memref<4x4096xf32, #tpu.memory_space<hbm>>
        tpu.wait_dma2 semaphore(%arg12 : memref<!tpu.dma_semaphore, #tpu.memory_space<semaphore_mem>>) src(%arg10 : memref<4x4096xf32, #tpu.memory_space<vmem>>) dst(%dma_wait3A_146 : memref<4x4096xf32, #tpu.memory_space<hbm>>)
        %dma_wait3A_147 = arith.constant 4096 : i32
        %dma_wait3A_148 = tpu.memref_slice %arg5[%cond3A_121, %add3A_116, %dma_wait3A_147] : memref<1x4096x8192xf32, #tpu.memory_space<hbm>> -> memref<1x4x4096xf32, #tpu.memory_space<hbm>>
        %dma_wait3A_149 = tpu.memref_squeeze %dma_wait3A_148 : memref<1x4x4096xf32, #tpu.memory_space<hbm>> -> memref<4x4096xf32, #tpu.memory_space<hbm>>
        %dma_wait3A_150 = arith.constant 4096 : i32
        %dma_wait3A_151 = tpu.memref_slice %arg5[%cond3A_121, %add3A_116, %dma_wait3A_150] : memref<1x4096x8192xf32, #tpu.memory_space<hbm>> -> memref<1x4x4096xf32, #tpu.memory_space<hbm>>
        %dma_wait3A_152 = tpu.memref_squeeze %dma_wait3A_151 : memref<1x4x4096xf32, #tpu.memory_space<hbm>> -> memref<4x4096xf32, #tpu.memory_space<hbm>>
        tpu.wait_dma2 semaphore(%arg12 : memref<!tpu.dma_semaphore, #tpu.memory_space<semaphore_mem>>) src(%arg10 : memref<4x4096xf32, #tpu.memory_space<vmem>>) dst(%dma_wait3A_152 : memref<4x4096xf32, #tpu.memory_space<hbm>>)
      } else {
      }
      "tpu.region"() ({
        %run_scoped3A = tpu.sem_alloc : memref<!tpu.dma_semaphore, #tpu.memory_space<semaphore_mem>>
        %dma_start3A_141 = arith.constant 0 : i32
        %dma_start3A_142 = tpu.memref_slice %arg4[%add3A_113, %dma_start3A_141] : memref<16x4096xi32, #tpu.memory_space<hbm>> -> memref<1x4096xi32, #tpu.memory_space<hbm>>
        %dma_start3A_143 = tpu.memref_squeeze %dma_start3A_142 : memref<1x4096xi32, #tpu.memory_space<hbm>> -> memref<4096xi32, #tpu.memory_space<hbm>>
        %dma_start3A_144 = arith.constant 0 : i32
        %dma_start3A_145 = tpu.memref_slice %arg4[%add3A_113, %dma_start3A_144] : memref<16x4096xi32, #tpu.memory_space<hbm>> -> memref<1x4096xi32, #tpu.memory_space<hbm>>
        %dma_start3A_146 = tpu.memref_squeeze %dma_start3A_145 : memref<1x4096xi32, #tpu.memory_space<hbm>> -> memref<4096xi32, #tpu.memory_space<hbm>>
        tpu.enqueue_dma source(%dma_start3A_146 : memref<4096xi32, #tpu.memory_space<hbm>>) target(%arg8 : memref<4096xi32, #tpu.memory_space<vmem>>) target_semaphore(%run_scoped3A : memref<!tpu.dma_semaphore, #tpu.memory_space<semaphore_mem>>)
        %dma_wait3A_147 = arith.constant 0 : i32
        %dma_wait3A_148 = tpu.memref_slice %arg4[%add3A_113, %dma_wait3A_147] : memref<16x4096xi32, #tpu.memory_space<hbm>> -> memref<1x4096xi32, #tpu.memory_space<hbm>>
        %dma_wait3A_149 = tpu.memref_squeeze %dma_wait3A_148 : memref<1x4096xi32, #tpu.memory_space<hbm>> -> memref<4096xi32, #tpu.memory_space<hbm>>
        %dma_wait3A_150 = arith.constant 0 : i32
        %dma_wait3A_151 = tpu.memref_slice %arg4[%add3A_113, %dma_wait3A_150] : memref<16x4096xi32, #tpu.memory_space<hbm>> -> memref<1x4096xi32, #tpu.memory_space<hbm>>
        %dma_wait3A_152 = tpu.memref_squeeze %dma_wait3A_151 : memref<1x4096xi32, #tpu.memory_space<hbm>> -> memref<4096xi32, #tpu.memory_space<hbm>>
        tpu.wait_dma2 semaphore(%run_scoped3A : memref<!tpu.dma_semaphore, #tpu.memory_space<semaphore_mem>>) src(%dma_wait3A_152 : memref<4096xi32, #tpu.memory_space<hbm>>) dst(%arg8 : memref<4096xi32, #tpu.memory_space<vmem>>)
        tpu.yield
      }) : () -> ()
      %parallel_loop3A_124 = arith.constant 0 : i32
      %parallel_loop3A_125 = arith.constant 256 : i32
      %parallel_loop3A_126 = arith.constant 1 : i32
      scf.for %parallel_loop3A_141 = %parallel_loop3A_124 to %parallel_loop3A_125 step %parallel_loop3A_126  : i32 {
        %parallel_loop3A_142 = arith.constant 16 : i32
        %parallel_loop3A_143 = arith.muli %parallel_loop3A_141, %parallel_loop3A_142 : i32
        %parallel_loop3A_144 = arith.index_cast %parallel_loop3A_143 : i32 to index
        %parallel_loop3A_145 = tpu.vector_load %arg8[%parallel_loop3A_144] {strides = array<i32>} : memref<4096xi32, #tpu.memory_space<vmem>>, vector<16xi32>,
        %parallel_loop3A_146 = arith.constant 0 : i32
        %parallel_loop3A_147 = vector.broadcast %parallel_loop3A_146 : i32 to vector<16xi32>
        %parallel_loop3A_148 = tpu.vector_load_idx %arg6[%parallel_loop3A_147, %parallel_loop3A_145] : memref<4x4096xf32, #tpu.memory_space<vmem>>[vector<16xi32>, vector<16xi32>], vector<16xf32>,
        %parallel_loop3A_149 = arith.constant 0 : i32
        %parallel_loop3A_150 = arith.index_cast %parallel_loop3A_149 : i32 to index
        %parallel_loop3A_151 = arith.index_cast %parallel_loop3A_143 : i32 to index
        %parallel_loop3A_152 = tpu.vector_load %arg7[%parallel_loop3A_150, %parallel_loop3A_151] {strides = array<i32>} : memref<4x4096xf32, #tpu.memory_space<vmem>>, vector<16xf32>,
        %parallel_loop3A_153 = arith.subf %parallel_loop3A_152, %parallel_loop3A_148 : vector<16xf32>
        %parallel_loop3A_154 = math.absf %parallel_loop3A_153 : vector<16xf32>
        %parallel_loop3A_155 = arith.constant 0 : i32
        %parallel_loop3A_156 = arith.index_cast %parallel_loop3A_155 : i32 to index
        %parallel_loop3A_157 = arith.index_cast %parallel_loop3A_143 : i32 to index
        %parallel_loop3A_158 = tpu.vector_load %arg10[%parallel_loop3A_156, %parallel_loop3A_157] {strides = array<i32>} : memref<4x4096xf32, #tpu.memory_space<vmem>>, vector<16xf32>,
        tpu.vector_store %arg10[%parallel_loop3A_156, %parallel_loop3A_157], %parallel_loop3A_154 {strides = array<i32>} : memref<4x4096xf32, #tpu.memory_space<vmem>>, vector<16xf32>,
        %parallel_loop3A_159 = arith.constant 1 : i32
        %parallel_loop3A_160 = vector.broadcast %parallel_loop3A_159 : i32 to vector<16xi32>
        %parallel_loop3A_161 = tpu.vector_load_idx %arg6[%parallel_loop3A_160, %parallel_loop3A_145] : memref<4x4096xf32, #tpu.memory_space<vmem>>[vector<16xi32>, vector<16xi32>], vector<16xf32>,
        %parallel_loop3A_162 = arith.constant 1 : i32
        %parallel_loop3A_163 = arith.index_cast %parallel_loop3A_162 : i32 to index
        %parallel_loop3A_164 = arith.index_cast %parallel_loop3A_143 : i32 to index
        %parallel_loop3A_165 = tpu.vector_load %arg7[%parallel_loop3A_163, %parallel_loop3A_164] {strides = array<i32>} : memref<4x4096xf32, #tpu.memory_space<vmem>>, vector<16xf32>,
        %parallel_loop3A_166 = arith.subf %parallel_loop3A_165, %parallel_loop3A_161 : vector<16xf32>
        %parallel_loop3A_167 = math.absf %parallel_loop3A_166 : vector<16xf32>
        %parallel_loop3A_168 = arith.constant 1 : i32
        %parallel_loop3A_169 = arith.index_cast %parallel_loop3A_168 : i32 to index
        %parallel_loop3A_170 = arith.index_cast %parallel_loop3A_143 : i32 to index
        %parallel_loop3A_171 = tpu.vector_load %arg10[%parallel_loop3A_169, %parallel_loop3A_170] {strides = array<i32>} : memref<4x4096xf32, #tpu.memory_space<vmem>>, vector<16xf32>,
        tpu.vector_store %arg10[%parallel_loop3A_169, %parallel_loop3A_170], %parallel_loop3A_167 {strides = array<i32>} : memref<4x4096xf32, #tpu.memory_space<vmem>>, vector<16xf32>,
        %parallel_loop3A_172 = arith.constant 2 : i32
        %parallel_loop3A_173 = vector.broadcast %parallel_loop3A_172 : i32 to vector<16xi32>
        %parallel_loop3A_174 = tpu.vector_load_idx %arg6[%parallel_loop3A_173, %parallel_loop3A_145] : memref<4x4096xf32, #tpu.memory_space<vmem>>[vector<16xi32>, vector<16xi32>], vector<16xf32>,
        %parallel_loop3A_175 = arith.constant 2 : i32
        %parallel_loop3A_176 = arith.index_cast %parallel_loop3A_175 : i32 to index
        %parallel_loop3A_177 = arith.index_cast %parallel_loop3A_143 : i32 to index
        %parallel_loop3A_178 = tpu.vector_load %arg7[%parallel_loop3A_176, %parallel_loop3A_177] {strides = array<i32>} : memref<4x4096xf32, #tpu.memory_space<vmem>>, vector<16xf32>,
        %parallel_loop3A_179 = arith.subf %parallel_loop3A_178, %parallel_loop3A_174 : vector<16xf32>
        %parallel_loop3A_180 = math.absf %parallel_loop3A_179 : vector<16xf32>
        %parallel_loop3A_181 = arith.constant 2 : i32
        %parallel_loop3A_182 = arith.index_cast %parallel_loop3A_181 : i32 to index
        %parallel_loop3A_183 = arith.index_cast %parallel_loop3A_143 : i32 to index
        %parallel_loop3A_184 = tpu.vector_load %arg10[%parallel_loop3A_182, %parallel_loop3A_183] {strides = array<i32>} : memref<4x4096xf32, #tpu.memory_space<vmem>>, vector<16xf32>,
        tpu.vector_store %arg10[%parallel_loop3A_182, %parallel_loop3A_183], %parallel_loop3A_180 {strides = array<i32>} : memref<4x4096xf32, #tpu.memory_space<vmem>>, vector<16xf32>,
        %parallel_loop3A_185 = arith.constant 3 : i32
        %parallel_loop3A_186 = vector.broadcast %parallel_loop3A_185 : i32 to vector<16xi32>
        %parallel_loop3A_187 = tpu.vector_load_idx %arg6[%parallel_loop3A_186, %parallel_loop3A_145] : memref<4x4096xf32, #tpu.memory_space<vmem>>[vector<16xi32>, vector<16xi32>], vector<16xf32>,
        %parallel_loop3A_188 = arith.constant 3 : i32
        %parallel_loop3A_189 = arith.index_cast %parallel_loop3A_188 : i32 to index
        %parallel_loop3A_190 = arith.index_cast %parallel_loop3A_143 : i32 to index
        %parallel_loop3A_191 = tpu.vector_load %arg7[%parallel_loop3A_189, %parallel_loop3A_190] {strides = array<i32>} : memref<4x4096xf32, #tpu.memory_space<vmem>>, vector<16xf32>,
        %parallel_loop3A_192 = arith.subf %parallel_loop3A_191, %parallel_loop3A_187 : vector<16xf32>
        %parallel_loop3A_193 = math.absf %parallel_loop3A_192 : vector<16xf32>
        %parallel_loop3A_194 = arith.constant 3 : i32
        %parallel_loop3A_195 = arith.index_cast %parallel_loop3A_194 : i32 to index
        %parallel_loop3A_196 = arith.index_cast %parallel_loop3A_143 : i32 to index
        %parallel_loop3A_197 = tpu.vector_load %arg10[%parallel_loop3A_195, %parallel_loop3A_196] {strides = array<i32>} : memref<4x4096xf32, #tpu.memory_space<vmem>>, vector<16xf32>,
        tpu.vector_store %arg10[%parallel_loop3A_195, %parallel_loop3A_196], %parallel_loop3A_193 {strides = array<i32>} : memref<4x4096xf32, #tpu.memory_space<vmem>>, vector<16xf32>,
      } {sc.loop_unroll_factor = 8 : i64, sc.parallel_access}
      %dma_start3A_127 = arith.constant 0 : i32
      %dma_start3A_128 = arith.constant 0 : i32
      %dma_start3A_129 = tpu.memref_slice %arg5[%dma_start3A_127, %add3A_116, %dma_start3A_128] : memref<1x4096x8192xf32, #tpu.memory_space<hbm>> -> memref<1x4x4096xf32, #tpu.memory_space<hbm>>
      %dma_start3A_130 = tpu.memref_squeeze %dma_start3A_129 : memref<1x4x4096xf32, #tpu.memory_space<hbm>> -> memref<4x4096xf32, #tpu.memory_space<hbm>>
      %dma_start3A_131 = arith.constant 0 : i32
      %dma_start3A_132 = tpu.memref_slice %arg5[%dma_start3A_127, %add3A_116, %dma_start3A_131] : memref<1x4096x8192xf32, #tpu.memory_space<hbm>> -> memref<1x4x4096xf32, #tpu.memory_space<hbm>>
      %dma_start3A_133 = tpu.memref_squeeze %dma_start3A_132 : memref<1x4x4096xf32, #tpu.memory_space<hbm>> -> memref<4x4096xf32, #tpu.memory_space<hbm>>
      tpu.enqueue_dma source(%arg10 : memref<4x4096xf32, #tpu.memory_space<vmem>>) target(%dma_start3A_133 : memref<4x4096xf32, #tpu.memory_space<hbm>>) target_semaphore(%arg12 : memref<!tpu.dma_semaphore, #tpu.memory_space<semaphore_mem>>)
      %dma_start3A_134 = arith.constant 0 : i32
      %dma_start3A_135 = arith.constant 4096 : i32
      %dma_start3A_136 = tpu.memref_slice %arg5[%dma_start3A_134, %add3A_116, %dma_start3A_135] : memref<1x4096x8192xf32, #tpu.memory_space<hbm>> -> memref<1x4x4096xf32, #tpu.memory_space<hbm>>
      %dma_start3A_137 = tpu.memref_squeeze %dma_start3A_136 : memref<1x4x4096xf32, #tpu.memory_space<hbm>> -> memref<4x4096xf32, #tpu.memory_space<hbm>>
      %dma_start3A_138 = arith.constant 4096 : i32
      %dma_start3A_139 = tpu.memref_slice %arg5[%dma_start3A_134, %add3A_116, %dma_start3A_138] : memref<1x4096x8192xf32, #tpu.memory_space<hbm>> -> memref<1x4x4096xf32, #tpu.memory_space<hbm>>
      %dma_start3A_140 = tpu.memref_squeeze %dma_start3A_139 : memref<1x4x4096xf32, #tpu.memory_space<hbm>> -> memref<4x4096xf32, #tpu.memory_space<hbm>>
      tpu.enqueue_dma source(%arg10 : memref<4x4096xf32, #tpu.memory_space<vmem>>) target(%dma_start3A_140 : memref<4x4096xf32, #tpu.memory_space<hbm>>) target_semaphore(%arg12 : memref<!tpu.dma_semaphore, #tpu.memory_space<semaphore_mem>>)
    }
    %scan3A_9 = arith.constant 8 : i32
    %add3A_10 = arith.constant 3584 : i32
    %add3A_11 = arith.addi %add3A_10, %add3A_4 : i32
    %dma_wait3A = arith.constant 0 : i32
    %dma_wait3A_12 = arith.constant 0 : i32
    %dma_wait3A_13 = tpu.memref_slice %arg5[%dma_wait3A, %add3A_11, %dma_wait3A_12] : memref<1x4096x8192xf32, #tpu.memory_space<hbm>> -> memref<1x4x4096xf32, #tpu.memory_space<hbm>>
    %dma_wait3A_14 = tpu.memref_squeeze %dma_wait3A_13 : memref<1x4x4096xf32, #tpu.memory_space<hbm>> -> memref<4x4096xf32, #tpu.memory_space<hbm>>
    %dma_wait3A_15 = arith.constant 0 : i32
    %dma_wait3A_16 = tpu.memref_slice %arg5[%dma_wait3A, %add3A_11, %dma_wait3A_15] : memref<1x4096x8192xf32, #tpu.memory_space<hbm>> -> memref<1x4x4096xf32, #tpu.memory_space<hbm>>
    %dma_wait3A_17 = tpu.memref_squeeze %dma_wait3A_16 : memref<1x4x4096xf32, #tpu.memory_space<hbm>> -> memref<4x4096xf32, #tpu.memory_space<hbm>>
    tpu.wait_dma2 semaphore(%arg11 : memref<!tpu.dma_semaphore, #tpu.memory_space<semaphore_mem>>) src(%arg9 : memref<4x4096xf32, #tpu.memory_space<vmem>>) dst(%dma_wait3A_17 : memref<4x4096xf32, #tpu.memory_space<hbm>>)
    %dma_wait3A_18 = arith.constant 0 : i32
    %dma_wait3A_19 = arith.constant 4096 : i32
    %dma_wait3A_20 = tpu.memref_slice %arg5[%dma_wait3A_18, %add3A_11, %dma_wait3A_19] : memref<1x4096x8192xf32, #tpu.memory_space<hbm>> -> memref<1x4x4096xf32, #tpu.memory_space<hbm>>
    %dma_wait3A_21 = tpu.memref_squeeze %dma_wait3A_20 : memref<1x4x4096xf32, #tpu.memory_space<hbm>> -> memref<4x4096xf32, #tpu.memory_space<hbm>>
    %dma_wait3A_22 = arith.constant 4096 : i32
    %dma_wait3A_23 = tpu.memref_slice %arg5[%dma_wait3A_18, %add3A_11, %dma_wait3A_22] : memref<1x4096x8192xf32, #tpu.memory_space<hbm>> -> memref<1x4x4096xf32, #tpu.memory_space<hbm>>
    %dma_wait3A_24 = tpu.memref_squeeze %dma_wait3A_23 : memref<1x4x4096xf32, #tpu.memory_space<hbm>> -> memref<4x4096xf32, #tpu.memory_space<hbm>>
    tpu.wait_dma2 semaphore(%arg11 : memref<!tpu.dma_semaphore, #tpu.memory_space<semaphore_mem>>) src(%arg9 : memref<4x4096xf32, #tpu.memory_space<vmem>>) dst(%dma_wait3A_24 : memref<4x4096xf32, #tpu.memory_space<hbm>>)
    %add3A_25 = arith.constant 3840 : i32
    %add3A_26 = arith.addi %add3A_25, %add3A_4 : i32
    %dma_wait3A_27 = arith.constant 0 : i32
    %dma_wait3A_28 = arith.constant 0 : i32
    %dma_wait3A_29 = tpu.memref_slice %arg5[%dma_wait3A_27, %add3A_26, %dma_wait3A_28] : memref<1x4096x8192xf32, #tpu.memory_space<hbm>> -> memref<1x4x4096xf32, #tpu.memory_space<hbm>>
    %dma_wait3A_30 = tpu.memref_squeeze %dma_wait3A_29 : memref<1x4x4096xf32, #tpu.memory_space<hbm>> -> memref<4x4096xf32, #tpu.memory_space<hbm>>
    %dma_wait3A_31 = arith.constant 0 : i32
    %dma_wait3A_32 = tpu.memref_slice %arg5[%dma_wait3A_27, %add3A_26, %dma_wait3A_31] : memref<1x4096x8192xf32, #tpu.memory_space<hbm>> -> memref<1x4x4096xf32, #tpu.memory_space<hbm>>
    %dma_wait3A_33 = tpu.memref_squeeze %dma_wait3A_32 : memref<1x4x4096xf32, #tpu.memory_space<hbm>> -> memref<4x4096xf32, #tpu.memory_space<hbm>>
    tpu.wait_dma2 semaphore(%arg12 : memref<!tpu.dma_semaphore, #tpu.memory_space<semaphore_mem>>) src(%arg10 : memref<4x4096xf32, #tpu.memory_space<vmem>>) dst(%dma_wait3A_33 : memref<4x4096xf32, #tpu.memory_space<hbm>>)
    %dma_wait3A_34 = arith.constant 0 : i32
    %dma_wait3A_35 = arith.constant 4096 : i32
    %dma_wait3A_36 = tpu.memref_slice %arg5[%dma_wait3A_34, %add3A_26, %dma_wait3A_35] : memref<1x4096x8192xf32, #tpu.memory_space<hbm>> -> memref<1x4x4096xf32, #tpu.memory_space<hbm>>
    %dma_wait3A_37 = tpu.memref_squeeze %dma_wait3A_36 : memref<1x4x4096xf32, #tpu.memory_space<hbm>> -> memref<4x4096xf32, #tpu.memory_space<hbm>>
    %dma_wait3A_38 = arith.constant 4096 : i32
    %dma_wait3A_39 = tpu.memref_slice %arg5[%dma_wait3A_34, %add3A_26, %dma_wait3A_38] : memref<1x4096x8192xf32, #tpu.memory_space<hbm>> -> memref<1x4x4096xf32, #tpu.memory_space<hbm>>
    %dma_wait3A_40 = tpu.memref_squeeze %dma_wait3A_39 : memref<1x4x4096xf32, #tpu.memory_space<hbm>> -> memref<4x4096xf32, #tpu.memory_space<hbm>>
    tpu.wait_dma2 semaphore(%arg12 : memref<!tpu.dma_semaphore, #tpu.memory_space<semaphore_mem>>) src(%arg10 : memref<4x4096xf32, #tpu.memory_space<vmem>>) dst(%dma_wait3A_40 : memref<4x4096xf32, #tpu.memory_space<hbm>>)
    %mul3A_41 = arith.constant 8 : i32
    %mul3A_42 = arith.muli %add3A, %mul3A_41 : i32
    %add3A_43 = arith.constant 4 : i32
    %add3A_44 = arith.addi %mul3A_42, %add3A_43 : i32
    "tpu.region"() ({
      %run_scoped3A = tpu.sem_alloc : memref<!tpu.dma_semaphore, #tpu.memory_space<semaphore_mem>>
      %dma_start3A = arith.constant 0 : i32
      %dma_start3A_83 = tpu.memref_slice %arg2[%add3A_44, %dma_start3A] : memref<256x4096xf32, #tpu.memory_space<hbm>> -> memref<4x4096xf32, #tpu.memory_space<hbm>>
      %dma_start3A_84 = arith.constant 0 : i32
      %dma_start3A_85 = tpu.memref_slice %arg2[%add3A_44, %dma_start3A_84] : memref<256x4096xf32, #tpu.memory_space<hbm>> -> memref<4x4096xf32, #tpu.memory_space<hbm>>
      tpu.enqueue_dma source(%dma_start3A_85 : memref<4x4096xf32, #tpu.memory_space<hbm>>) target(%arg6 : memref<4x4096xf32, #tpu.memory_space<vmem>>) target_semaphore(%run_scoped3A : memref<!tpu.dma_semaphore, #tpu.memory_space<semaphore_mem>>)
      %dma_wait3A_86 = arith.constant 0 : i32
      %dma_wait3A_87 = tpu.memref_slice %arg2[%add3A_44, %dma_wait3A_86] : memref<256x4096xf32, #tpu.memory_space<hbm>> -> memref<4x4096xf32, #tpu.memory_space<hbm>>
      %dma_wait3A_88 = arith.constant 0 : i32
      %dma_wait3A_89 = tpu.memref_slice %arg2[%add3A_44, %dma_wait3A_88] : memref<256x4096xf32, #tpu.memory_space<hbm>> -> memref<4x4096xf32, #tpu.memory_space<hbm>>
      tpu.wait_dma2 semaphore(%run_scoped3A : memref<!tpu.dma_semaphore, #tpu.memory_space<semaphore_mem>>) src(%dma_wait3A_89 : memref<4x4096xf32, #tpu.memory_space<hbm>>) dst(%arg6 : memref<4x4096xf32, #tpu.memory_space<vmem>>)
      tpu.yield
    }) : () -> ()
    "tpu.region"() ({
      %run_scoped3A = tpu.sem_alloc : memref<!tpu.dma_semaphore, #tpu.memory_space<semaphore_mem>>
      %dma_start3A = arith.constant 0 : i32
      %dma_start3A_83 = tpu.memref_slice %arg3[%add3A_44, %dma_start3A] : memref<256x4096xf32, #tpu.memory_space<hbm>> -> memref<4x4096xf32, #tpu.memory_space<hbm>>
      %dma_start3A_84 = arith.constant 0 : i32
      %dma_start3A_85 = tpu.memref_slice %arg3[%add3A_44, %dma_start3A_84] : memref<256x4096xf32, #tpu.memory_space<hbm>> -> memref<4x4096xf32, #tpu.memory_space<hbm>>
      tpu.enqueue_dma source(%dma_start3A_85 : memref<4x4096xf32, #tpu.memory_space<hbm>>) target(%arg7 : memref<4x4096xf32, #tpu.memory_space<vmem>>) target_semaphore(%run_scoped3A : memref<!tpu.dma_semaphore, #tpu.memory_space<semaphore_mem>>)
      %dma_wait3A_86 = arith.constant 0 : i32
      %dma_wait3A_87 = tpu.memref_slice %arg3[%add3A_44, %dma_wait3A_86] : memref<256x4096xf32, #tpu.memory_space<hbm>> -> memref<4x4096xf32, #tpu.memory_space<hbm>>
      %dma_wait3A_88 = arith.constant 0 : i32
      %dma_wait3A_89 = tpu.memref_slice %arg3[%add3A_44, %dma_wait3A_88] : memref<256x4096xf32, #tpu.memory_space<hbm>> -> memref<4x4096xf32, #tpu.memory_space<hbm>>
      tpu.wait_dma2 semaphore(%run_scoped3A : memref<!tpu.dma_semaphore, #tpu.memory_space<semaphore_mem>>) src(%dma_wait3A_89 : memref<4x4096xf32, #tpu.memory_space<hbm>>) dst(%arg7 : memref<4x4096xf32, #tpu.memory_space<vmem>>)
      tpu.yield
    }) : () -> ()
    %scan3A_45 = arith.constant 0 : i32
    %scan3A_46 = arith.constant 0 : i32
    %scan3A_47 = arith.constant 8 : i32
    %scan3A_48 = arith.addi %scan3A_46, %scan3A_47 : i32
    %scan3A_49 = arith.constant 1 : i32
    scf.for %scan3A_83 = %scan3A_46 to %scan3A_48 step %scan3A_49  : i32 {
      %mul3A_84 = arith.constant 2 : i32
      %mul3A_85 = arith.muli %scan3A_83, %mul3A_84 : i32
      %add3A_86 = arith.constant 0 : i32
      %add3A_87 = arith.addi %mul3A_85, %add3A_86 : i32
      %mul3A_88 = arith.constant 256 : i32
      %mul3A_89 = arith.muli %add3A_87, %mul3A_88 : i32
      %add3A_90 = arith.addi %mul3A_89, %add3A_44 : i32
      %gt3A = arith.constant 0 : i32
      %gt3A_91 = arith.cmpi sgt, %scan3A_83, %gt3A : i32
      %convert_element_type3A = arith.extui %gt3A_91 : i1 to i32
      %cond3A = arith.constant 0 : i32
      %cond3A_92 = arith.constant 0 : i32
      %cond3A_93 = arith.constant 0 : i32
      %cond3A_94 = arith.cmpi ne, %convert_element_type3A, %cond3A_93 : i32
      scf.if %cond3A_94 {
        %dma_wait3A_141 = arith.constant 0 : i32
        %dma_wait3A_142 = tpu.memref_slice %arg5[%cond3A, %add3A_90, %dma_wait3A_141] : memref<1x4096x8192xf32, #tpu.memory_space<hbm>> -> memref<1x4x4096xf32, #tpu.memory_space<hbm>>
        %dma_wait3A_143 = tpu.memref_squeeze %dma_wait3A_142 : memref<1x4x4096xf32, #tpu.memory_space<hbm>> -> memref<4x4096xf32, #tpu.memory_space<hbm>>
        %dma_wait3A_144 = arith.constant 0 : i32
        %dma_wait3A_145 = tpu.memref_slice %arg5[%cond3A, %add3A_90, %dma_wait3A_144] : memref<1x4096x8192xf32, #tpu.memory_space<hbm>> -> memref<1x4x4096xf32, #tpu.memory_space<hbm>>
        %dma_wait3A_146 = tpu.memref_squeeze %dma_wait3A_145 : memref<1x4x4096xf32, #tpu.memory_space<hbm>> -> memref<4x4096xf32, #tpu.memory_space<hbm>>
        tpu.wait_dma2 semaphore(%arg11 : memref<!tpu.dma_semaphore, #tpu.memory_space<semaphore_mem>>) src(%arg9 : memref<4x4096xf32, #tpu.memory_space<vmem>>) dst(%dma_wait3A_146 : memref<4x4096xf32, #tpu.memory_space<hbm>>)
        %dma_wait3A_147 = arith.constant 4096 : i32
        %dma_wait3A_148 = tpu.memref_slice %arg5[%cond3A_92, %add3A_90, %dma_wait3A_147] : memref<1x4096x8192xf32, #tpu.memory_space<hbm>> -> memref<1x4x4096xf32, #tpu.memory_space<hbm>>
        %dma_wait3A_149 = tpu.memref_squeeze %dma_wait3A_148 : memref<1x4x4096xf32, #tpu.memory_space<hbm>> -> memref<4x4096xf32, #tpu.memory_space<hbm>>
        %dma_wait3A_150 = arith.constant 4096 : i32
        %dma_wait3A_151 = tpu.memref_slice %arg5[%cond3A_92, %add3A_90, %dma_wait3A_150] : memref<1x4096x8192xf32, #tpu.memory_space<hbm>> -> memref<1x4x4096xf32, #tpu.memory_space<hbm>>
        %dma_wait3A_152 = tpu.memref_squeeze %dma_wait3A_151 : memref<1x4x4096xf32, #tpu.memory_space<hbm>> -> memref<4x4096xf32, #tpu.memory_space<hbm>>
        tpu.wait_dma2 semaphore(%arg11 : memref<!tpu.dma_semaphore, #tpu.memory_space<semaphore_mem>>) src(%arg9 : memref<4x4096xf32, #tpu.memory_space<vmem>>) dst(%dma_wait3A_152 : memref<4x4096xf32, #tpu.memory_space<hbm>>)
      } else {
      }
      "tpu.region"() ({
        %run_scoped3A = tpu.sem_alloc : memref<!tpu.dma_semaphore, #tpu.memory_space<semaphore_mem>>
        %dma_start3A_141 = arith.constant 0 : i32
        %dma_start3A_142 = tpu.memref_slice %arg4[%add3A_87, %dma_start3A_141] : memref<16x4096xi32, #tpu.memory_space<hbm>> -> memref<1x4096xi32, #tpu.memory_space<hbm>>
        %dma_start3A_143 = tpu.memref_squeeze %dma_start3A_142 : memref<1x4096xi32, #tpu.memory_space<hbm>> -> memref<4096xi32, #tpu.memory_space<hbm>>
        %dma_start3A_144 = arith.constant 0 : i32
        %dma_start3A_145 = tpu.memref_slice %arg4[%add3A_87, %dma_start3A_144] : memref<16x4096xi32, #tpu.memory_space<hbm>> -> memref<1x4096xi32, #tpu.memory_space<hbm>>
        %dma_start3A_146 = tpu.memref_squeeze %dma_start3A_145 : memref<1x4096xi32, #tpu.memory_space<hbm>> -> memref<4096xi32, #tpu.memory_space<hbm>>
        tpu.enqueue_dma source(%dma_start3A_146 : memref<4096xi32, #tpu.memory_space<hbm>>) target(%arg8 : memref<4096xi32, #tpu.memory_space<vmem>>) target_semaphore(%run_scoped3A : memref<!tpu.dma_semaphore, #tpu.memory_space<semaphore_mem>>)
        %dma_wait3A_147 = arith.constant 0 : i32
        %dma_wait3A_148 = tpu.memref_slice %arg4[%add3A_87, %dma_wait3A_147] : memref<16x4096xi32, #tpu.memory_space<hbm>> -> memref<1x4096xi32, #tpu.memory_space<hbm>>
        %dma_wait3A_149 = tpu.memref_squeeze %dma_wait3A_148 : memref<1x4096xi32, #tpu.memory_space<hbm>> -> memref<4096xi32, #tpu.memory_space<hbm>>
        %dma_wait3A_150 = arith.constant 0 : i32
        %dma_wait3A_151 = tpu.memref_slice %arg4[%add3A_87, %dma_wait3A_150] : memref<16x4096xi32, #tpu.memory_space<hbm>> -> memref<1x4096xi32, #tpu.memory_space<hbm>>
        %dma_wait3A_152 = tpu.memref_squeeze %dma_wait3A_151 : memref<1x4096xi32, #tpu.memory_space<hbm>> -> memref<4096xi32, #tpu.memory_space<hbm>>
        tpu.wait_dma2 semaphore(%run_scoped3A : memref<!tpu.dma_semaphore, #tpu.memory_space<semaphore_mem>>) src(%dma_wait3A_152 : memref<4096xi32, #tpu.memory_space<hbm>>) dst(%arg8 : memref<4096xi32, #tpu.memory_space<vmem>>)
        tpu.yield
      }) : () -> ()
      %parallel_loop3A = arith.constant 0 : i32
      %parallel_loop3A_95 = arith.constant 256 : i32
      %parallel_loop3A_96 = arith.constant 1 : i32
      scf.for %parallel_loop3A_141 = %parallel_loop3A to %parallel_loop3A_95 step %parallel_loop3A_96  : i32 {
        %parallel_loop3A_142 = arith.constant 16 : i32
        %parallel_loop3A_143 = arith.muli %parallel_loop3A_141, %parallel_loop3A_142 : i32
        %parallel_loop3A_144 = arith.index_cast %parallel_loop3A_143 : i32 to index
        %parallel_loop3A_145 = tpu.vector_load %arg8[%parallel_loop3A_144] {strides = array<i32>} : memref<4096xi32, #tpu.memory_space<vmem>>, vector<16xi32>,
        %parallel_loop3A_146 = arith.constant 0 : i32
        %parallel_loop3A_147 = vector.broadcast %parallel_loop3A_146 : i32 to vector<16xi32>
        %parallel_loop3A_148 = tpu.vector_load_idx %arg6[%parallel_loop3A_147, %parallel_loop3A_145] : memref<4x4096xf32, #tpu.memory_space<vmem>>[vector<16xi32>, vector<16xi32>], vector<16xf32>,
        %parallel_loop3A_149 = arith.constant 0 : i32
        %parallel_loop3A_150 = arith.index_cast %parallel_loop3A_149 : i32 to index
        %parallel_loop3A_151 = arith.index_cast %parallel_loop3A_143 : i32 to index
        %parallel_loop3A_152 = tpu.vector_load %arg7[%parallel_loop3A_150, %parallel_loop3A_151] {strides = array<i32>} : memref<4x4096xf32, #tpu.memory_space<vmem>>, vector<16xf32>,
        %parallel_loop3A_153 = arith.subf %parallel_loop3A_152, %parallel_loop3A_148 : vector<16xf32>
        %parallel_loop3A_154 = math.absf %parallel_loop3A_153 : vector<16xf32>
        %parallel_loop3A_155 = arith.constant 0 : i32
        %parallel_loop3A_156 = arith.index_cast %parallel_loop3A_155 : i32 to index
        %parallel_loop3A_157 = arith.index_cast %parallel_loop3A_143 : i32 to index
        %parallel_loop3A_158 = tpu.vector_load %arg9[%parallel_loop3A_156, %parallel_loop3A_157] {strides = array<i32>} : memref<4x4096xf32, #tpu.memory_space<vmem>>, vector<16xf32>,
        tpu.vector_store %arg9[%parallel_loop3A_156, %parallel_loop3A_157], %parallel_loop3A_154 {strides = array<i32>} : memref<4x4096xf32, #tpu.memory_space<vmem>>, vector<16xf32>,
        %parallel_loop3A_159 = arith.constant 1 : i32
        %parallel_loop3A_160 = vector.broadcast %parallel_loop3A_159 : i32 to vector<16xi32>
        %parallel_loop3A_161 = tpu.vector_load_idx %arg6[%parallel_loop3A_160, %parallel_loop3A_145] : memref<4x4096xf32, #tpu.memory_space<vmem>>[vector<16xi32>, vector<16xi32>], vector<16xf32>,
        %parallel_loop3A_162 = arith.constant 1 : i32
        %parallel_loop3A_163 = arith.index_cast %parallel_loop3A_162 : i32 to index
        %parallel_loop3A_164 = arith.index_cast %parallel_loop3A_143 : i32 to index
        %parallel_loop3A_165 = tpu.vector_load %arg7[%parallel_loop3A_163, %parallel_loop3A_164] {strides = array<i32>} : memref<4x4096xf32, #tpu.memory_space<vmem>>, vector<16xf32>,
        %parallel_loop3A_166 = arith.subf %parallel_loop3A_165, %parallel_loop3A_161 : vector<16xf32>
        %parallel_loop3A_167 = math.absf %parallel_loop3A_166 : vector<16xf32>
        %parallel_loop3A_168 = arith.constant 1 : i32
        %parallel_loop3A_169 = arith.index_cast %parallel_loop3A_168 : i32 to index
        %parallel_loop3A_170 = arith.index_cast %parallel_loop3A_143 : i32 to index
        %parallel_loop3A_171 = tpu.vector_load %arg9[%parallel_loop3A_169, %parallel_loop3A_170] {strides = array<i32>} : memref<4x4096xf32, #tpu.memory_space<vmem>>, vector<16xf32>,
        tpu.vector_store %arg9[%parallel_loop3A_169, %parallel_loop3A_170], %parallel_loop3A_167 {strides = array<i32>} : memref<4x4096xf32, #tpu.memory_space<vmem>>, vector<16xf32>,
        %parallel_loop3A_172 = arith.constant 2 : i32
        %parallel_loop3A_173 = vector.broadcast %parallel_loop3A_172 : i32 to vector<16xi32>
        %parallel_loop3A_174 = tpu.vector_load_idx %arg6[%parallel_loop3A_173, %parallel_loop3A_145] : memref<4x4096xf32, #tpu.memory_space<vmem>>[vector<16xi32>, vector<16xi32>], vector<16xf32>,
        %parallel_loop3A_175 = arith.constant 2 : i32
        %parallel_loop3A_176 = arith.index_cast %parallel_loop3A_175 : i32 to index
        %parallel_loop3A_177 = arith.index_cast %parallel_loop3A_143 : i32 to index
        %parallel_loop3A_178 = tpu.vector_load %arg7[%parallel_loop3A_176, %parallel_loop3A_177] {strides = array<i32>} : memref<4x4096xf32, #tpu.memory_space<vmem>>, vector<16xf32>,
        %parallel_loop3A_179 = arith.subf %parallel_loop3A_178, %parallel_loop3A_174 : vector<16xf32>
        %parallel_loop3A_180 = math.absf %parallel_loop3A_179 : vector<16xf32>
        %parallel_loop3A_181 = arith.constant 2 : i32
        %parallel_loop3A_182 = arith.index_cast %parallel_loop3A_181 : i32 to index
        %parallel_loop3A_183 = arith.index_cast %parallel_loop3A_143 : i32 to index
        %parallel_loop3A_184 = tpu.vector_load %arg9[%parallel_loop3A_182, %parallel_loop3A_183] {strides = array<i32>} : memref<4x4096xf32, #tpu.memory_space<vmem>>, vector<16xf32>,
        tpu.vector_store %arg9[%parallel_loop3A_182, %parallel_loop3A_183], %parallel_loop3A_180 {strides = array<i32>} : memref<4x4096xf32, #tpu.memory_space<vmem>>, vector<16xf32>,
        %parallel_loop3A_185 = arith.constant 3 : i32
        %parallel_loop3A_186 = vector.broadcast %parallel_loop3A_185 : i32 to vector<16xi32>
        %parallel_loop3A_187 = tpu.vector_load_idx %arg6[%parallel_loop3A_186, %parallel_loop3A_145] : memref<4x4096xf32, #tpu.memory_space<vmem>>[vector<16xi32>, vector<16xi32>], vector<16xf32>,
        %parallel_loop3A_188 = arith.constant 3 : i32
        %parallel_loop3A_189 = arith.index_cast %parallel_loop3A_188 : i32 to index
        %parallel_loop3A_190 = arith.index_cast %parallel_loop3A_143 : i32 to index
        %parallel_loop3A_191 = tpu.vector_load %arg7[%parallel_loop3A_189, %parallel_loop3A_190] {strides = array<i32>} : memref<4x4096xf32, #tpu.memory_space<vmem>>, vector<16xf32>,
        %parallel_loop3A_192 = arith.subf %parallel_loop3A_191, %parallel_loop3A_187 : vector<16xf32>
        %parallel_loop3A_193 = math.absf %parallel_loop3A_192 : vector<16xf32>
        %parallel_loop3A_194 = arith.constant 3 : i32
        %parallel_loop3A_195 = arith.index_cast %parallel_loop3A_194 : i32 to index
        %parallel_loop3A_196 = arith.index_cast %parallel_loop3A_143 : i32 to index
        %parallel_loop3A_197 = tpu.vector_load %arg9[%parallel_loop3A_195, %parallel_loop3A_196] {strides = array<i32>} : memref<4x4096xf32, #tpu.memory_space<vmem>>, vector<16xf32>,
        tpu.vector_store %arg9[%parallel_loop3A_195, %parallel_loop3A_196], %parallel_loop3A_193 {strides = array<i32>} : memref<4x4096xf32, #tpu.memory_space<vmem>>, vector<16xf32>,
      } {sc.loop_unroll_factor = 8 : i64, sc.parallel_access}
      %dma_start3A = arith.constant 0 : i32
      %dma_start3A_97 = arith.constant 0 : i32
      %dma_start3A_98 = tpu.memref_slice %arg5[%dma_start3A, %add3A_90, %dma_start3A_97] : memref<1x4096x8192xf32, #tpu.memory_space<hbm>> -> memref<1x4x4096xf32, #tpu.memory_space<hbm>>
      %dma_start3A_99 = tpu.memref_squeeze %dma_start3A_98 : memref<1x4x4096xf32, #tpu.memory_space<hbm>> -> memref<4x4096xf32, #tpu.memory_space<hbm>>
      %dma_start3A_100 = arith.constant 0 : i32
      %dma_start3A_101 = tpu.memref_slice %arg5[%dma_start3A, %add3A_90, %dma_start3A_100] : memref<1x4096x8192xf32, #tpu.memory_space<hbm>> -> memref<1x4x4096xf32, #tpu.memory_space<hbm>>
      %dma_start3A_102 = tpu.memref_squeeze %dma_start3A_101 : memref<1x4x4096xf32, #tpu.memory_space<hbm>> -> memref<4x4096xf32, #tpu.memory_space<hbm>>
      tpu.enqueue_dma source(%arg9 : memref<4x4096xf32, #tpu.memory_space<vmem>>) target(%dma_start3A_102 : memref<4x4096xf32, #tpu.memory_space<hbm>>) target_semaphore(%arg11 : memref<!tpu.dma_semaphore, #tpu.memory_space<semaphore_mem>>)
      %dma_start3A_103 = arith.constant 0 : i32
      %dma_start3A_104 = arith.constant 4096 : i32
      %dma_start3A_105 = tpu.memref_slice %arg5[%dma_start3A_103, %add3A_90, %dma_start3A_104] : memref<1x4096x8192xf32, #tpu.memory_space<hbm>> -> memref<1x4x4096xf32, #tpu.memory_space<hbm>>
      %dma_start3A_106 = tpu.memref_squeeze %dma_start3A_105 : memref<1x4x4096xf32, #tpu.memory_space<hbm>> -> memref<4x4096xf32, #tpu.memory_space<hbm>>
      %dma_start3A_107 = arith.constant 4096 : i32
      %dma_start3A_108 = tpu.memref_slice %arg5[%dma_start3A_103, %add3A_90, %dma_start3A_107] : memref<1x4096x8192xf32, #tpu.memory_space<hbm>> -> memref<1x4x4096xf32, #tpu.memory_space<hbm>>
      %dma_start3A_109 = tpu.memref_squeeze %dma_start3A_108 : memref<1x4x4096xf32, #tpu.memory_space<hbm>> -> memref<4x4096xf32, #tpu.memory_space<hbm>>
      tpu.enqueue_dma source(%arg9 : memref<4x4096xf32, #tpu.memory_space<vmem>>) target(%dma_start3A_109 : memref<4x4096xf32, #tpu.memory_space<hbm>>) target_semaphore(%arg11 : memref<!tpu.dma_semaphore, #tpu.memory_space<semaphore_mem>>)
      %mul3A_110 = arith.constant 2 : i32
      %mul3A_111 = arith.muli %scan3A_83, %mul3A_110 : i32
      %add3A_112 = arith.constant 1 : i32
      %add3A_113 = arith.addi %mul3A_111, %add3A_112 : i32
      %mul3A_114 = arith.constant 256 : i32
      %mul3A_115 = arith.muli %add3A_113, %mul3A_114 : i32
      %add3A_116 = arith.addi %mul3A_115, %add3A_44 : i32
      %gt3A_117 = arith.constant 0 : i32
      %gt3A_118 = arith.cmpi sgt, %scan3A_83, %gt3A_117 : i32
      %convert_element_type3A_119 = arith.extui %gt3A_118 : i1 to i32
      %cond3A_120 = arith.constant 0 : i32
      %cond3A_121 = arith.constant 0 : i32
      %cond3A_122 = arith.constant 0 : i32
      %cond3A_123 = arith.cmpi ne, %convert_element_type3A_119, %cond3A_122 : i32
      scf.if %cond3A_123 {
        %dma_wait3A_141 = arith.constant 0 : i32
        %dma_wait3A_142 = tpu.memref_slice %arg5[%cond3A_120, %add3A_116, %dma_wait3A_141] : memref<1x4096x8192xf32, #tpu.memory_space<hbm>> -> memref<1x4x4096xf32, #tpu.memory_space<hbm>>
        %dma_wait3A_143 = tpu.memref_squeeze %dma_wait3A_142 : memref<1x4x4096xf32, #tpu.memory_space<hbm>> -> memref<4x4096xf32, #tpu.memory_space<hbm>>
        %dma_wait3A_144 = arith.constant 0 : i32
        %dma_wait3A_145 = tpu.memref_slice %arg5[%cond3A_120, %add3A_116, %dma_wait3A_144] : memref<1x4096x8192xf32, #tpu.memory_space<hbm>> -> memref<1x4x4096xf32, #tpu.memory_space<hbm>>
        %dma_wait3A_146 = tpu.memref_squeeze %dma_wait3A_145 : memref<1x4x4096xf32, #tpu.memory_space<hbm>> -> memref<4x4096xf32, #tpu.memory_space<hbm>>
        tpu.wait_dma2 semaphore(%arg12 : memref<!tpu.dma_semaphore, #tpu.memory_space<semaphore_mem>>) src(%arg10 : memref<4x4096xf32, #tpu.memory_space<vmem>>) dst(%dma_wait3A_146 : memref<4x4096xf32, #tpu.memory_space<hbm>>)
        %dma_wait3A_147 = arith.constant 4096 : i32
        %dma_wait3A_148 = tpu.memref_slice %arg5[%cond3A_121, %add3A_116, %dma_wait3A_147] : memref<1x4096x8192xf32, #tpu.memory_space<hbm>> -> memref<1x4x4096xf32, #tpu.memory_space<hbm>>
        %dma_wait3A_149 = tpu.memref_squeeze %dma_wait3A_148 : memref<1x4x4096xf32, #tpu.memory_space<hbm>> -> memref<4x4096xf32, #tpu.memory_space<hbm>>
        %dma_wait3A_150 = arith.constant 4096 : i32
        %dma_wait3A_151 = tpu.memref_slice %arg5[%cond3A_121, %add3A_116, %dma_wait3A_150] : memref<1x4096x8192xf32, #tpu.memory_space<hbm>> -> memref<1x4x4096xf32, #tpu.memory_space<hbm>>
        %dma_wait3A_152 = tpu.memref_squeeze %dma_wait3A_151 : memref<1x4x4096xf32, #tpu.memory_space<hbm>> -> memref<4x4096xf32, #tpu.memory_space<hbm>>
        tpu.wait_dma2 semaphore(%arg12 : memref<!tpu.dma_semaphore, #tpu.memory_space<semaphore_mem>>) src(%arg10 : memref<4x4096xf32, #tpu.memory_space<vmem>>) dst(%dma_wait3A_152 : memref<4x4096xf32, #tpu.memory_space<hbm>>)
      } else {
      }
      "tpu.region"() ({
        %run_scoped3A = tpu.sem_alloc : memref<!tpu.dma_semaphore, #tpu.memory_space<semaphore_mem>>
        %dma_start3A_141 = arith.constant 0 : i32
        %dma_start3A_142 = tpu.memref_slice %arg4[%add3A_113, %dma_start3A_141] : memref<16x4096xi32, #tpu.memory_space<hbm>> -> memref<1x4096xi32, #tpu.memory_space<hbm>>
        %dma_start3A_143 = tpu.memref_squeeze %dma_start3A_142 : memref<1x4096xi32, #tpu.memory_space<hbm>> -> memref<4096xi32, #tpu.memory_space<hbm>>
        %dma_start3A_144 = arith.constant 0 : i32
        %dma_start3A_145 = tpu.memref_slice %arg4[%add3A_113, %dma_start3A_144] : memref<16x4096xi32, #tpu.memory_space<hbm>> -> memref<1x4096xi32, #tpu.memory_space<hbm>>
        %dma_start3A_146 = tpu.memref_squeeze %dma_start3A_145 : memref<1x4096xi32, #tpu.memory_space<hbm>> -> memref<4096xi32, #tpu.memory_space<hbm>>
        tpu.enqueue_dma source(%dma_start3A_146 : memref<4096xi32, #tpu.memory_space<hbm>>) target(%arg8 : memref<4096xi32, #tpu.memory_space<vmem>>) target_semaphore(%run_scoped3A : memref<!tpu.dma_semaphore, #tpu.memory_space<semaphore_mem>>)
        %dma_wait3A_147 = arith.constant 0 : i32
        %dma_wait3A_148 = tpu.memref_slice %arg4[%add3A_113, %dma_wait3A_147] : memref<16x4096xi32, #tpu.memory_space<hbm>> -> memref<1x4096xi32, #tpu.memory_space<hbm>>
        %dma_wait3A_149 = tpu.memref_squeeze %dma_wait3A_148 : memref<1x4096xi32, #tpu.memory_space<hbm>> -> memref<4096xi32, #tpu.memory_space<hbm>>
        %dma_wait3A_150 = arith.constant 0 : i32
        %dma_wait3A_151 = tpu.memref_slice %arg4[%add3A_113, %dma_wait3A_150] : memref<16x4096xi32, #tpu.memory_space<hbm>> -> memref<1x4096xi32, #tpu.memory_space<hbm>>
        %dma_wait3A_152 = tpu.memref_squeeze %dma_wait3A_151 : memref<1x4096xi32, #tpu.memory_space<hbm>> -> memref<4096xi32, #tpu.memory_space<hbm>>
        tpu.wait_dma2 semaphore(%run_scoped3A : memref<!tpu.dma_semaphore, #tpu.memory_space<semaphore_mem>>) src(%dma_wait3A_152 : memref<4096xi32, #tpu.memory_space<hbm>>) dst(%arg8 : memref<4096xi32, #tpu.memory_space<vmem>>)
        tpu.yield
      }) : () -> ()
      %parallel_loop3A_124 = arith.constant 0 : i32
      %parallel_loop3A_125 = arith.constant 256 : i32
      %parallel_loop3A_126 = arith.constant 1 : i32
      scf.for %parallel_loop3A_141 = %parallel_loop3A_124 to %parallel_loop3A_125 step %parallel_loop3A_126  : i32 {
        %parallel_loop3A_142 = arith.constant 16 : i32
        %parallel_loop3A_143 = arith.muli %parallel_loop3A_141, %parallel_loop3A_142 : i32
        %parallel_loop3A_144 = arith.index_cast %parallel_loop3A_143 : i32 to index
        %parallel_loop3A_145 = tpu.vector_load %arg8[%parallel_loop3A_144] {strides = array<i32>} : memref<4096xi32, #tpu.memory_space<vmem>>, vector<16xi32>,
        %parallel_loop3A_146 = arith.constant 0 : i32
        %parallel_loop3A_147 = vector.broadcast %parallel_loop3A_146 : i32 to vector<16xi32>
        %parallel_loop3A_148 = tpu.vector_load_idx %arg6[%parallel_loop3A_147, %parallel_loop3A_145] : memref<4x4096xf32, #tpu.memory_space<vmem>>[vector<16xi32>, vector<16xi32>], vector<16xf32>,
        %parallel_loop3A_149 = arith.constant 0 : i32
        %parallel_loop3A_150 = arith.index_cast %parallel_loop3A_149 : i32 to index
        %parallel_loop3A_151 = arith.index_cast %parallel_loop3A_143 : i32 to index
        %parallel_loop3A_152 = tpu.vector_load %arg7[%parallel_loop3A_150, %parallel_loop3A_151] {strides = array<i32>} : memref<4x4096xf32, #tpu.memory_space<vmem>>, vector<16xf32>,
        %parallel_loop3A_153 = arith.subf %parallel_loop3A_152, %parallel_loop3A_148 : vector<16xf32>
        %parallel_loop3A_154 = math.absf %parallel_loop3A_153 : vector<16xf32>
        %parallel_loop3A_155 = arith.constant 0 : i32
        %parallel_loop3A_156 = arith.index_cast %parallel_loop3A_155 : i32 to index
        %parallel_loop3A_157 = arith.index_cast %parallel_loop3A_143 : i32 to index
        %parallel_loop3A_158 = tpu.vector_load %arg10[%parallel_loop3A_156, %parallel_loop3A_157] {strides = array<i32>} : memref<4x4096xf32, #tpu.memory_space<vmem>>, vector<16xf32>,
        tpu.vector_store %arg10[%parallel_loop3A_156, %parallel_loop3A_157], %parallel_loop3A_154 {strides = array<i32>} : memref<4x4096xf32, #tpu.memory_space<vmem>>, vector<16xf32>,
        %parallel_loop3A_159 = arith.constant 1 : i32
        %parallel_loop3A_160 = vector.broadcast %parallel_loop3A_159 : i32 to vector<16xi32>
        %parallel_loop3A_161 = tpu.vector_load_idx %arg6[%parallel_loop3A_160, %parallel_loop3A_145] : memref<4x4096xf32, #tpu.memory_space<vmem>>[vector<16xi32>, vector<16xi32>], vector<16xf32>,
        %parallel_loop3A_162 = arith.constant 1 : i32
        %parallel_loop3A_163 = arith.index_cast %parallel_loop3A_162 : i32 to index
        %parallel_loop3A_164 = arith.index_cast %parallel_loop3A_143 : i32 to index
        %parallel_loop3A_165 = tpu.vector_load %arg7[%parallel_loop3A_163, %parallel_loop3A_164] {strides = array<i32>} : memref<4x4096xf32, #tpu.memory_space<vmem>>, vector<16xf32>,
        %parallel_loop3A_166 = arith.subf %parallel_loop3A_165, %parallel_loop3A_161 : vector<16xf32>
        %parallel_loop3A_167 = math.absf %parallel_loop3A_166 : vector<16xf32>
        %parallel_loop3A_168 = arith.constant 1 : i32
        %parallel_loop3A_169 = arith.index_cast %parallel_loop3A_168 : i32 to index
        %parallel_loop3A_170 = arith.index_cast %parallel_loop3A_143 : i32 to index
        %parallel_loop3A_171 = tpu.vector_load %arg10[%parallel_loop3A_169, %parallel_loop3A_170] {strides = array<i32>} : memref<4x4096xf32, #tpu.memory_space<vmem>>, vector<16xf32>,
        tpu.vector_store %arg10[%parallel_loop3A_169, %parallel_loop3A_170], %parallel_loop3A_167 {strides = array<i32>} : memref<4x4096xf32, #tpu.memory_space<vmem>>, vector<16xf32>,
        %parallel_loop3A_172 = arith.constant 2 : i32
        %parallel_loop3A_173 = vector.broadcast %parallel_loop3A_172 : i32 to vector<16xi32>
        %parallel_loop3A_174 = tpu.vector_load_idx %arg6[%parallel_loop3A_173, %parallel_loop3A_145] : memref<4x4096xf32, #tpu.memory_space<vmem>>[vector<16xi32>, vector<16xi32>], vector<16xf32>,
        %parallel_loop3A_175 = arith.constant 2 : i32
        %parallel_loop3A_176 = arith.index_cast %parallel_loop3A_175 : i32 to index
        %parallel_loop3A_177 = arith.index_cast %parallel_loop3A_143 : i32 to index
        %parallel_loop3A_178 = tpu.vector_load %arg7[%parallel_loop3A_176, %parallel_loop3A_177] {strides = array<i32>} : memref<4x4096xf32, #tpu.memory_space<vmem>>, vector<16xf32>,
        %parallel_loop3A_179 = arith.subf %parallel_loop3A_178, %parallel_loop3A_174 : vector<16xf32>
        %parallel_loop3A_180 = math.absf %parallel_loop3A_179 : vector<16xf32>
        %parallel_loop3A_181 = arith.constant 2 : i32
        %parallel_loop3A_182 = arith.index_cast %parallel_loop3A_181 : i32 to index
        %parallel_loop3A_183 = arith.index_cast %parallel_loop3A_143 : i32 to index
        %parallel_loop3A_184 = tpu.vector_load %arg10[%parallel_loop3A_182, %parallel_loop3A_183] {strides = array<i32>} : memref<4x4096xf32, #tpu.memory_space<vmem>>, vector<16xf32>,
        tpu.vector_store %arg10[%parallel_loop3A_182, %parallel_loop3A_183], %parallel_loop3A_180 {strides = array<i32>} : memref<4x4096xf32, #tpu.memory_space<vmem>>, vector<16xf32>,
        %parallel_loop3A_185 = arith.constant 3 : i32
        %parallel_loop3A_186 = vector.broadcast %parallel_loop3A_185 : i32 to vector<16xi32>
        %parallel_loop3A_187 = tpu.vector_load_idx %arg6[%parallel_loop3A_186, %parallel_loop3A_145] : memref<4x4096xf32, #tpu.memory_space<vmem>>[vector<16xi32>, vector<16xi32>], vector<16xf32>,
        %parallel_loop3A_188 = arith.constant 3 : i32
        %parallel_loop3A_189 = arith.index_cast %parallel_loop3A_188 : i32 to index
        %parallel_loop3A_190 = arith.index_cast %parallel_loop3A_143 : i32 to index
        %parallel_loop3A_191 = tpu.vector_load %arg7[%parallel_loop3A_189, %parallel_loop3A_190] {strides = array<i32>} : memref<4x4096xf32, #tpu.memory_space<vmem>>, vector<16xf32>,
        %parallel_loop3A_192 = arith.subf %parallel_loop3A_191, %parallel_loop3A_187 : vector<16xf32>
        %parallel_loop3A_193 = math.absf %parallel_loop3A_192 : vector<16xf32>
        %parallel_loop3A_194 = arith.constant 3 : i32
        %parallel_loop3A_195 = arith.index_cast %parallel_loop3A_194 : i32 to index
        %parallel_loop3A_196 = arith.index_cast %parallel_loop3A_143 : i32 to index
        %parallel_loop3A_197 = tpu.vector_load %arg10[%parallel_loop3A_195, %parallel_loop3A_196] {strides = array<i32>} : memref<4x4096xf32, #tpu.memory_space<vmem>>, vector<16xf32>,
        tpu.vector_store %arg10[%parallel_loop3A_195, %parallel_loop3A_196], %parallel_loop3A_193 {strides = array<i32>} : memref<4x4096xf32, #tpu.memory_space<vmem>>, vector<16xf32>,
      } {sc.loop_unroll_factor = 8 : i64, sc.parallel_access}
      %dma_start3A_127 = arith.constant 0 : i32
      %dma_start3A_128 = arith.constant 0 : i32
      %dma_start3A_129 = tpu.memref_slice %arg5[%dma_start3A_127, %add3A_116, %dma_start3A_128] : memref<1x4096x8192xf32, #tpu.memory_space<hbm>> -> memref<1x4x4096xf32, #tpu.memory_space<hbm>>
      %dma_start3A_130 = tpu.memref_squeeze %dma_start3A_129 : memref<1x4x4096xf32, #tpu.memory_space<hbm>> -> memref<4x4096xf32, #tpu.memory_space<hbm>>
      %dma_start3A_131 = arith.constant 0 : i32
      %dma_start3A_132 = tpu.memref_slice %arg5[%dma_start3A_127, %add3A_116, %dma_start3A_131] : memref<1x4096x8192xf32, #tpu.memory_space<hbm>> -> memref<1x4x4096xf32, #tpu.memory_space<hbm>>
      %dma_start3A_133 = tpu.memref_squeeze %dma_start3A_132 : memref<1x4x4096xf32, #tpu.memory_space<hbm>> -> memref<4x4096xf32, #tpu.memory_space<hbm>>
      tpu.enqueue_dma source(%arg10 : memref<4x4096xf32, #tpu.memory_space<vmem>>) target(%dma_start3A_133 : memref<4x4096xf32, #tpu.memory_space<hbm>>) target_semaphore(%arg12 : memref<!tpu.dma_semaphore, #tpu.memory_space<semaphore_mem>>)
      %dma_start3A_134 = arith.constant 0 : i32
      %dma_start3A_135 = arith.constant 4096 : i32
      %dma_start3A_136 = tpu.memref_slice %arg5[%dma_start3A_134, %add3A_116, %dma_start3A_135] : memref<1x4096x8192xf32, #tpu.memory_space<hbm>> -> memref<1x4x4096xf32, #tpu.memory_space<hbm>>
      %dma_start3A_137 = tpu.memref_squeeze %dma_start3A_136 : memref<1x4x4096xf32, #tpu.memory_space<hbm>> -> memref<4x4096xf32, #tpu.memory_space<hbm>>
      %dma_start3A_138 = arith.constant 4096 : i32
      %dma_start3A_139 = tpu.memref_slice %arg5[%dma_start3A_134, %add3A_116, %dma_start3A_138] : memref<1x4096x8192xf32, #tpu.memory_space<hbm>> -> memref<1x4x4096xf32, #tpu.memory_space<hbm>>
      %dma_start3A_140 = tpu.memref_squeeze %dma_start3A_139 : memref<1x4x4096xf32, #tpu.memory_space<hbm>> -> memref<4x4096xf32, #tpu.memory_space<hbm>>
      tpu.enqueue_dma source(%arg10 : memref<4x4096xf32, #tpu.memory_space<vmem>>) target(%dma_start3A_140 : memref<4x4096xf32, #tpu.memory_space<hbm>>) target_semaphore(%arg12 : memref<!tpu.dma_semaphore, #tpu.memory_space<semaphore_mem>>)
    }
    %scan3A_50 = arith.constant 8 : i32
    %add3A_51 = arith.constant 3584 : i32
    %add3A_52 = arith.addi %add3A_51, %add3A_44 : i32
    %dma_wait3A_53 = arith.constant 0 : i32
    %dma_wait3A_54 = arith.constant 0 : i32
    %dma_wait3A_55 = tpu.memref_slice %arg5[%dma_wait3A_53, %add3A_52, %dma_wait3A_54] : memref<1x4096x8192xf32, #tpu.memory_space<hbm>> -> memref<1x4x4096xf32, #tpu.memory_space<hbm>>
    %dma_wait3A_56 = tpu.memref_squeeze %dma_wait3A_55 : memref<1x4x4096xf32, #tpu.memory_space<hbm>> -> memref<4x4096xf32, #tpu.memory_space<hbm>>
    %dma_wait3A_57 = arith.constant 0 : i32
    %dma_wait3A_58 = tpu.memref_slice %arg5[%dma_wait3A_53, %add3A_52, %dma_wait3A_57] : memref<1x4096x8192xf32, #tpu.memory_space<hbm>> -> memref<1x4x4096xf32, #tpu.memory_space<hbm>>
    %dma_wait3A_59 = tpu.memref_squeeze %dma_wait3A_58 : memref<1x4x4096xf32, #tpu.memory_space<hbm>> -> memref<4x4096xf32, #tpu.memory_space<hbm>>
    tpu.wait_dma2 semaphore(%arg11 : memref<!tpu.dma_semaphore, #tpu.memory_space<semaphore_mem>>) src(%arg9 : memref<4x4096xf32, #tpu.memory_space<vmem>>) dst(%dma_wait3A_59 : memref<4x4096xf32, #tpu.memory_space<hbm>>)
    %dma_wait3A_60 = arith.constant 0 : i32
    %dma_wait3A_61 = arith.constant 4096 : i32
    %dma_wait3A_62 = tpu.memref_slice %arg5[%dma_wait3A_60, %add3A_52, %dma_wait3A_61] : memref<1x4096x8192xf32, #tpu.memory_space<hbm>> -> memref<1x4x4096xf32, #tpu.memory_space<hbm>>
    %dma_wait3A_63 = tpu.memref_squeeze %dma_wait3A_62 : memref<1x4x4096xf32, #tpu.memory_space<hbm>> -> memref<4x4096xf32, #tpu.memory_space<hbm>>
    %dma_wait3A_64 = arith.constant 4096 : i32
    %dma_wait3A_65 = tpu.memref_slice %arg5[%dma_wait3A_60, %add3A_52, %dma_wait3A_64] : memref<1x4096x8192xf32, #tpu.memory_space<hbm>> -> memref<1x4x4096xf32, #tpu.memory_space<hbm>>
    %dma_wait3A_66 = tpu.memref_squeeze %dma_wait3A_65 : memref<1x4x4096xf32, #tpu.memory_space<hbm>> -> memref<4x4096xf32, #tpu.memory_space<hbm>>
    tpu.wait_dma2 semaphore(%arg11 : memref<!tpu.dma_semaphore, #tpu.memory_space<semaphore_mem>>) src(%arg9 : memref<4x4096xf32, #tpu.memory_space<vmem>>) dst(%dma_wait3A_66 : memref<4x4096xf32, #tpu.memory_space<hbm>>)
    %add3A_67 = arith.constant 3840 : i32
    %add3A_68 = arith.addi %add3A_67, %add3A_44 : i32
    %dma_wait3A_69 = arith.constant 0 : i32
    %dma_wait3A_70 = arith.constant 0 : i32
    %dma_wait3A_71 = tpu.memref_slice %arg5[%dma_wait3A_69, %add3A_68, %dma_wait3A_70] : memref<1x4096x8192xf32, #tpu.memory_space<hbm>> -> memref<1x4x4096xf32, #tpu.memory_space<hbm>>
    %dma_wait3A_72 = tpu.memref_squeeze %dma_wait3A_71 : memref<1x4x4096xf32, #tpu.memory_space<hbm>> -> memref<4x4096xf32, #tpu.memory_space<hbm>>
    %dma_wait3A_73 = arith.constant 0 : i32
    %dma_wait3A_74 = tpu.memref_slice %arg5[%dma_wait3A_69, %add3A_68, %dma_wait3A_73] : memref<1x4096x8192xf32, #tpu.memory_space<hbm>> -> memref<1x4x4096xf32, #tpu.memory_space<hbm>>
    %dma_wait3A_75 = tpu.memref_squeeze %dma_wait3A_74 : memref<1x4x4096xf32, #tpu.memory_space<hbm>> -> memref<4x4096xf32, #tpu.memory_space<hbm>>
    tpu.wait_dma2 semaphore(%arg12 : memref<!tpu.dma_semaphore, #tpu.memory_space<semaphore_mem>>) src(%arg10 : memref<4x4096xf32, #tpu.memory_space<vmem>>) dst(%dma_wait3A_75 : memref<4x4096xf32, #tpu.memory_space<hbm>>)
    %dma_wait3A_76 = arith.constant 0 : i32
    %dma_wait3A_77 = arith.constant 4096 : i32
    %dma_wait3A_78 = tpu.memref_slice %arg5[%dma_wait3A_76, %add3A_68, %dma_wait3A_77] : memref<1x4096x8192xf32, #tpu.memory_space<hbm>> -> memref<1x4x4096xf32, #tpu.memory_space<hbm>>
    %dma_wait3A_79 = tpu.memref_squeeze %dma_wait3A_78 : memref<1x4x4096xf32, #tpu.memory_space<hbm>> -> memref<4x4096xf32, #tpu.memory_space<hbm>>
    %dma_wait3A_80 = arith.constant 4096 : i32
    %dma_wait3A_81 = tpu.memref_slice %arg5[%dma_wait3A_76, %add3A_68, %dma_wait3A_80] : memref<1x4096x8192xf32, #tpu.memory_space<hbm>> -> memref<1x4x4096xf32, #tpu.memory_space<hbm>>
    %dma_wait3A_82 = tpu.memref_squeeze %dma_wait3A_81 : memref<1x4x4096xf32, #tpu.memory_space<hbm>> -> memref<4x4096xf32, #tpu.memory_space<hbm>>
    tpu.wait_dma2 semaphore(%arg12 : memref<!tpu.dma_semaphore, #tpu.memory_space<semaphore_mem>>) src(%arg10 : memref<4x4096xf32, #tpu.memory_space<vmem>>) dst(%dma_wait3A_82 : memref<4x4096xf32, #tpu.memory_space<hbm>>)
    return
  }
}

module attributes {stable_mosaic.version = 14 : i64} {
  func.func @_topk_body(%arg0: i32, %arg1: memref<256x256xf32, #tpu.memory_space<vmem>>, %arg2: memref<4096x256xf32, #tpu.memory_space<vmem>>, %arg3: memref<16x256xf32, #tpu.memory_space<vmem>>, %arg4: memref<256x16xi32, #tpu.memory_space<vmem>>, %arg5: memref<16x256xi32, #tpu.memory_space<vmem>>, %arg6: memref<256x256xf32, #tpu.memory_space<vmem>>, %arg7: memref<256x256xf32, #tpu.memory_space<vmem>>, %arg8: memref<256x4096xf32, #tpu.memory_space<vmem>>, %arg9: memref<1x4096xf32, #tpu.memory_space<vmem>>) attributes {dimension_semantics = [#tpu.dimension_semantics<arbitrary>], iteration_bounds = array<i64: 16>, scalar_prefetch = 0 : i64, scratch_operands = 2 : i64, tpu.core_type = #tpu.core_type<tc>, window_params = [{transform_indices = @transform_0, window_bounds = array<i64: 256, 256>}, {pipeline_mode = #tpu.pipeline_mode<synchronous>, transform_indices = @transform_1, window_bounds = array<i64: 4096, 256>}, {transform_indices = @transform_2, window_bounds = array<i64: 16, 256>}, {transform_indices = @transform_3, window_bounds = array<i64: 256, 16>}, {transform_indices = @transform_4, window_bounds = array<i64: 16, 256>}, {transform_indices = @transform_5, window_bounds = array<i64: 256, 256>}, {transform_indices = @transform_6, window_bounds = array<i64: 256, 256>}]} {
    %get3A = arith.constant 0 : index
    %get3A_0 = arith.constant 0 : index
    %get3A_1 = vector.load %arg1[%get3A, %get3A_0] : memref<256x256xf32, #tpu.memory_space<vmem>>, vector<256x256xf32>
    %get3A_2 = arith.constant 0 : index
    %get3A_3 = arith.constant 0 : index
    %get3A_4 = vector.load %arg2[%get3A_2, %get3A_3] : memref<4096x256xf32, #tpu.memory_space<vmem>>, vector<4096x256xf32>
    %mul3A = arith.mulf %get3A_1, %get3A_1 : vector<256x256xf32>
    %reduce_sum3A = arith.constant dense<0.000000e+00> : vector<256xf32>
    %reduce_sum3A_5 = vector.multi_reduction <add>, %mul3A, %reduce_sum3A [1] : vector<256x256xf32> to vector<256xf32>
    %broadcast_in_dim3A = vector.shape_cast %reduce_sum3A_5 : vector<256xf32> to vector<256x1xf32>
    %eq3A = arith.constant 0 : i32
    %eq3A_6 = arith.cmpi eq, %arg0, %eq3A : i32
    %convert_element_type3A = arith.extui %eq3A_6 : i1 to i32
    %cond3A = arith.constant 0 : i32
    %cond3A_7 = arith.cmpi ne, %convert_element_type3A, %cond3A : i32
    scf.if %cond3A_7 {
      %mul3A_560 = arith.mulf %get3A_4, %get3A_4 : vector<4096x256xf32>
      %reduce_sum3A_561 = arith.constant dense<0.000000e+00> : vector<4096xf32>
      %reduce_sum3A_562 = vector.multi_reduction <add>, %mul3A_560, %reduce_sum3A_561 [1] : vector<4096x256xf32> to vector<4096xf32>
      %broadcast_in_dim3A_563 = vector.shape_cast %reduce_sum3A_562 : vector<4096xf32> to vector<1x4096xf32>
      %swap3A_564 = arith.constant 0 : index
      %swap3A_565 = arith.constant 0 : index
      %swap3A_566 = vector.load %arg9[%swap3A_564, %swap3A_565] : memref<1x4096xf32, #tpu.memory_space<vmem>>, vector<1x4096xf32>
      tpu.vector_store %arg9[%swap3A_564, %swap3A_565], %broadcast_in_dim3A_563 {strides = array<i32>} : memref<1x4096xf32, #tpu.memory_space<vmem>>, vector<1x4096xf32>,
    } else {
    }
    %get3A_8 = arith.constant 0 : index
    %get3A_9 = arith.constant 0 : index
    %get3A_10 = vector.load %arg9[%get3A_8, %get3A_9] : memref<1x4096xf32, #tpu.memory_space<vmem>>, vector<1x4096xf32>
    %get3A_11 = vector.shape_cast %get3A_10 : vector<1x4096xf32> to vector<4096xf32>
    %dot_general3A = arith.constant dense<0.000000e+00> : vector<256x4096xf32>
    %dot_general3A_12 = tpu.matmul %get3A_1, %get3A_4, %dot_general3A {dimension_numbers = #tpu.dot_dimension_numbers<[1], [1], [0], [0], [0, 0, 1, 0], [], []>, transpose_lhs_hint = false} : vector<256x256xf32>, vector<4096x256xf32>, vector<256x4096xf32> -> vector<256x4096xf32>
    %broadcast_in_dim3A_13 = vector.shape_cast %get3A_11 : vector<4096xf32> to vector<1x4096xf32>
    %add3A = vector.broadcast %broadcast_in_dim3A : vector<256x1xf32> to vector<256x4096xf32>
    %add3A_14 = vector.broadcast %broadcast_in_dim3A_13 : vector<1x4096xf32> to vector<256x4096xf32>
    %add3A_15 = arith.addf %add3A, %add3A_14 : vector<256x4096xf32>
    %mul3A_16 = arith.constant 2.000000e+00 : f32
    %mul3A_17 = vector.broadcast %mul3A_16 : f32 to vector<256x4096xf32>
    %mul3A_18 = arith.mulf %mul3A_17, %dot_general3A_12 : vector<256x4096xf32>
    %sub3A = arith.subf %add3A_15, %mul3A_18 : vector<256x4096xf32>
    %max3A = arith.constant 9.99999996E-13 : f32
    %max3A_19 = vector.broadcast %max3A : f32 to vector<256x4096xf32>
    %max3A_20 = arith.maximumf %sub3A, %max3A_19 : vector<256x4096xf32>
    %sqrt3A = math.sqrt %max3A_20 : vector<256x4096xf32>
    %swap3A = arith.constant 0 : index
    %swap3A_21 = arith.constant 0 : index
    %swap3A_22 = vector.load %arg8[%swap3A, %swap3A_21] : memref<256x4096xf32, #tpu.memory_space<vmem>>, vector<256x4096xf32>
    tpu.vector_store %arg8[%swap3A, %swap3A_21], %sqrt3A {strides = array<i32>} : memref<256x4096xf32, #tpu.memory_space<vmem>>, vector<256x4096xf32>,
    %transpose3A = tpu.transpose %get3A_1, [1, 0] : vector<256x256xf32> -> vector<256x256xf32>
    %swap3A_23 = arith.constant 0 : index
    %swap3A_24 = arith.constant 0 : index
    %swap3A_25 = vector.load %arg6[%swap3A_23, %swap3A_24] : memref<256x256xf32, #tpu.memory_space<vmem>>, vector<256x256xf32>
    tpu.vector_store %arg6[%swap3A_23, %swap3A_24], %transpose3A {strides = array<i32>} : memref<256x256xf32, #tpu.memory_space<vmem>>, vector<256x256xf32>,
    %mul3A_26 = arith.constant 256 : i32
    %mul3A_27 = arith.muli %arg0, %mul3A_26 : i32
    %get3A_28 = arith.index_cast %mul3A_27 : i32 to index
    %get3A_29 = arith.constant 0 : index
    %get3A_30 = vector.load %arg2[%get3A_28, %get3A_29] : memref<4096x256xf32, #tpu.memory_space<vmem>>, vector<256x256xf32>
    %transpose3A_31 = tpu.transpose %get3A_30, [1, 0] : vector<256x256xf32> -> vector<256x256xf32>
    %swap3A_32 = arith.constant 0 : index
    %swap3A_33 = arith.constant 0 : index
    %swap3A_34 = vector.load %arg7[%swap3A_32, %swap3A_33] : memref<256x256xf32, #tpu.memory_space<vmem>>, vector<256x256xf32>
    tpu.vector_store %arg7[%swap3A_32, %swap3A_33], %transpose3A_31 {strides = array<i32>} : memref<256x256xf32, #tpu.memory_space<vmem>>, vector<256x256xf32>,
    %iota3A = tpu.iota {dimensions = array<i32: 1>} : vector<256x4096xi32>
    %convert_element_type3A_35 = arith.sitofp %iota3A : vector<256x4096xi32> to vector<256x4096xf32>
    %get3A_36 = arith.constant 0 : index
    %get3A_37 = arith.constant 0 : index
    %get3A_38 = vector.load %arg8[%get3A_36, %get3A_37] : memref<256x4096xf32, #tpu.memory_space<vmem>>, vector<256x4096xf32>
    %reduce_min3A = arith.constant dense<0x7F800000> : vector<256xf32>
    %reduce_min3A_39 = vector.multi_reduction <minimumf>, %get3A_38, %reduce_min3A [1] : vector<256x4096xf32> to vector<256xf32>
    %broadcast_in_dim3A_40 = vector.shape_cast %reduce_min3A_39 : vector<256xf32> to vector<256x1xf32>
    %eq3A_41 = vector.broadcast %broadcast_in_dim3A_40 : vector<256x1xf32> to vector<256x4096xf32>
    %eq3A_42 = arith.cmpf oeq, %get3A_38, %eq3A_41 : vector<256x4096xf32>
    %jit3A = arith.constant 4.096000e+03 : f32
    %broadcast_in_dim3A_43 = vector.broadcast %jit3A : f32 to vector<256x4096xf32>
    %select_n3A = arith.select %eq3A_42, %convert_element_type3A_35, %broadcast_in_dim3A_43 : vector<256x4096xi1>, vector<256x4096xf32>
    %reduce_min3A_44 = arith.constant dense<0x7F800000> : vector<256xf32>
    %reduce_min3A_45 = vector.multi_reduction <minimumf>, %select_n3A, %reduce_min3A_44 [1] : vector<256x4096xf32> to vector<256xf32>
    %broadcast_in_dim3A_46 = vector.shape_cast %reduce_min3A_45 : vector<256xf32> to vector<256x1xf32>
    %eq3A_47 = vector.broadcast %broadcast_in_dim3A_46 : vector<256x1xf32> to vector<256x4096xf32>
    %eq3A_48 = arith.cmpf oeq, %select_n3A, %eq3A_47 : vector<256x4096xf32>
    %jit3A_49 = arith.constant 0x7F800000 : f32
    %broadcast_in_dim3A_50 = vector.broadcast %jit3A_49 : f32 to vector<256x4096xf32>
    %select_n3A_51 = arith.select %eq3A_48, %broadcast_in_dim3A_50, %get3A_38 : vector<256x4096xi1>, vector<256x4096xf32>
    %swap3A_52 = arith.constant 0 : index
    %swap3A_53 = arith.constant 0 : index
    %swap3A_54 = vector.load %arg8[%swap3A_52, %swap3A_53] : memref<256x4096xf32, #tpu.memory_space<vmem>>, vector<256x4096xf32>
    tpu.vector_store %arg8[%swap3A_52, %swap3A_53], %select_n3A_51 {strides = array<i32>} : memref<256x4096xf32, #tpu.memory_space<vmem>>, vector<256x4096xf32>,
    %neg3A = arith.constant 0.000000e+00 : f32
    %neg3A_55 = vector.broadcast %neg3A : f32 to vector<256xf32>
    %neg3A_56 = arith.subf %neg3A_55, %reduce_min3A_39 : vector<256xf32>
    %div3A = arith.constant 1.000000e+01 : f32
    %div3A_57 = vector.broadcast %div3A : f32 to vector<256xf32>
    %div3A_58 = arith.divf %neg3A_56, %div3A_57 : vector<256xf32>
    %exp3A = math.exp %div3A_58 : vector<256xf32>
    %convert_element_type3A_59 = arith.fptosi %reduce_min3A_45 : vector<256xf32> to vector<256xi32>
    %get3A_60 = arith.constant 0 : index
    %get3A_61 = arith.constant 0 : index
    %get3A_62 = vector.load %arg8[%get3A_60, %get3A_61] : memref<256x4096xf32, #tpu.memory_space<vmem>>, vector<256x4096xf32>
    %reduce_min3A_63 = arith.constant dense<0x7F800000> : vector<256xf32>
    %reduce_min3A_64 = vector.multi_reduction <minimumf>, %get3A_62, %reduce_min3A_63 [1] : vector<256x4096xf32> to vector<256xf32>
    %broadcast_in_dim3A_65 = vector.shape_cast %reduce_min3A_64 : vector<256xf32> to vector<256x1xf32>
    %eq3A_66 = vector.broadcast %broadcast_in_dim3A_65 : vector<256x1xf32> to vector<256x4096xf32>
    %eq3A_67 = arith.cmpf oeq, %get3A_62, %eq3A_66 : vector<256x4096xf32>
    %jit3A_68 = arith.constant 4.096000e+03 : f32
    %broadcast_in_dim3A_69 = vector.broadcast %jit3A_68 : f32 to vector<256x4096xf32>
    %select_n3A_70 = arith.select %eq3A_67, %convert_element_type3A_35, %broadcast_in_dim3A_69 : vector<256x4096xi1>, vector<256x4096xf32>
    %reduce_min3A_71 = arith.constant dense<0x7F800000> : vector<256xf32>
    %reduce_min3A_72 = vector.multi_reduction <minimumf>, %select_n3A_70, %reduce_min3A_71 [1] : vector<256x4096xf32> to vector<256xf32>
    %broadcast_in_dim3A_73 = vector.shape_cast %reduce_min3A_72 : vector<256xf32> to vector<256x1xf32>
    %eq3A_74 = vector.broadcast %broadcast_in_dim3A_73 : vector<256x1xf32> to vector<256x4096xf32>
    %eq3A_75 = arith.cmpf oeq, %select_n3A_70, %eq3A_74 : vector<256x4096xf32>
    %jit3A_76 = arith.constant 0x7F800000 : f32
    %broadcast_in_dim3A_77 = vector.broadcast %jit3A_76 : f32 to vector<256x4096xf32>
    %select_n3A_78 = arith.select %eq3A_75, %broadcast_in_dim3A_77, %get3A_62 : vector<256x4096xi1>, vector<256x4096xf32>
    %swap3A_79 = arith.constant 0 : index
    %swap3A_80 = arith.constant 0 : index
    %swap3A_81 = vector.load %arg8[%swap3A_79, %swap3A_80] : memref<256x4096xf32, #tpu.memory_space<vmem>>, vector<256x4096xf32>
    tpu.vector_store %arg8[%swap3A_79, %swap3A_80], %select_n3A_78 {strides = array<i32>} : memref<256x4096xf32, #tpu.memory_space<vmem>>, vector<256x4096xf32>,
    %neg3A_82 = arith.constant 0.000000e+00 : f32
    %neg3A_83 = vector.broadcast %neg3A_82 : f32 to vector<256xf32>
    %neg3A_84 = arith.subf %neg3A_83, %reduce_min3A_64 : vector<256xf32>
    %div3A_85 = arith.constant 1.000000e+01 : f32
    %div3A_86 = vector.broadcast %div3A_85 : f32 to vector<256xf32>
    %div3A_87 = arith.divf %neg3A_84, %div3A_86 : vector<256xf32>
    %exp3A_88 = math.exp %div3A_87 : vector<256xf32>
    %convert_element_type3A_89 = arith.fptosi %reduce_min3A_72 : vector<256xf32> to vector<256xi32>
    %get3A_90 = arith.constant 0 : index
    %get3A_91 = arith.constant 0 : index
    %get3A_92 = vector.load %arg8[%get3A_90, %get3A_91] : memref<256x4096xf32, #tpu.memory_space<vmem>>, vector<256x4096xf32>
    %reduce_min3A_93 = arith.constant dense<0x7F800000> : vector<256xf32>
    %reduce_min3A_94 = vector.multi_reduction <minimumf>, %get3A_92, %reduce_min3A_93 [1] : vector<256x4096xf32> to vector<256xf32>
    %broadcast_in_dim3A_95 = vector.shape_cast %reduce_min3A_94 : vector<256xf32> to vector<256x1xf32>
    %eq3A_96 = vector.broadcast %broadcast_in_dim3A_95 : vector<256x1xf32> to vector<256x4096xf32>
    %eq3A_97 = arith.cmpf oeq, %get3A_92, %eq3A_96 : vector<256x4096xf32>
    %jit3A_98 = arith.constant 4.096000e+03 : f32
    %broadcast_in_dim3A_99 = vector.broadcast %jit3A_98 : f32 to vector<256x4096xf32>
    %select_n3A_100 = arith.select %eq3A_97, %convert_element_type3A_35, %broadcast_in_dim3A_99 : vector<256x4096xi1>, vector<256x4096xf32>
    %reduce_min3A_101 = arith.constant dense<0x7F800000> : vector<256xf32>
    %reduce_min3A_102 = vector.multi_reduction <minimumf>, %select_n3A_100, %reduce_min3A_101 [1] : vector<256x4096xf32> to vector<256xf32>
    %broadcast_in_dim3A_103 = vector.shape_cast %reduce_min3A_102 : vector<256xf32> to vector<256x1xf32>
    %eq3A_104 = vector.broadcast %broadcast_in_dim3A_103 : vector<256x1xf32> to vector<256x4096xf32>
    %eq3A_105 = arith.cmpf oeq, %select_n3A_100, %eq3A_104 : vector<256x4096xf32>
    %jit3A_106 = arith.constant 0x7F800000 : f32
    %broadcast_in_dim3A_107 = vector.broadcast %jit3A_106 : f32 to vector<256x4096xf32>
    %select_n3A_108 = arith.select %eq3A_105, %broadcast_in_dim3A_107, %get3A_92 : vector<256x4096xi1>, vector<256x4096xf32>
    %swap3A_109 = arith.constant 0 : index
    %swap3A_110 = arith.constant 0 : index
    %swap3A_111 = vector.load %arg8[%swap3A_109, %swap3A_110] : memref<256x4096xf32, #tpu.memory_space<vmem>>, vector<256x4096xf32>
    tpu.vector_store %arg8[%swap3A_109, %swap3A_110], %select_n3A_108 {strides = array<i32>} : memref<256x4096xf32, #tpu.memory_space<vmem>>, vector<256x4096xf32>,
    %neg3A_112 = arith.constant 0.000000e+00 : f32
    %neg3A_113 = vector.broadcast %neg3A_112 : f32 to vector<256xf32>
    %neg3A_114 = arith.subf %neg3A_113, %reduce_min3A_94 : vector<256xf32>
    %div3A_115 = arith.constant 1.000000e+01 : f32
    %div3A_116 = vector.broadcast %div3A_115 : f32 to vector<256xf32>
    %div3A_117 = arith.divf %neg3A_114, %div3A_116 : vector<256xf32>
    %exp3A_118 = math.exp %div3A_117 : vector<256xf32>
    %convert_element_type3A_119 = arith.fptosi %reduce_min3A_102 : vector<256xf32> to vector<256xi32>
    %get3A_120 = arith.constant 0 : index
    %get3A_121 = arith.constant 0 : index
    %get3A_122 = vector.load %arg8[%get3A_120, %get3A_121] : memref<256x4096xf32, #tpu.memory_space<vmem>>, vector<256x4096xf32>
    %reduce_min3A_123 = arith.constant dense<0x7F800000> : vector<256xf32>
    %reduce_min3A_124 = vector.multi_reduction <minimumf>, %get3A_122, %reduce_min3A_123 [1] : vector<256x4096xf32> to vector<256xf32>
    %broadcast_in_dim3A_125 = vector.shape_cast %reduce_min3A_124 : vector<256xf32> to vector<256x1xf32>
    %eq3A_126 = vector.broadcast %broadcast_in_dim3A_125 : vector<256x1xf32> to vector<256x4096xf32>
    %eq3A_127 = arith.cmpf oeq, %get3A_122, %eq3A_126 : vector<256x4096xf32>
    %jit3A_128 = arith.constant 4.096000e+03 : f32
    %broadcast_in_dim3A_129 = vector.broadcast %jit3A_128 : f32 to vector<256x4096xf32>
    %select_n3A_130 = arith.select %eq3A_127, %convert_element_type3A_35, %broadcast_in_dim3A_129 : vector<256x4096xi1>, vector<256x4096xf32>
    %reduce_min3A_131 = arith.constant dense<0x7F800000> : vector<256xf32>
    %reduce_min3A_132 = vector.multi_reduction <minimumf>, %select_n3A_130, %reduce_min3A_131 [1] : vector<256x4096xf32> to vector<256xf32>
    %broadcast_in_dim3A_133 = vector.shape_cast %reduce_min3A_132 : vector<256xf32> to vector<256x1xf32>
    %eq3A_134 = vector.broadcast %broadcast_in_dim3A_133 : vector<256x1xf32> to vector<256x4096xf32>
    %eq3A_135 = arith.cmpf oeq, %select_n3A_130, %eq3A_134 : vector<256x4096xf32>
    %jit3A_136 = arith.constant 0x7F800000 : f32
    %broadcast_in_dim3A_137 = vector.broadcast %jit3A_136 : f32 to vector<256x4096xf32>
    %select_n3A_138 = arith.select %eq3A_135, %broadcast_in_dim3A_137, %get3A_122 : vector<256x4096xi1>, vector<256x4096xf32>
    %swap3A_139 = arith.constant 0 : index
    %swap3A_140 = arith.constant 0 : index
    %swap3A_141 = vector.load %arg8[%swap3A_139, %swap3A_140] : memref<256x4096xf32, #tpu.memory_space<vmem>>, vector<256x4096xf32>
    tpu.vector_store %arg8[%swap3A_139, %swap3A_140], %select_n3A_138 {strides = array<i32>} : memref<256x4096xf32, #tpu.memory_space<vmem>>, vector<256x4096xf32>,
    %neg3A_142 = arith.constant 0.000000e+00 : f32
    %neg3A_143 = vector.broadcast %neg3A_142 : f32 to vector<256xf32>
    %neg3A_144 = arith.subf %neg3A_143, %reduce_min3A_124 : vector<256xf32>
    %div3A_145 = arith.constant 1.000000e+01 : f32
    %div3A_146 = vector.broadcast %div3A_145 : f32 to vector<256xf32>
    %div3A_147 = arith.divf %neg3A_144, %div3A_146 : vector<256xf32>
    %exp3A_148 = math.exp %div3A_147 : vector<256xf32>
    %convert_element_type3A_149 = arith.fptosi %reduce_min3A_132 : vector<256xf32> to vector<256xi32>
    %get3A_150 = arith.constant 0 : index
    %get3A_151 = arith.constant 0 : index
    %get3A_152 = vector.load %arg8[%get3A_150, %get3A_151] : memref<256x4096xf32, #tpu.memory_space<vmem>>, vector<256x4096xf32>
    %reduce_min3A_153 = arith.constant dense<0x7F800000> : vector<256xf32>
    %reduce_min3A_154 = vector.multi_reduction <minimumf>, %get3A_152, %reduce_min3A_153 [1] : vector<256x4096xf32> to vector<256xf32>
    %broadcast_in_dim3A_155 = vector.shape_cast %reduce_min3A_154 : vector<256xf32> to vector<256x1xf32>
    %eq3A_156 = vector.broadcast %broadcast_in_dim3A_155 : vector<256x1xf32> to vector<256x4096xf32>
    %eq3A_157 = arith.cmpf oeq, %get3A_152, %eq3A_156 : vector<256x4096xf32>
    %jit3A_158 = arith.constant 4.096000e+03 : f32
    %broadcast_in_dim3A_159 = vector.broadcast %jit3A_158 : f32 to vector<256x4096xf32>
    %select_n3A_160 = arith.select %eq3A_157, %convert_element_type3A_35, %broadcast_in_dim3A_159 : vector<256x4096xi1>, vector<256x4096xf32>
    %reduce_min3A_161 = arith.constant dense<0x7F800000> : vector<256xf32>
    %reduce_min3A_162 = vector.multi_reduction <minimumf>, %select_n3A_160, %reduce_min3A_161 [1] : vector<256x4096xf32> to vector<256xf32>
    %broadcast_in_dim3A_163 = vector.shape_cast %reduce_min3A_162 : vector<256xf32> to vector<256x1xf32>
    %eq3A_164 = vector.broadcast %broadcast_in_dim3A_163 : vector<256x1xf32> to vector<256x4096xf32>
    %eq3A_165 = arith.cmpf oeq, %select_n3A_160, %eq3A_164 : vector<256x4096xf32>
    %jit3A_166 = arith.constant 0x7F800000 : f32
    %broadcast_in_dim3A_167 = vector.broadcast %jit3A_166 : f32 to vector<256x4096xf32>
    %select_n3A_168 = arith.select %eq3A_165, %broadcast_in_dim3A_167, %get3A_152 : vector<256x4096xi1>, vector<256x4096xf32>
    %swap3A_169 = arith.constant 0 : index
    %swap3A_170 = arith.constant 0 : index
    %swap3A_171 = vector.load %arg8[%swap3A_169, %swap3A_170] : memref<256x4096xf32, #tpu.memory_space<vmem>>, vector<256x4096xf32>
    tpu.vector_store %arg8[%swap3A_169, %swap3A_170], %select_n3A_168 {strides = array<i32>} : memref<256x4096xf32, #tpu.memory_space<vmem>>, vector<256x4096xf32>,
    %neg3A_172 = arith.constant 0.000000e+00 : f32
    %neg3A_173 = vector.broadcast %neg3A_172 : f32 to vector<256xf32>
    %neg3A_174 = arith.subf %neg3A_173, %reduce_min3A_154 : vector<256xf32>
    %div3A_175 = arith.constant 1.000000e+01 : f32
    %div3A_176 = vector.broadcast %div3A_175 : f32 to vector<256xf32>
    %div3A_177 = arith.divf %neg3A_174, %div3A_176 : vector<256xf32>
    %exp3A_178 = math.exp %div3A_177 : vector<256xf32>
    %convert_element_type3A_179 = arith.fptosi %reduce_min3A_162 : vector<256xf32> to vector<256xi32>
    %get3A_180 = arith.constant 0 : index
    %get3A_181 = arith.constant 0 : index
    %get3A_182 = vector.load %arg8[%get3A_180, %get3A_181] : memref<256x4096xf32, #tpu.memory_space<vmem>>, vector<256x4096xf32>
    %reduce_min3A_183 = arith.constant dense<0x7F800000> : vector<256xf32>
    %reduce_min3A_184 = vector.multi_reduction <minimumf>, %get3A_182, %reduce_min3A_183 [1] : vector<256x4096xf32> to vector<256xf32>
    %broadcast_in_dim3A_185 = vector.shape_cast %reduce_min3A_184 : vector<256xf32> to vector<256x1xf32>
    %eq3A_186 = vector.broadcast %broadcast_in_dim3A_185 : vector<256x1xf32> to vector<256x4096xf32>
    %eq3A_187 = arith.cmpf oeq, %get3A_182, %eq3A_186 : vector<256x4096xf32>
    %jit3A_188 = arith.constant 4.096000e+03 : f32
    %broadcast_in_dim3A_189 = vector.broadcast %jit3A_188 : f32 to vector<256x4096xf32>
    %select_n3A_190 = arith.select %eq3A_187, %convert_element_type3A_35, %broadcast_in_dim3A_189 : vector<256x4096xi1>, vector<256x4096xf32>
    %reduce_min3A_191 = arith.constant dense<0x7F800000> : vector<256xf32>
    %reduce_min3A_192 = vector.multi_reduction <minimumf>, %select_n3A_190, %reduce_min3A_191 [1] : vector<256x4096xf32> to vector<256xf32>
    %broadcast_in_dim3A_193 = vector.shape_cast %reduce_min3A_192 : vector<256xf32> to vector<256x1xf32>
    %eq3A_194 = vector.broadcast %broadcast_in_dim3A_193 : vector<256x1xf32> to vector<256x4096xf32>
    %eq3A_195 = arith.cmpf oeq, %select_n3A_190, %eq3A_194 : vector<256x4096xf32>
    %jit3A_196 = arith.constant 0x7F800000 : f32
    %broadcast_in_dim3A_197 = vector.broadcast %jit3A_196 : f32 to vector<256x4096xf32>
    %select_n3A_198 = arith.select %eq3A_195, %broadcast_in_dim3A_197, %get3A_182 : vector<256x4096xi1>, vector<256x4096xf32>
    %swap3A_199 = arith.constant 0 : index
    %swap3A_200 = arith.constant 0 : index
    %swap3A_201 = vector.load %arg8[%swap3A_199, %swap3A_200] : memref<256x4096xf32, #tpu.memory_space<vmem>>, vector<256x4096xf32>
    tpu.vector_store %arg8[%swap3A_199, %swap3A_200], %select_n3A_198 {strides = array<i32>} : memref<256x4096xf32, #tpu.memory_space<vmem>>, vector<256x4096xf32>,
    %neg3A_202 = arith.constant 0.000000e+00 : f32
    %neg3A_203 = vector.broadcast %neg3A_202 : f32 to vector<256xf32>
    %neg3A_204 = arith.subf %neg3A_203, %reduce_min3A_184 : vector<256xf32>
    %div3A_205 = arith.constant 1.000000e+01 : f32
    %div3A_206 = vector.broadcast %div3A_205 : f32 to vector<256xf32>
    %div3A_207 = arith.divf %neg3A_204, %div3A_206 : vector<256xf32>
    %exp3A_208 = math.exp %div3A_207 : vector<256xf32>
    %convert_element_type3A_209 = arith.fptosi %reduce_min3A_192 : vector<256xf32> to vector<256xi32>
    %get3A_210 = arith.constant 0 : index
    %get3A_211 = arith.constant 0 : index
    %get3A_212 = vector.load %arg8[%get3A_210, %get3A_211] : memref<256x4096xf32, #tpu.memory_space<vmem>>, vector<256x4096xf32>
    %reduce_min3A_213 = arith.constant dense<0x7F800000> : vector<256xf32>
    %reduce_min3A_214 = vector.multi_reduction <minimumf>, %get3A_212, %reduce_min3A_213 [1] : vector<256x4096xf32> to vector<256xf32>
    %broadcast_in_dim3A_215 = vector.shape_cast %reduce_min3A_214 : vector<256xf32> to vector<256x1xf32>
    %eq3A_216 = vector.broadcast %broadcast_in_dim3A_215 : vector<256x1xf32> to vector<256x4096xf32>
    %eq3A_217 = arith.cmpf oeq, %get3A_212, %eq3A_216 : vector<256x4096xf32>
    %jit3A_218 = arith.constant 4.096000e+03 : f32
    %broadcast_in_dim3A_219 = vector.broadcast %jit3A_218 : f32 to vector<256x4096xf32>
    %select_n3A_220 = arith.select %eq3A_217, %convert_element_type3A_35, %broadcast_in_dim3A_219 : vector<256x4096xi1>, vector<256x4096xf32>
    %reduce_min3A_221 = arith.constant dense<0x7F800000> : vector<256xf32>
    %reduce_min3A_222 = vector.multi_reduction <minimumf>, %select_n3A_220, %reduce_min3A_221 [1] : vector<256x4096xf32> to vector<256xf32>
    %broadcast_in_dim3A_223 = vector.shape_cast %reduce_min3A_222 : vector<256xf32> to vector<256x1xf32>
    %eq3A_224 = vector.broadcast %broadcast_in_dim3A_223 : vector<256x1xf32> to vector<256x4096xf32>
    %eq3A_225 = arith.cmpf oeq, %select_n3A_220, %eq3A_224 : vector<256x4096xf32>
    %jit3A_226 = arith.constant 0x7F800000 : f32
    %broadcast_in_dim3A_227 = vector.broadcast %jit3A_226 : f32 to vector<256x4096xf32>
    %select_n3A_228 = arith.select %eq3A_225, %broadcast_in_dim3A_227, %get3A_212 : vector<256x4096xi1>, vector<256x4096xf32>
    %swap3A_229 = arith.constant 0 : index
    %swap3A_230 = arith.constant 0 : index
    %swap3A_231 = vector.load %arg8[%swap3A_229, %swap3A_230] : memref<256x4096xf32, #tpu.memory_space<vmem>>, vector<256x4096xf32>
    tpu.vector_store %arg8[%swap3A_229, %swap3A_230], %select_n3A_228 {strides = array<i32>} : memref<256x4096xf32, #tpu.memory_space<vmem>>, vector<256x4096xf32>,
    %neg3A_232 = arith.constant 0.000000e+00 : f32
    %neg3A_233 = vector.broadcast %neg3A_232 : f32 to vector<256xf32>
    %neg3A_234 = arith.subf %neg3A_233, %reduce_min3A_214 : vector<256xf32>
    %div3A_235 = arith.constant 1.000000e+01 : f32
    %div3A_236 = vector.broadcast %div3A_235 : f32 to vector<256xf32>
    %div3A_237 = arith.divf %neg3A_234, %div3A_236 : vector<256xf32>
    %exp3A_238 = math.exp %div3A_237 : vector<256xf32>
    %convert_element_type3A_239 = arith.fptosi %reduce_min3A_222 : vector<256xf32> to vector<256xi32>
    %get3A_240 = arith.constant 0 : index
    %get3A_241 = arith.constant 0 : index
    %get3A_242 = vector.load %arg8[%get3A_240, %get3A_241] : memref<256x4096xf32, #tpu.memory_space<vmem>>, vector<256x4096xf32>
    %reduce_min3A_243 = arith.constant dense<0x7F800000> : vector<256xf32>
    %reduce_min3A_244 = vector.multi_reduction <minimumf>, %get3A_242, %reduce_min3A_243 [1] : vector<256x4096xf32> to vector<256xf32>
    %broadcast_in_dim3A_245 = vector.shape_cast %reduce_min3A_244 : vector<256xf32> to vector<256x1xf32>
    %eq3A_246 = vector.broadcast %broadcast_in_dim3A_245 : vector<256x1xf32> to vector<256x4096xf32>
    %eq3A_247 = arith.cmpf oeq, %get3A_242, %eq3A_246 : vector<256x4096xf32>
    %jit3A_248 = arith.constant 4.096000e+03 : f32
    %broadcast_in_dim3A_249 = vector.broadcast %jit3A_248 : f32 to vector<256x4096xf32>
    %select_n3A_250 = arith.select %eq3A_247, %convert_element_type3A_35, %broadcast_in_dim3A_249 : vector<256x4096xi1>, vector<256x4096xf32>
    %reduce_min3A_251 = arith.constant dense<0x7F800000> : vector<256xf32>
    %reduce_min3A_252 = vector.multi_reduction <minimumf>, %select_n3A_250, %reduce_min3A_251 [1] : vector<256x4096xf32> to vector<256xf32>
    %broadcast_in_dim3A_253 = vector.shape_cast %reduce_min3A_252 : vector<256xf32> to vector<256x1xf32>
    %eq3A_254 = vector.broadcast %broadcast_in_dim3A_253 : vector<256x1xf32> to vector<256x4096xf32>
    %eq3A_255 = arith.cmpf oeq, %select_n3A_250, %eq3A_254 : vector<256x4096xf32>
    %jit3A_256 = arith.constant 0x7F800000 : f32
    %broadcast_in_dim3A_257 = vector.broadcast %jit3A_256 : f32 to vector<256x4096xf32>
    %select_n3A_258 = arith.select %eq3A_255, %broadcast_in_dim3A_257, %get3A_242 : vector<256x4096xi1>, vector<256x4096xf32>
    %swap3A_259 = arith.constant 0 : index
    %swap3A_260 = arith.constant 0 : index
    %swap3A_261 = vector.load %arg8[%swap3A_259, %swap3A_260] : memref<256x4096xf32, #tpu.memory_space<vmem>>, vector<256x4096xf32>
    tpu.vector_store %arg8[%swap3A_259, %swap3A_260], %select_n3A_258 {strides = array<i32>} : memref<256x4096xf32, #tpu.memory_space<vmem>>, vector<256x4096xf32>,
    %neg3A_262 = arith.constant 0.000000e+00 : f32
    %neg3A_263 = vector.broadcast %neg3A_262 : f32 to vector<256xf32>
    %neg3A_264 = arith.subf %neg3A_263, %reduce_min3A_244 : vector<256xf32>
    %div3A_265 = arith.constant 1.000000e+01 : f32
    %div3A_266 = vector.broadcast %div3A_265 : f32 to vector<256xf32>
    %div3A_267 = arith.divf %neg3A_264, %div3A_266 : vector<256xf32>
    %exp3A_268 = math.exp %div3A_267 : vector<256xf32>
    %convert_element_type3A_269 = arith.fptosi %reduce_min3A_252 : vector<256xf32> to vector<256xi32>
    %get3A_270 = arith.constant 0 : index
    %get3A_271 = arith.constant 0 : index
    %get3A_272 = vector.load %arg8[%get3A_270, %get3A_271] : memref<256x4096xf32, #tpu.memory_space<vmem>>, vector<256x4096xf32>
    %reduce_min3A_273 = arith.constant dense<0x7F800000> : vector<256xf32>
    %reduce_min3A_274 = vector.multi_reduction <minimumf>, %get3A_272, %reduce_min3A_273 [1] : vector<256x4096xf32> to vector<256xf32>
    %broadcast_in_dim3A_275 = vector.shape_cast %reduce_min3A_274 : vector<256xf32> to vector<256x1xf32>
    %eq3A_276 = vector.broadcast %broadcast_in_dim3A_275 : vector<256x1xf32> to vector<256x4096xf32>
    %eq3A_277 = arith.cmpf oeq, %get3A_272, %eq3A_276 : vector<256x4096xf32>
    %jit3A_278 = arith.constant 4.096000e+03 : f32
    %broadcast_in_dim3A_279 = vector.broadcast %jit3A_278 : f32 to vector<256x4096xf32>
    %select_n3A_280 = arith.select %eq3A_277, %convert_element_type3A_35, %broadcast_in_dim3A_279 : vector<256x4096xi1>, vector<256x4096xf32>
    %reduce_min3A_281 = arith.constant dense<0x7F800000> : vector<256xf32>
    %reduce_min3A_282 = vector.multi_reduction <minimumf>, %select_n3A_280, %reduce_min3A_281 [1] : vector<256x4096xf32> to vector<256xf32>
    %broadcast_in_dim3A_283 = vector.shape_cast %reduce_min3A_282 : vector<256xf32> to vector<256x1xf32>
    %eq3A_284 = vector.broadcast %broadcast_in_dim3A_283 : vector<256x1xf32> to vector<256x4096xf32>
    %eq3A_285 = arith.cmpf oeq, %select_n3A_280, %eq3A_284 : vector<256x4096xf32>
    %jit3A_286 = arith.constant 0x7F800000 : f32
    %broadcast_in_dim3A_287 = vector.broadcast %jit3A_286 : f32 to vector<256x4096xf32>
    %select_n3A_288 = arith.select %eq3A_285, %broadcast_in_dim3A_287, %get3A_272 : vector<256x4096xi1>, vector<256x4096xf32>
    %swap3A_289 = arith.constant 0 : index
    %swap3A_290 = arith.constant 0 : index
    %swap3A_291 = vector.load %arg8[%swap3A_289, %swap3A_290] : memref<256x4096xf32, #tpu.memory_space<vmem>>, vector<256x4096xf32>
    tpu.vector_store %arg8[%swap3A_289, %swap3A_290], %select_n3A_288 {strides = array<i32>} : memref<256x4096xf32, #tpu.memory_space<vmem>>, vector<256x4096xf32>,
    %neg3A_292 = arith.constant 0.000000e+00 : f32
    %neg3A_293 = vector.broadcast %neg3A_292 : f32 to vector<256xf32>
    %neg3A_294 = arith.subf %neg3A_293, %reduce_min3A_274 : vector<256xf32>
    %div3A_295 = arith.constant 1.000000e+01 : f32
    %div3A_296 = vector.broadcast %div3A_295 : f32 to vector<256xf32>
    %div3A_297 = arith.divf %neg3A_294, %div3A_296 : vector<256xf32>
    %exp3A_298 = math.exp %div3A_297 : vector<256xf32>
    %convert_element_type3A_299 = arith.fptosi %reduce_min3A_282 : vector<256xf32> to vector<256xi32>
    %get3A_300 = arith.constant 0 : index
    %get3A_301 = arith.constant 0 : index
    %get3A_302 = vector.load %arg8[%get3A_300, %get3A_301] : memref<256x4096xf32, #tpu.memory_space<vmem>>, vector<256x4096xf32>
    %reduce_min3A_303 = arith.constant dense<0x7F800000> : vector<256xf32>
    %reduce_min3A_304 = vector.multi_reduction <minimumf>, %get3A_302, %reduce_min3A_303 [1] : vector<256x4096xf32> to vector<256xf32>
    %broadcast_in_dim3A_305 = vector.shape_cast %reduce_min3A_304 : vector<256xf32> to vector<256x1xf32>
    %eq3A_306 = vector.broadcast %broadcast_in_dim3A_305 : vector<256x1xf32> to vector<256x4096xf32>
    %eq3A_307 = arith.cmpf oeq, %get3A_302, %eq3A_306 : vector<256x4096xf32>
    %jit3A_308 = arith.constant 4.096000e+03 : f32
    %broadcast_in_dim3A_309 = vector.broadcast %jit3A_308 : f32 to vector<256x4096xf32>
    %select_n3A_310 = arith.select %eq3A_307, %convert_element_type3A_35, %broadcast_in_dim3A_309 : vector<256x4096xi1>, vector<256x4096xf32>
    %reduce_min3A_311 = arith.constant dense<0x7F800000> : vector<256xf32>
    %reduce_min3A_312 = vector.multi_reduction <minimumf>, %select_n3A_310, %reduce_min3A_311 [1] : vector<256x4096xf32> to vector<256xf32>
    %broadcast_in_dim3A_313 = vector.shape_cast %reduce_min3A_312 : vector<256xf32> to vector<256x1xf32>
    %eq3A_314 = vector.broadcast %broadcast_in_dim3A_313 : vector<256x1xf32> to vector<256x4096xf32>
    %eq3A_315 = arith.cmpf oeq, %select_n3A_310, %eq3A_314 : vector<256x4096xf32>
    %jit3A_316 = arith.constant 0x7F800000 : f32
    %broadcast_in_dim3A_317 = vector.broadcast %jit3A_316 : f32 to vector<256x4096xf32>
    %select_n3A_318 = arith.select %eq3A_315, %broadcast_in_dim3A_317, %get3A_302 : vector<256x4096xi1>, vector<256x4096xf32>
    %swap3A_319 = arith.constant 0 : index
    %swap3A_320 = arith.constant 0 : index
    %swap3A_321 = vector.load %arg8[%swap3A_319, %swap3A_320] : memref<256x4096xf32, #tpu.memory_space<vmem>>, vector<256x4096xf32>
    tpu.vector_store %arg8[%swap3A_319, %swap3A_320], %select_n3A_318 {strides = array<i32>} : memref<256x4096xf32, #tpu.memory_space<vmem>>, vector<256x4096xf32>,
    %neg3A_322 = arith.constant 0.000000e+00 : f32
    %neg3A_323 = vector.broadcast %neg3A_322 : f32 to vector<256xf32>
    %neg3A_324 = arith.subf %neg3A_323, %reduce_min3A_304 : vector<256xf32>
    %div3A_325 = arith.constant 1.000000e+01 : f32
    %div3A_326 = vector.broadcast %div3A_325 : f32 to vector<256xf32>
    %div3A_327 = arith.divf %neg3A_324, %div3A_326 : vector<256xf32>
    %exp3A_328 = math.exp %div3A_327 : vector<256xf32>
    %convert_element_type3A_329 = arith.fptosi %reduce_min3A_312 : vector<256xf32> to vector<256xi32>
    %get3A_330 = arith.constant 0 : index
    %get3A_331 = arith.constant 0 : index
    %get3A_332 = vector.load %arg8[%get3A_330, %get3A_331] : memref<256x4096xf32, #tpu.memory_space<vmem>>, vector<256x4096xf32>
    %reduce_min3A_333 = arith.constant dense<0x7F800000> : vector<256xf32>
    %reduce_min3A_334 = vector.multi_reduction <minimumf>, %get3A_332, %reduce_min3A_333 [1] : vector<256x4096xf32> to vector<256xf32>
    %broadcast_in_dim3A_335 = vector.shape_cast %reduce_min3A_334 : vector<256xf32> to vector<256x1xf32>
    %eq3A_336 = vector.broadcast %broadcast_in_dim3A_335 : vector<256x1xf32> to vector<256x4096xf32>
    %eq3A_337 = arith.cmpf oeq, %get3A_332, %eq3A_336 : vector<256x4096xf32>
    %jit3A_338 = arith.constant 4.096000e+03 : f32
    %broadcast_in_dim3A_339 = vector.broadcast %jit3A_338 : f32 to vector<256x4096xf32>
    %select_n3A_340 = arith.select %eq3A_337, %convert_element_type3A_35, %broadcast_in_dim3A_339 : vector<256x4096xi1>, vector<256x4096xf32>
    %reduce_min3A_341 = arith.constant dense<0x7F800000> : vector<256xf32>
    %reduce_min3A_342 = vector.multi_reduction <minimumf>, %select_n3A_340, %reduce_min3A_341 [1] : vector<256x4096xf32> to vector<256xf32>
    %broadcast_in_dim3A_343 = vector.shape_cast %reduce_min3A_342 : vector<256xf32> to vector<256x1xf32>
    %eq3A_344 = vector.broadcast %broadcast_in_dim3A_343 : vector<256x1xf32> to vector<256x4096xf32>
    %eq3A_345 = arith.cmpf oeq, %select_n3A_340, %eq3A_344 : vector<256x4096xf32>
    %jit3A_346 = arith.constant 0x7F800000 : f32
    %broadcast_in_dim3A_347 = vector.broadcast %jit3A_346 : f32 to vector<256x4096xf32>
    %select_n3A_348 = arith.select %eq3A_345, %broadcast_in_dim3A_347, %get3A_332 : vector<256x4096xi1>, vector<256x4096xf32>
    %swap3A_349 = arith.constant 0 : index
    %swap3A_350 = arith.constant 0 : index
    %swap3A_351 = vector.load %arg8[%swap3A_349, %swap3A_350] : memref<256x4096xf32, #tpu.memory_space<vmem>>, vector<256x4096xf32>
    tpu.vector_store %arg8[%swap3A_349, %swap3A_350], %select_n3A_348 {strides = array<i32>} : memref<256x4096xf32, #tpu.memory_space<vmem>>, vector<256x4096xf32>,
    %neg3A_352 = arith.constant 0.000000e+00 : f32
    %neg3A_353 = vector.broadcast %neg3A_352 : f32 to vector<256xf32>
    %neg3A_354 = arith.subf %neg3A_353, %reduce_min3A_334 : vector<256xf32>
    %div3A_355 = arith.constant 1.000000e+01 : f32
    %div3A_356 = vector.broadcast %div3A_355 : f32 to vector<256xf32>
    %div3A_357 = arith.divf %neg3A_354, %div3A_356 : vector<256xf32>
    %exp3A_358 = math.exp %div3A_357 : vector<256xf32>
    %convert_element_type3A_359 = arith.fptosi %reduce_min3A_342 : vector<256xf32> to vector<256xi32>
    %get3A_360 = arith.constant 0 : index
    %get3A_361 = arith.constant 0 : index
    %get3A_362 = vector.load %arg8[%get3A_360, %get3A_361] : memref<256x4096xf32, #tpu.memory_space<vmem>>, vector<256x4096xf32>
    %reduce_min3A_363 = arith.constant dense<0x7F800000> : vector<256xf32>
    %reduce_min3A_364 = vector.multi_reduction <minimumf>, %get3A_362, %reduce_min3A_363 [1] : vector<256x4096xf32> to vector<256xf32>
    %broadcast_in_dim3A_365 = vector.shape_cast %reduce_min3A_364 : vector<256xf32> to vector<256x1xf32>
    %eq3A_366 = vector.broadcast %broadcast_in_dim3A_365 : vector<256x1xf32> to vector<256x4096xf32>
    %eq3A_367 = arith.cmpf oeq, %get3A_362, %eq3A_366 : vector<256x4096xf32>
    %jit3A_368 = arith.constant 4.096000e+03 : f32
    %broadcast_in_dim3A_369 = vector.broadcast %jit3A_368 : f32 to vector<256x4096xf32>
    %select_n3A_370 = arith.select %eq3A_367, %convert_element_type3A_35, %broadcast_in_dim3A_369 : vector<256x4096xi1>, vector<256x4096xf32>
    %reduce_min3A_371 = arith.constant dense<0x7F800000> : vector<256xf32>
    %reduce_min3A_372 = vector.multi_reduction <minimumf>, %select_n3A_370, %reduce_min3A_371 [1] : vector<256x4096xf32> to vector<256xf32>
    %broadcast_in_dim3A_373 = vector.shape_cast %reduce_min3A_372 : vector<256xf32> to vector<256x1xf32>
    %eq3A_374 = vector.broadcast %broadcast_in_dim3A_373 : vector<256x1xf32> to vector<256x4096xf32>
    %eq3A_375 = arith.cmpf oeq, %select_n3A_370, %eq3A_374 : vector<256x4096xf32>
    %jit3A_376 = arith.constant 0x7F800000 : f32
    %broadcast_in_dim3A_377 = vector.broadcast %jit3A_376 : f32 to vector<256x4096xf32>
    %select_n3A_378 = arith.select %eq3A_375, %broadcast_in_dim3A_377, %get3A_362 : vector<256x4096xi1>, vector<256x4096xf32>
    %swap3A_379 = arith.constant 0 : index
    %swap3A_380 = arith.constant 0 : index
    %swap3A_381 = vector.load %arg8[%swap3A_379, %swap3A_380] : memref<256x4096xf32, #tpu.memory_space<vmem>>, vector<256x4096xf32>
    tpu.vector_store %arg8[%swap3A_379, %swap3A_380], %select_n3A_378 {strides = array<i32>} : memref<256x4096xf32, #tpu.memory_space<vmem>>, vector<256x4096xf32>,
    %neg3A_382 = arith.constant 0.000000e+00 : f32
    %neg3A_383 = vector.broadcast %neg3A_382 : f32 to vector<256xf32>
    %neg3A_384 = arith.subf %neg3A_383, %reduce_min3A_364 : vector<256xf32>
    %div3A_385 = arith.constant 1.000000e+01 : f32
    %div3A_386 = vector.broadcast %div3A_385 : f32 to vector<256xf32>
    %div3A_387 = arith.divf %neg3A_384, %div3A_386 : vector<256xf32>
    %exp3A_388 = math.exp %div3A_387 : vector<256xf32>
    %convert_element_type3A_389 = arith.fptosi %reduce_min3A_372 : vector<256xf32> to vector<256xi32>
    %get3A_390 = arith.constant 0 : index
    %get3A_391 = arith.constant 0 : index
    %get3A_392 = vector.load %arg8[%get3A_390, %get3A_391] : memref<256x4096xf32, #tpu.memory_space<vmem>>, vector<256x4096xf32>
    %reduce_min3A_393 = arith.constant dense<0x7F800000> : vector<256xf32>
    %reduce_min3A_394 = vector.multi_reduction <minimumf>, %get3A_392, %reduce_min3A_393 [1] : vector<256x4096xf32> to vector<256xf32>
    %broadcast_in_dim3A_395 = vector.shape_cast %reduce_min3A_394 : vector<256xf32> to vector<256x1xf32>
    %eq3A_396 = vector.broadcast %broadcast_in_dim3A_395 : vector<256x1xf32> to vector<256x4096xf32>
    %eq3A_397 = arith.cmpf oeq, %get3A_392, %eq3A_396 : vector<256x4096xf32>
    %jit3A_398 = arith.constant 4.096000e+03 : f32
    %broadcast_in_dim3A_399 = vector.broadcast %jit3A_398 : f32 to vector<256x4096xf32>
    %select_n3A_400 = arith.select %eq3A_397, %convert_element_type3A_35, %broadcast_in_dim3A_399 : vector<256x4096xi1>, vector<256x4096xf32>
    %reduce_min3A_401 = arith.constant dense<0x7F800000> : vector<256xf32>
    %reduce_min3A_402 = vector.multi_reduction <minimumf>, %select_n3A_400, %reduce_min3A_401 [1] : vector<256x4096xf32> to vector<256xf32>
    %broadcast_in_dim3A_403 = vector.shape_cast %reduce_min3A_402 : vector<256xf32> to vector<256x1xf32>
    %eq3A_404 = vector.broadcast %broadcast_in_dim3A_403 : vector<256x1xf32> to vector<256x4096xf32>
    %eq3A_405 = arith.cmpf oeq, %select_n3A_400, %eq3A_404 : vector<256x4096xf32>
    %jit3A_406 = arith.constant 0x7F800000 : f32
    %broadcast_in_dim3A_407 = vector.broadcast %jit3A_406 : f32 to vector<256x4096xf32>
    %select_n3A_408 = arith.select %eq3A_405, %broadcast_in_dim3A_407, %get3A_392 : vector<256x4096xi1>, vector<256x4096xf32>
    %swap3A_409 = arith.constant 0 : index
    %swap3A_410 = arith.constant 0 : index
    %swap3A_411 = vector.load %arg8[%swap3A_409, %swap3A_410] : memref<256x4096xf32, #tpu.memory_space<vmem>>, vector<256x4096xf32>
    tpu.vector_store %arg8[%swap3A_409, %swap3A_410], %select_n3A_408 {strides = array<i32>} : memref<256x4096xf32, #tpu.memory_space<vmem>>, vector<256x4096xf32>,
    %neg3A_412 = arith.constant 0.000000e+00 : f32
    %neg3A_413 = vector.broadcast %neg3A_412 : f32 to vector<256xf32>
    %neg3A_414 = arith.subf %neg3A_413, %reduce_min3A_394 : vector<256xf32>
    %div3A_415 = arith.constant 1.000000e+01 : f32
    %div3A_416 = vector.broadcast %div3A_415 : f32 to vector<256xf32>
    %div3A_417 = arith.divf %neg3A_414, %div3A_416 : vector<256xf32>
    %exp3A_418 = math.exp %div3A_417 : vector<256xf32>
    %convert_element_type3A_419 = arith.fptosi %reduce_min3A_402 : vector<256xf32> to vector<256xi32>
    %get3A_420 = arith.constant 0 : index
    %get3A_421 = arith.constant 0 : index
    %get3A_422 = vector.load %arg8[%get3A_420, %get3A_421] : memref<256x4096xf32, #tpu.memory_space<vmem>>, vector<256x4096xf32>
    %reduce_min3A_423 = arith.constant dense<0x7F800000> : vector<256xf32>
    %reduce_min3A_424 = vector.multi_reduction <minimumf>, %get3A_422, %reduce_min3A_423 [1] : vector<256x4096xf32> to vector<256xf32>
    %broadcast_in_dim3A_425 = vector.shape_cast %reduce_min3A_424 : vector<256xf32> to vector<256x1xf32>
    %eq3A_426 = vector.broadcast %broadcast_in_dim3A_425 : vector<256x1xf32> to vector<256x4096xf32>
    %eq3A_427 = arith.cmpf oeq, %get3A_422, %eq3A_426 : vector<256x4096xf32>
    %jit3A_428 = arith.constant 4.096000e+03 : f32
    %broadcast_in_dim3A_429 = vector.broadcast %jit3A_428 : f32 to vector<256x4096xf32>
    %select_n3A_430 = arith.select %eq3A_427, %convert_element_type3A_35, %broadcast_in_dim3A_429 : vector<256x4096xi1>, vector<256x4096xf32>
    %reduce_min3A_431 = arith.constant dense<0x7F800000> : vector<256xf32>
    %reduce_min3A_432 = vector.multi_reduction <minimumf>, %select_n3A_430, %reduce_min3A_431 [1] : vector<256x4096xf32> to vector<256xf32>
    %broadcast_in_dim3A_433 = vector.shape_cast %reduce_min3A_432 : vector<256xf32> to vector<256x1xf32>
    %eq3A_434 = vector.broadcast %broadcast_in_dim3A_433 : vector<256x1xf32> to vector<256x4096xf32>
    %eq3A_435 = arith.cmpf oeq, %select_n3A_430, %eq3A_434 : vector<256x4096xf32>
    %jit3A_436 = arith.constant 0x7F800000 : f32
    %broadcast_in_dim3A_437 = vector.broadcast %jit3A_436 : f32 to vector<256x4096xf32>
    %select_n3A_438 = arith.select %eq3A_435, %broadcast_in_dim3A_437, %get3A_422 : vector<256x4096xi1>, vector<256x4096xf32>
    %swap3A_439 = arith.constant 0 : index
    %swap3A_440 = arith.constant 0 : index
    %swap3A_441 = vector.load %arg8[%swap3A_439, %swap3A_440] : memref<256x4096xf32, #tpu.memory_space<vmem>>, vector<256x4096xf32>
    tpu.vector_store %arg8[%swap3A_439, %swap3A_440], %select_n3A_438 {strides = array<i32>} : memref<256x4096xf32, #tpu.memory_space<vmem>>, vector<256x4096xf32>,
    %neg3A_442 = arith.constant 0.000000e+00 : f32
    %neg3A_443 = vector.broadcast %neg3A_442 : f32 to vector<256xf32>
    %neg3A_444 = arith.subf %neg3A_443, %reduce_min3A_424 : vector<256xf32>
    %div3A_445 = arith.constant 1.000000e+01 : f32
    %div3A_446 = vector.broadcast %div3A_445 : f32 to vector<256xf32>
    %div3A_447 = arith.divf %neg3A_444, %div3A_446 : vector<256xf32>
    %exp3A_448 = math.exp %div3A_447 : vector<256xf32>
    %convert_element_type3A_449 = arith.fptosi %reduce_min3A_432 : vector<256xf32> to vector<256xi32>
    %get3A_450 = arith.constant 0 : index
    %get3A_451 = arith.constant 0 : index
    %get3A_452 = vector.load %arg8[%get3A_450, %get3A_451] : memref<256x4096xf32, #tpu.memory_space<vmem>>, vector<256x4096xf32>
    %reduce_min3A_453 = arith.constant dense<0x7F800000> : vector<256xf32>
    %reduce_min3A_454 = vector.multi_reduction <minimumf>, %get3A_452, %reduce_min3A_453 [1] : vector<256x4096xf32> to vector<256xf32>
    %broadcast_in_dim3A_455 = vector.shape_cast %reduce_min3A_454 : vector<256xf32> to vector<256x1xf32>
    %eq3A_456 = vector.broadcast %broadcast_in_dim3A_455 : vector<256x1xf32> to vector<256x4096xf32>
    %eq3A_457 = arith.cmpf oeq, %get3A_452, %eq3A_456 : vector<256x4096xf32>
    %jit3A_458 = arith.constant 4.096000e+03 : f32
    %broadcast_in_dim3A_459 = vector.broadcast %jit3A_458 : f32 to vector<256x4096xf32>
    %select_n3A_460 = arith.select %eq3A_457, %convert_element_type3A_35, %broadcast_in_dim3A_459 : vector<256x4096xi1>, vector<256x4096xf32>
    %reduce_min3A_461 = arith.constant dense<0x7F800000> : vector<256xf32>
    %reduce_min3A_462 = vector.multi_reduction <minimumf>, %select_n3A_460, %reduce_min3A_461 [1] : vector<256x4096xf32> to vector<256xf32>
    %broadcast_in_dim3A_463 = vector.shape_cast %reduce_min3A_462 : vector<256xf32> to vector<256x1xf32>
    %eq3A_464 = vector.broadcast %broadcast_in_dim3A_463 : vector<256x1xf32> to vector<256x4096xf32>
    %eq3A_465 = arith.cmpf oeq, %select_n3A_460, %eq3A_464 : vector<256x4096xf32>
    %jit3A_466 = arith.constant 0x7F800000 : f32
    %broadcast_in_dim3A_467 = vector.broadcast %jit3A_466 : f32 to vector<256x4096xf32>
    %select_n3A_468 = arith.select %eq3A_465, %broadcast_in_dim3A_467, %get3A_452 : vector<256x4096xi1>, vector<256x4096xf32>
    %swap3A_469 = arith.constant 0 : index
    %swap3A_470 = arith.constant 0 : index
    %swap3A_471 = vector.load %arg8[%swap3A_469, %swap3A_470] : memref<256x4096xf32, #tpu.memory_space<vmem>>, vector<256x4096xf32>
    tpu.vector_store %arg8[%swap3A_469, %swap3A_470], %select_n3A_468 {strides = array<i32>} : memref<256x4096xf32, #tpu.memory_space<vmem>>, vector<256x4096xf32>,
    %neg3A_472 = arith.constant 0.000000e+00 : f32
    %neg3A_473 = vector.broadcast %neg3A_472 : f32 to vector<256xf32>
    %neg3A_474 = arith.subf %neg3A_473, %reduce_min3A_454 : vector<256xf32>
    %div3A_475 = arith.constant 1.000000e+01 : f32
    %div3A_476 = vector.broadcast %div3A_475 : f32 to vector<256xf32>
    %div3A_477 = arith.divf %neg3A_474, %div3A_476 : vector<256xf32>
    %exp3A_478 = math.exp %div3A_477 : vector<256xf32>
    %convert_element_type3A_479 = arith.fptosi %reduce_min3A_462 : vector<256xf32> to vector<256xi32>
    %get3A_480 = arith.constant 0 : index
    %get3A_481 = arith.constant 0 : index
    %get3A_482 = vector.load %arg8[%get3A_480, %get3A_481] : memref<256x4096xf32, #tpu.memory_space<vmem>>, vector<256x4096xf32>
    %reduce_min3A_483 = arith.constant dense<0x7F800000> : vector<256xf32>
    %reduce_min3A_484 = vector.multi_reduction <minimumf>, %get3A_482, %reduce_min3A_483 [1] : vector<256x4096xf32> to vector<256xf32>
    %broadcast_in_dim3A_485 = vector.shape_cast %reduce_min3A_484 : vector<256xf32> to vector<256x1xf32>
    %eq3A_486 = vector.broadcast %broadcast_in_dim3A_485 : vector<256x1xf32> to vector<256x4096xf32>
    %eq3A_487 = arith.cmpf oeq, %get3A_482, %eq3A_486 : vector<256x4096xf32>
    %jit3A_488 = arith.constant 4.096000e+03 : f32
    %broadcast_in_dim3A_489 = vector.broadcast %jit3A_488 : f32 to vector<256x4096xf32>
    %select_n3A_490 = arith.select %eq3A_487, %convert_element_type3A_35, %broadcast_in_dim3A_489 : vector<256x4096xi1>, vector<256x4096xf32>
    %reduce_min3A_491 = arith.constant dense<0x7F800000> : vector<256xf32>
    %reduce_min3A_492 = vector.multi_reduction <minimumf>, %select_n3A_490, %reduce_min3A_491 [1] : vector<256x4096xf32> to vector<256xf32>
    %neg3A_493 = arith.constant 0.000000e+00 : f32
    %neg3A_494 = vector.broadcast %neg3A_493 : f32 to vector<256xf32>
    %neg3A_495 = arith.subf %neg3A_494, %reduce_min3A_484 : vector<256xf32>
    %div3A_496 = arith.constant 1.000000e+01 : f32
    %div3A_497 = vector.broadcast %div3A_496 : f32 to vector<256xf32>
    %div3A_498 = arith.divf %neg3A_495, %div3A_497 : vector<256xf32>
    %exp3A_499 = math.exp %div3A_498 : vector<256xf32>
    %convert_element_type3A_500 = arith.fptosi %reduce_min3A_492 : vector<256xf32> to vector<256xi32>
    %stack3A = vector.shape_cast %exp3A : vector<256xf32> to vector<1x256xf32>
    %stack3A_501 = vector.shape_cast %exp3A_88 : vector<256xf32> to vector<1x256xf32>
    %stack3A_502 = vector.shape_cast %exp3A_118 : vector<256xf32> to vector<1x256xf32>
    %stack3A_503 = vector.shape_cast %exp3A_148 : vector<256xf32> to vector<1x256xf32>
    %stack3A_504 = vector.shape_cast %exp3A_178 : vector<256xf32> to vector<1x256xf32>
    %stack3A_505 = vector.shape_cast %exp3A_208 : vector<256xf32> to vector<1x256xf32>
    %stack3A_506 = vector.shape_cast %exp3A_238 : vector<256xf32> to vector<1x256xf32>
    %stack3A_507 = vector.shape_cast %exp3A_268 : vector<256xf32> to vector<1x256xf32>
    %stack3A_508 = vector.shape_cast %exp3A_298 : vector<256xf32> to vector<1x256xf32>
    %stack3A_509 = vector.shape_cast %exp3A_328 : vector<256xf32> to vector<1x256xf32>
    %stack3A_510 = vector.shape_cast %exp3A_358 : vector<256xf32> to vector<1x256xf32>
    %stack3A_511 = vector.shape_cast %exp3A_388 : vector<256xf32> to vector<1x256xf32>
    %stack3A_512 = vector.shape_cast %exp3A_418 : vector<256xf32> to vector<1x256xf32>
    %stack3A_513 = vector.shape_cast %exp3A_448 : vector<256xf32> to vector<1x256xf32>
    %stack3A_514 = vector.shape_cast %exp3A_478 : vector<256xf32> to vector<1x256xf32>
    %stack3A_515 = vector.shape_cast %exp3A_499 : vector<256xf32> to vector<1x256xf32>
    %stack3A_516 = tpu.concatenate %stack3A, %stack3A_501, %stack3A_502, %stack3A_503, %stack3A_504, %stack3A_505, %stack3A_506, %stack3A_507, %stack3A_508, %stack3A_509, %stack3A_510, %stack3A_511, %stack3A_512, %stack3A_513, %stack3A_514, %stack3A_515 in 0 : vector<1x256xf32>, vector<1x256xf32>, vector<1x256xf32>, vector<1x256xf32>, vector<1x256xf32>, vector<1x256xf32>, vector<1x256xf32>, vector<1x256xf32>, vector<1x256xf32>, vector<1x256xf32>, vector<1x256xf32>, vector<1x256xf32>, vector<1x256xf32>, vector<1x256xf32>, vector<1x256xf32>, vector<1x256xf32> -> vector<16x256xf32>
    %swap3A_517 = arith.constant 0 : index
    %swap3A_518 = arith.constant 0 : index
    %swap3A_519 = vector.load %arg3[%swap3A_517, %swap3A_518] : memref<16x256xf32, #tpu.memory_space<vmem>>, vector<16x256xf32>
    tpu.vector_store %arg3[%swap3A_517, %swap3A_518], %stack3A_516 {strides = array<i32>} : memref<16x256xf32, #tpu.memory_space<vmem>>, vector<16x256xf32>,
    %stack3A_520 = vector.shape_cast %convert_element_type3A_59 : vector<256xi32> to vector<256x1xi32>
    %stack3A_521 = vector.shape_cast %convert_element_type3A_89 : vector<256xi32> to vector<256x1xi32>
    %stack3A_522 = vector.shape_cast %convert_element_type3A_119 : vector<256xi32> to vector<256x1xi32>
    %stack3A_523 = vector.shape_cast %convert_element_type3A_149 : vector<256xi32> to vector<256x1xi32>
    %stack3A_524 = vector.shape_cast %convert_element_type3A_179 : vector<256xi32> to vector<256x1xi32>
    %stack3A_525 = vector.shape_cast %convert_element_type3A_209 : vector<256xi32> to vector<256x1xi32>
    %stack3A_526 = vector.shape_cast %convert_element_type3A_239 : vector<256xi32> to vector<256x1xi32>
    %stack3A_527 = vector.shape_cast %convert_element_type3A_269 : vector<256xi32> to vector<256x1xi32>
    %stack3A_528 = vector.shape_cast %convert_element_type3A_299 : vector<256xi32> to vector<256x1xi32>
    %stack3A_529 = vector.shape_cast %convert_element_type3A_329 : vector<256xi32> to vector<256x1xi32>
    %stack3A_530 = vector.shape_cast %convert_element_type3A_359 : vector<256xi32> to vector<256x1xi32>
    %stack3A_531 = vector.shape_cast %convert_element_type3A_389 : vector<256xi32> to vector<256x1xi32>
    %stack3A_532 = vector.shape_cast %convert_element_type3A_419 : vector<256xi32> to vector<256x1xi32>
    %stack3A_533 = vector.shape_cast %convert_element_type3A_449 : vector<256xi32> to vector<256x1xi32>
    %stack3A_534 = vector.shape_cast %convert_element_type3A_479 : vector<256xi32> to vector<256x1xi32>
    %stack3A_535 = vector.shape_cast %convert_element_type3A_500 : vector<256xi32> to vector<256x1xi32>
    %stack3A_536 = tpu.concatenate %stack3A_520, %stack3A_521, %stack3A_522, %stack3A_523, %stack3A_524, %stack3A_525, %stack3A_526, %stack3A_527, %stack3A_528, %stack3A_529, %stack3A_530, %stack3A_531, %stack3A_532, %stack3A_533, %stack3A_534, %stack3A_535 in 1 : vector<256x1xi32>, vector<256x1xi32>, vector<256x1xi32>, vector<256x1xi32>, vector<256x1xi32>, vector<256x1xi32>, vector<256x1xi32>, vector<256x1xi32>, vector<256x1xi32>, vector<256x1xi32>, vector<256x1xi32>, vector<256x1xi32>, vector<256x1xi32>, vector<256x1xi32>, vector<256x1xi32>, vector<256x1xi32> -> vector<256x16xi32>
    %swap3A_537 = arith.constant 0 : index
    %swap3A_538 = arith.constant 0 : index
    %swap3A_539 = vector.load %arg4[%swap3A_537, %swap3A_538] : memref<256x16xi32, #tpu.memory_space<vmem>>, vector<256x16xi32>
    tpu.vector_store %arg4[%swap3A_537, %swap3A_538], %stack3A_536 {strides = array<i32>} : memref<256x16xi32, #tpu.memory_space<vmem>>, vector<256x16xi32>,
    %stack3A_540 = vector.shape_cast %convert_element_type3A_59 : vector<256xi32> to vector<1x256xi32>
    %stack3A_541 = vector.shape_cast %convert_element_type3A_89 : vector<256xi32> to vector<1x256xi32>
    %stack3A_542 = vector.shape_cast %convert_element_type3A_119 : vector<256xi32> to vector<1x256xi32>
    %stack3A_543 = vector.shape_cast %convert_element_type3A_149 : vector<256xi32> to vector<1x256xi32>
    %stack3A_544 = vector.shape_cast %convert_element_type3A_179 : vector<256xi32> to vector<1x256xi32>
    %stack3A_545 = vector.shape_cast %convert_element_type3A_209 : vector<256xi32> to vector<1x256xi32>
    %stack3A_546 = vector.shape_cast %convert_element_type3A_239 : vector<256xi32> to vector<1x256xi32>
    %stack3A_547 = vector.shape_cast %convert_element_type3A_269 : vector<256xi32> to vector<1x256xi32>
    %stack3A_548 = vector.shape_cast %convert_element_type3A_299 : vector<256xi32> to vector<1x256xi32>
    %stack3A_549 = vector.shape_cast %convert_element_type3A_329 : vector<256xi32> to vector<1x256xi32>
    %stack3A_550 = vector.shape_cast %convert_element_type3A_359 : vector<256xi32> to vector<1x256xi32>
    %stack3A_551 = vector.shape_cast %convert_element_type3A_389 : vector<256xi32> to vector<1x256xi32>
    %stack3A_552 = vector.shape_cast %convert_element_type3A_419 : vector<256xi32> to vector<1x256xi32>
    %stack3A_553 = vector.shape_cast %convert_element_type3A_449 : vector<256xi32> to vector<1x256xi32>
    %stack3A_554 = vector.shape_cast %convert_element_type3A_479 : vector<256xi32> to vector<1x256xi32>
    %stack3A_555 = vector.shape_cast %convert_element_type3A_500 : vector<256xi32> to vector<1x256xi32>
    %stack3A_556 = tpu.concatenate %stack3A_540, %stack3A_541, %stack3A_542, %stack3A_543, %stack3A_544, %stack3A_545, %stack3A_546, %stack3A_547, %stack3A_548, %stack3A_549, %stack3A_550, %stack3A_551, %stack3A_552, %stack3A_553, %stack3A_554, %stack3A_555 in 0 : vector<1x256xi32>, vector<1x256xi32>, vector<1x256xi32>, vector<1x256xi32>, vector<1x256xi32>, vector<1x256xi32>, vector<1x256xi32>, vector<1x256xi32>, vector<1x256xi32>, vector<1x256xi32>, vector<1x256xi32>, vector<1x256xi32>, vector<1x256xi32>, vector<1x256xi32>, vector<1x256xi32>, vector<1x256xi32> -> vector<16x256xi32>
    %swap3A_557 = arith.constant 0 : index
    %swap3A_558 = arith.constant 0 : index
    %swap3A_559 = vector.load %arg5[%swap3A_557, %swap3A_558] : memref<16x256xi32, #tpu.memory_space<vmem>>, vector<16x256xi32>
    tpu.vector_store %arg5[%swap3A_557, %swap3A_558], %stack3A_556 {strides = array<i32>} : memref<16x256xi32, #tpu.memory_space<vmem>>, vector<16x256xi32>,
    return
  }
  func.func @transform_0(%arg0: i32) -> (i32, i32) {
    %c0_i32 = arith.constant 0 : i32
    %c0_i32_0 = arith.constant 0 : i32
    return %arg0, %c0_i32 : i32, i32
  }
  func.func @transform_1(%arg0: i32) -> (i32, i32) {
    %c0_i32 = arith.constant 0 : i32
    %c0_i32_0 = arith.constant 0 : i32
    %c0_i32_1 = arith.constant 0 : i32
    return %c0_i32, %c0_i32_0 : i32, i32
  }
  func.func @transform_2(%arg0: i32) -> (i32, i32) {
    %c0_i32 = arith.constant 0 : i32
    %c0_i32_0 = arith.constant 0 : i32
    return %c0_i32, %arg0 : i32, i32
  }
  func.func @transform_3(%arg0: i32) -> (i32, i32) {
    %c0_i32 = arith.constant 0 : i32
    %c0_i32_0 = arith.constant 0 : i32
    return %arg0, %c0_i32 : i32, i32
  }
  func.func @transform_4(%arg0: i32) -> (i32, i32) {
    %c0_i32 = arith.constant 0 : i32
    %c0_i32_0 = arith.constant 0 : i32
    return %c0_i32, %arg0 : i32, i32
  }
  func.func @transform_5(%arg0: i32) -> (i32, i32) {
    %c0_i32 = arith.constant 0 : i32
    %c0_i32_0 = arith.constant 0 : i32
    return %c0_i32, %arg0 : i32, i32
  }
  func.func @transform_6(%arg0: i32) -> (i32, i32) {
    %c0_i32 = arith.constant 0 : i32
    %c0_i32_0 = arith.constant 0 : i32
    return %c0_i32, %arg0 : i32, i32
  }
}

</mosaic_0001>

<sc_bundles>
// kernel: kernel.4.cloned.1.call-start
scs
__scs_entry_jumppad:
0x0: {  	(pc) =	sbr.rel $0x88, $3  }
0x1: {  	(tag) =	ssettag $0x0;
	lr =	simm.s32 $0x1  }
0x2: {  	[smem:$0x3F9F] =	sst lr;
	_ =	strace $0xD0000000  }
0x3: {  	_ = 	snop  }
0x4: {  	_ = 	snop  }
0x5: {  	_ = 	snop  }
0x6: {  	_ = 	snop  }
0x7: {  	_ = 	snop  }
__scs_overlays_trampoline_lowered:
0x8: {  	[smem:$0x3FAE] =	sst s0  }
0x9: {  	[smem:$0x3FAF] =	sst s1  }
0xa: {  	[smem:$0x3FB0] =	sst s2  }
0xb: {  	[smem:$0x3FB1] =	sst s3  }
0xc: {  	[smem:$0x3FB2] =	sst s4  }
0xd: {  	[smem:$0x3FB3] =	sst s5  }
0xe: {  	[smem:$0x3FB4] =	sst s6  }
0xf: {  	[smem:$0x3FB5] =	sst s7  }
0x10: {  	[smem:$0x3FB6] =	sst s8  }
0x11: {  	[smem:$0x3FB7] =	sst s9;
	s0 =	simm.s32 @!p0 $0x0  }
0x12: {  	s1 =	sld [smem:$0x3F9D];
	s0 =	simm.s32 @p0 $0x1  }
0x13: {  	[smem:$0x3FB8] =	sst s0;
	s0 =	simm.s32 @!p1 $0x0  }
0x14: {  	s2 =	sld [smem:$0x3F9C];
	s0 =	simm.s32 @p1 $0x1  }
0x15: {  	[smem:$0x3FB9] =	sst s0;
	s0 =	simm.s32 @!p2 $0x0  }
0x16: {  	s3 =	sld [smem:$0x3FDB];
	s0 =	simm.s32 @p2 $0x1  }
0x17: {  	s4 =	simm.s32 $0x1BF5;
	[smem:$0x3FBB] =	sst s0  }
0x18: {  	s0 =	sld [smem:$0x3F9E];
	_ =	swait.ge [sflag:s4], $0x0  }
0x19: {  	s7 =	sld [smem:$0x3F9F]  }
0x1a: {  	s8 =	sadd.s32 $0xFFFFE003, lr  }
0x1b: {  	s9 =	sadd.s32 $0xFFFFFEF7, lr;
	s5 =	simm.s32 $0xFFFFFFFF;
	p2 =	slt.u32 s8, $0xFFFFF086  }
0x1c: {  	p1 =	slt.u32 s9, $0xF7A;
	s5 =	simm.s32 @!p2 $0x0  }
0x1d: {  	s5 =	simm.s32 @p1 $0x1;
	p0 =	seq.s32 s7, s2  }
0x1e: {  	s7 =	smul.u32 @!p0 $0xF7A, s2;
	p2 =	seq.s32 @!p0 s5, $0x0  }
0x1f: {  	s9 =	smul.u32 $0xF7A, s1;
	s8 =	simm.s32 @!p0 $0x1BF5;
	p2 =	por !p2, p0  }
0x20: {  	[sflag:s8] =	ssyncset.s32 @!p0 $0xFFFFF086;
	s6 =	sadd.s32 @!p0 s3, s7;
	s7 =	simm.s32 @!p0 $0x108  }
0x21: {  	s3 =	sadd.s32 s3, s9;
	s6 =	sadd.s32 @!p0 $0x88, s6;
	s7 =	simm.s32 @p2 $0x1082  }
0x22: {  	[simem:s7], [sflag:s8] =	dma.local @!p0 [hbm:s6], $0xF7A  }
0x23: {  	s9 =	sor.u32 $0xD0000000, s2;
	s6 =	simm.s32 $0x108;
	_ =	swait.ge @!p0 [sflag:s8], $0x0  }
0x24: {  	s3 =	sadd.s32 $0x88, s3;
	s6 =	simm.s32 @!p1 $0x1082;
	[sflag:s4] =	ssyncset.s32 $0xFFFFF086  }
0x25: {  	[simem:s6], [sflag:s4] =	dma.local [hbm:s3], $0xF7A  }
0x26: {  	[smem:$0x3F9F] =	sst s1;
	(tag) =	ssettag s2;
	_ =	strace s9  }
0x27: {  	s1 =	sld [smem:$0x3FAF]  }
0x28: {  	s2 =	sld [smem:$0x3FB0]  }
0x29: {  	s4 =	sld [smem:$0x3FB2]  }
0x2a: {  	p0 =	seq.s32 s5, $0x0;
	s5 =	sld [smem:$0x3FB3]  }
0x2b: {  	s6 =	sld [smem:$0x3FB4]  }
0x2c: {  	s7 =	sld [smem:$0x3FB5]  }
0x2d: {  	s3 =	simm.s32 $0x108;
	s8 =	sld [smem:$0x3FB6]  }
0x2e: {  	s3 =	simm.s32 @!p0 $0x1082;
	s9 =	sld [smem:$0x3FB7]  }
0x2f: {  	lr =	sadd.s32 s0, s3;
	s0 =	sld [smem:$0x3FAE]  }
0x30: {  	s3 =	sld [smem:$0x3FB1]  }
0x31: {  	[smem:$0x3FBA] =	sst s10  }
0x32: {  	s10 =	sld [smem:$0x3FB8];
	_ =	sdelay $0x3  }
0x33: {  	p0 =	seq.s32 s10, $0x1;
	s10 =	sld [smem:$0x3FBA];
	_ =	sdelay $0x3  }
0x34: {  	[smem:$0x3FBA] =	sst s10  }
0x35: {  	s10 =	sld [smem:$0x3FB9];
	_ =	sdelay $0x3  }
0x36: {  	p1 =	seq.s32 s10, $0x1;
	s10 =	sld [smem:$0x3FBA];
	_ =	sdelay $0x3  }
0x37: {  	[smem:$0x3FBA] =	sst s10  }
0x38: {  	s10 =	sld [smem:$0x3FBB]  }
0x39: {  	_ = 	snop;
	(pc) =	sbr.ind lr, $3  }
0x3a: {  	_ = 	snop  }
0x3b: {  	_ = 	snop  }
0x3c: {  	p2 =	seq.s32 s10, $0x1;
	s10 =	sld [smem:$0x3FBA]  }
0x3d: {  	_ =	shalt  }
0x3e: {  	_ =	shalt  }
0x3f: {  	_ =	shalt  }
0x40: {  	_ =	shalt  }
0x41: {  	_ =	shalt  }
0x42: {  	_ =	shalt  }
0x43: {  	_ =	shalt  }
0x44: {  	_ =	shalt  }
0x45: {  	_ =	shalt  }
0x46: {  	_ =	shalt  }
0x47: {  	_ =	shalt  }
0x48: {  	_ =	shalt  }
0x49: {  	_ =	shalt  }
0x4a: {  	_ =	shalt  }
0x4b: {  	_ =	shalt  }
0x4c: {  	_ =	shalt  }
0x4d: {  	_ =	shalt  }
0x4e: {  	_ =	shalt  }
0x4f: {  	_ =	shalt  }
0x50: {  	_ =	shalt  }
0x51: {  	_ =	shalt  }
0x52: {  	_ =	shalt  }
0x53: {  	_ =	shalt  }
0x54: {  	_ =	shalt  }
0x55: {  	_ =	shalt  }
0x56: {  	_ =	shalt  }
0x57: {  	_ =	shalt  }
0x58: {  	_ =	shalt  }
0x59: {  	_ =	shalt  }
0x5a: {  	_ =	shalt  }
0x5b: {  	_ =	shalt  }
0x5c: {  	_ =	shalt  }
0x5d: {  	_ =	shalt  }
0x5e: {  	_ =	shalt  }
0x5f: {  	_ =	shalt  }
0x60: {  	_ =	shalt  }
0x61: {  	_ =	shalt  }
0x62: {  	_ =	shalt  }
0x63: {  	_ =	shalt  }
0x64: {  	_ =	shalt  }
0x65: {  	_ =	shalt  }
0x66: {  	_ =	shalt  }
0x67: {  	_ =	shalt  }
0x68: {  	_ =	shalt  }
0x69: {  	_ =	shalt  }
0x6a: {  	_ =	shalt  }
0x6b: {  	_ =	shalt  }
0x6c: {  	_ =	shalt  }
0x6d: {  	_ =	shalt  }
0x6e: {  	_ =	shalt  }
0x6f: {  	_ =	shalt  }
0x70: {  	_ =	shalt  }
0x71: {  	_ =	shalt  }
0x72: {  	_ =	shalt  }
0x73: {  	_ =	shalt  }
0x74: {  	_ =	shalt  }
0x75: {  	_ =	shalt  }
0x76: {  	_ =	shalt  }
0x77: {  	_ =	shalt  }
0x78: {  	_ =	shalt  }
0x79: {  	_ =	shalt  }
0x7a: {  	_ =	shalt  }
0x7b: {  	_ =	shalt  }
0x7c: {  	_ =	shalt  }
0x7d: {  	_ =	shalt  }
0x7e: {  	_ =	shalt  }
0x7f: {  	_ =	shalt  }
0x80: {  	_ =	shalt  }
0x81: {  	_ =	shalt  }
0x82: {  	_ =	shalt  }
0x83: {  	_ =	shalt  }
0x84: {  	_ =	shalt  }
0x85: {  	_ =	shalt  }
0x86: {  	_ =	shalt  }
0x87: {  	_ =	shalt  }
.Lfunc_end0:
.L_simem_size_0:
called_computation_lowered:
.L_overlay_start_0:
0x88: {  	s2 =	sld [smem:$0x3FD9]  }
0x89: {  	s3 =	sld [smem:$0x3FFE];
	_ =	sdelay $0x1  }
0x8a: {  	s1 =	srdreg.scid  }
0x8b: {  	s0 =	sand.u32 $0x1, s1  }
0x8c: {  	s14 =	sshll.u32 s0, $0xA;
	s2 =	sadd.s32 s3, s2  }
0x8d: {  	s2 =	sadd.s32 s2, s14  }
0x8e: {  	[smem:$0x3FC6] =	sst s2  }
0x8f: {  	_ = 	snop  }
0x90: {  	s2 =	sld [smem:$0x3FD0];
	_ =	sdelay $0x2  }
0x91: {  	s15 =	simm.s32 $0xA;
	s4 =	simm.s32 $0x10  }
0x92: {  	[smem:s4], [sflag:s15] =	dma.local [hbm:s2], $0x1  }
0x93: {  	_ =	swait.eq [sflag:s15], $0x1  }
0x94: {  	[sflag:s15] =	ssyncset.done $0x0  }
0x95: {  	[sflag:s15] =	ssyncadd.s32 $0xFFFFFFFF  }
0x96: {  	s16 =	sld [smem:$0x12];
	(tm) =	ssettm $0x1  }
0x97: {  	s17 =	sld [smem:$0x3FFB];
	_ =	sdelay $0x3  }
0x98: {  	_ =	strace s17  }
0x99: {  	s3 =	sld [smem:$0x3FFC];
	_ =	sdelay $0x3  }
0x9a: {  	_ =	strace s3  }
0x9b: {  	s3 =	sld [smem:$0x3FFD];
	_ =	sdelay $0x3  }
0x9c: {  	_ =	strace s3  }
0x9d: {  	_ =	strace $0x8FFFFFFF  }
0x9e: {  	s18 =	sld [smem:$0x3FDB];
	_ =	sdelay $0x1  }
0x9f: {  	s19 =	simm.s32 $_scs_section_size  }
0xa0: {  	s5 =	simm.s32 $_size__tile_overlayer_lowered;
	s6 =	simm.s32 $_tile_overlayer_lowered  }
0xa1: {  	s22 =	simm.s32 $0x1BFF;
	s21 =	sshll.u32 s6, $0x1;
	s3 =	sadd.s32 s19, s18  }
0xa2: {  	s7 =	simm.s32 $0x0;
	s20 =	sshll.u32 s5, $0x1;
	s5 =	sadd.s32 s21, s3  }
0xa3: {  	[timem:s7], [sflag:s22] =	dma.local [hbm:s5], s20  }
0xa4: {  	_ =	swait.ge [sflag:s22], s20  }
0xa5: {  	s4 =	ssub.s32 $0x0, s20;
	[sflag:s22] =	ssyncset.done $0x0  }
0xa6: {  	[sflag:s22] =	ssyncadd.s32 s4;
	_ =	sdelay $0x1  }
0xa7: {  	s23 =	simm.s32 $0x1B8B  }
0xa8: {  	_ =	swait.ge [sflag:s23], $0x1  }
0xa9: {  	[sflag:s23] =	ssyncset.done $0x0  }
0xaa: {  	s25 =	simm.s32 $0x1B8E;
	s24 =	sld [smem:$0x3FFE];
	[sflag:s23] =	ssyncadd.s32 $0xFFFFFFFF  }
0xab: {  	s26 =	simm.s32 $execute0_lowered;
	[smem:$0x3FD2] =	sst s25  }
0xac: {  	s5 =	sshll.u32 s26, $0x1;
	_ =	strace $0x80000046;
	[dreg:$0x1] =	wrdreg $0xFFFFFFFF  }
0xad: {  	s28 =	simm.s32 $_size_execute0_lowered;
	s3 =	sadd.s32 s3, s5;
	[dreg:$0x0] =	wrdreg $0x0  }
0xae: {  	s5 =	sshll.u32 s28, $0x1;
	[dreg:$0x2] =	wrdreg s3  }
0xaf: {  	[dreg:$0x3] =	wrdreg s5  }
0xb0: {  	[dreg:$0x4] =	wrdreg $0xC0  }
0xb1: {  	_ =	task [dreg:s7], $0x5FFFF  }
0xb2: {  	[dreg:$0x1] =	wrdreg $0xFFFFFFFF  }
0xb3: {  	[dreg:$0x0] =	wrdreg $0x60  }
0xb4: {  	[dreg:$0x2] =	wrdreg s24  }
0xb5: {  	[dreg:$0x3] =	wrdreg s16  }
0xb6: {  	[dreg:$0x4] =	wrdreg $0x9  }
0xb7: {  	_ =	task.clear_ibuf [dreg:s7], $0x5FFFF;
	_ =	strace $0x90000046  }
0xb8: {  	s29 =	simm.s32 $0x9;
	_ =	strace $0x80000048  }
0xb9: {  	_ =	swait.ge [sflag:s29], $0x1  }
0xba: {  	[sflag:s29] =	ssyncadd.s32 $0xFFFFFFFF  }
0xbb: {  	_ =	strace $0x90000048  }
0xbc: {  	_ =	sfence  }
0xbd: {  	s30 =	sld [smem:$0x0];
	_ =	sdelay $0x2  }
0xbe: {  	s31 =	sshll.u32 s1, $0xD;
	s1 =	sshrl.u32 s1, $0x2  }
0xbf: {  	s3 =	sand.u32 $0x4000, s31;
	s1 =	sadd.s32 s1, s30  }
0xc0: {  	s0 =	sor.u32 s3, s0;
	s1 =	sshll.u32 s1, $0x11  }
0xc1: {  	s0 =	sor.u32 s1, s0  }
0xc2: {  	s0 =	sadd.s32 $0x8F2B, s0  }
0xc3: {  	[sflag:s0] =	ssyncadd.remote.s32 $0x1  }
0xc4: {  	_ =	sfence.sel $0xFFFF  }
0xc5: {  	[dreg:$0x0] =	wrdreg $0xFFFFFFFF;
	(pc) =	sbr.abs _section_cstart, $3  }
0xc6: {  	[dreg:$0x1] =	wrdreg $0xFFFFFFFF  }
0xc7: {  	_ =	task.clear_ibuf [dreg:s7], $0x2FFFF;
	_ =	strace $0x9FFFFFFF  }
0xc8: {  	(tm) =	ssettm $0x7FFFFFFF  }
0xc9: {  	_ =	shalt  }
tec
execute0_lowered:
.L_overlay_start_1:
0x0: {  	(tag) =	ssettag $0x1  }
0x1: {  	s0 =	rddreg [dreg:$0x0]  }
0x2: {  	s1 =	rddreg [dreg:$0x1];
	s2 =	simm.s32 $0x0  }
0x3: {  	s3 =	srdreg.scid;
	s4 =	stileid.u32;
	s14 =	simm.s32 $0x200  }
0x4: {  	s15 =	simm.s32 $0x400;
	s16 =	simm.s32 $0x3;
	s17 =	simm.s32 $0x4000  }
0x5: {  	s18 =	simm.s32 $0x80;
	s19 =	simm.s32 $0x8000;
	s20 =	simm.s32 $0x9000  }
0x6: {  	s21 =	simm.s32 $0xD000;
	s22 =	simm.s32 $0x1;
	s23 =	simm.s32 $0x2  }
0x7: {  	s24 =	simm.s32 $0x0;
	[smem:$0x7FF] =	sst s2;
	s9 =	sadd.s32 $0x1400, s0  }
0x8: {  	s3 =	sand.u32 $0x1, s3;
	s4 =	sshll.u32 s4, $0x4;
	s10 =	sadd.s32 $0x21400, s0  }
0x9: {  	s8 =	sadd.s32 $0x1000, s1;
	s5 =	ssub.s32 $0x2, s3;
	s3 =	sshll.u32 s3, $0x3  }
0xa: {  	s12 =	sadd.s32 $0x1040, s1;
	_ =	strace $0x80000047;
	s3 =	sor.u32 s3, s4  }
0xb: {  	s6 =	sshrl.u32 s5, $0x1;
	s4 =	sadd.s32 $0x41400, s0;
	s7 =	sshll.u32 s3, $0x9  }
0xc: {  	s31 =	ssub.s32 s5, s6;
	s5 =	sadd.s32 s9, s7;
	s6 =	sadd.s32 s10, s7  }
0xd: {  	s11 =	sor.u32 $0x40, s7;
	s7 =	sshll.u32 s3, $0xD;
	s13 =	smax.u32 s31, $0x1  }
0xe: {  	s9 =	sadd.s32 s9, s11;
	s10 =	sadd.s32 s10, s11;
	s11 =	sadd.s32 $0x40, s1  }
.LBB2_1:
0xf: {  	[tilespmem:s2], [sflag:$0x3] =	stream.strided.gather [hbm4b:s5+s14], $0x4000, s15, s14, $0x38;
	[tilespmem:$0x11000] =	vst v63  }
0x10: {  	_ =	swait.ge [sflag:s16], $0x4000  }
0x11: {  	[sflag:s16] =	ssyncset.done $0x0  }
0x12: {  	[sflag:s16] =	ssyncadd.s32 $0xFFFFC000  }
0x13: {  	[tilespmem:s17], [sflag:$0x3] =	stream.strided.gather [hbm4b:s6+s14], $0x4000, s15, s14, $0x38;
	[tilespmem:$0x11000] =	vst v63  }
0x14: {  	_ =	swait.ge [sflag:s16], $0x4000  }
0x15: {  	[sflag:s16] =	ssyncset.done $0x0  }
0x16: {  	s25 =	simm.s32 $0x0;
	[sflag:s16] =	ssyncadd.s32 $0xFFFFC000  }
.LBB2_2:
0x17: {  	p0 =	seq.s32 s25, $0x0  }
0x18: {  	s0 =	simm.s32 @!p0 $0x1  }
0x19: {  	_ =	swait.ge @!p0 [sflag:s0], $0x4000  }
0x1a: {  	[sflag:s0] =	ssyncset.done @!p0 $0x0  }
0x1b: {  	s3 =	sshll.u32 s25, $0x5;
	[sflag:s0] =	ssyncadd.s32 @!p0 $0xFFFFC000  }
0x1c: {  	s26 =	sshll.u32 s25, $0xA;
	s3 =	sand.u32 $0x60, s3;
	_ =	swait.ge @!p0 [sflag:s0], $0x4000  }
0x1d: {  	s26 =	sand.u32 $0x1000, s26;
	s3 =	sadd.s32 s4, s3;
	[sflag:s0] =	ssyncset.done @!p0 $0x0  }
0x1e: {  	s3 =	sadd.s32 s26, s3;
	[sflag:s0] =	ssyncadd.s32 @!p0 $0xFFFFC000  }
0x1f: {  	[tilespmem:s19], [sflag:$0x3] =	stream.strided.gather [hbm4b:s3+s18], $0x1000, s15, s18, $0x38;
	[tilespmem:$0x11000] =	vst v63  }
0x20: {  	_ =	swait.ge [sflag:s16], $0x1000  }
0x21: {  	[sflag:s16] =	ssyncset.done $0x0  }
0x22: {  	s3 =	simm.s32 $0x8040;
	[sflag:s16] =	ssyncadd.s32 $0xFFFFF000  }
0x23: {  	v0 =	vld [tilespmem:s3+$0x30]  }
0x24: {  	v1 =	vld [tilespmem:s3+$0xFFFFFFD0]  }
0x25: {  	v3 =	vld [tilespmem:s3+$0xFFFFFFE0]  }
0x26: {  	v6 =	vld [tilespmem:s3+$0xFFFFFFF0]  }
0x27: {  	v8 =	vld [tilespmem:s3+$0x10]  }
0x28: {  	v4 =	vld [tilespmem:s3+$0xFFFFFFC0]  }
0x29: {  	v7 =	vld [tilespmem:s3+$0x0];
	v2 =	vshll.u32 v0, $0x2  }
0x2a: {  	s28 =	simm.s32 $0x4100;
	v9 =	vld [tilespmem:s3+$0x20];
	v0 =	vand.u32 $0x7F, v0;
	v11 =	vshll.u32 v3, $0x2;
	v13 =	vand.u32 $0x7F, v1  }
0x2b: {  	v12 =	vld [tilespmem:s28+$0xFFFFFF70];
	v14 =	vshll.u32 v6, $0x2;
	v3 =	vand.u32 $0x7F, v3;
	v2 =	vand.u32 $0xFFFFFE00, v2  }
0x2c: {  	v58 =	vld [tilespmem:s28+$0xFFFFFF10];
	v17 =	vshll.u32 v8, $0x2;
	v8 =	vand.u32 $0x7F, v8;
	v5 =	vor.u32 v0, v2  }
0x2d: {  	v59 =	vld [tilespmem:s28+$0xFFFFFF30];
	v60 =	vand.u32 $0xFFFFFE00, v17;
	v0 =	vshll.u32 v1, $0x2;
	v2 =	vshll.u32 v4, $0x2  }
0x2e: {  	v18 =	vld [tilespmem:s28+$0xFFFFFF40];
	v4 =	vand.u32 $0x7F, v4;
	v8 =	vor.u32 v8, v60;
	v2 =	vand.u32 $0xFFFFFE00, v2  }
0x2f: {  	v23 =	vld [tilespmem:s28+$0xFFFFFF50];
	v11 =	vand.u32 $0xFFFFFE00, v11;
	v0 =	vand.u32 $0xFFFFFE00, v0;
	v1 =	vor.u32 v4, v2  }
0x30: {  	v15 =	vshll.u32 v7, $0x2;
	v4 =	vld [tilespmem:s28+$0xFFFFFF00];
	v2 =	vor.u32 v13, v0;
	v0 =	vor.u32 v3, v11  }
0x31: {  	v6 =	vand.u32 $0x7F, v6;
	v61 =	vshll.u32 v9, $0x2;
	v14 =	vand.u32 $0xFFFFFE00, v14;
	v10 =	vld.idx.msk [tilespmem:v5+s2+$0x0], $0xffff  }
0x32: {  	v9 =	vand.u32 $0x7F, v9;
	v17 =	vand.u32 $0xFFFFFE00, v61;
	v6 =	vor.u32 v6, v14;
	v3 =	vld [tilespmem:s28+$0xFFFFFF20]  }
0x33: {  	v7 =	vand.u32 $0x7F, v7;
	v9 =	vor.u32 v9, v17;
	v11 =	vand.u32 $0xFFFFFE00, v15;
	v29 =	vld.idx.msk [tilespmem:v8+s2+$0x0], $0xffff  }
0x34: {  	v7 =	vor.u32 v7, v11;
	v62 =	vld.idx.msk [tilespmem:v1+s2+$0x0], $0xffff  }
0x35: {  	v16 =	vor.u32 $0x80, v5;
	v63 =	vld.idx.msk [tilespmem:v0+s2+$0x0], $0xffff  }
0x36: {  	v11 =	vld.idx.msk [tilespmem:v2+s2+$0x0], $0xffff;
	v10 =	vsub.f32 v12, v10  }
0x37: {  	v28 =	vld.idx.msk [tilespmem:v6+s2+$0x0], $0xffff  }
0x38: {  	s29 =	simm.s32 $0x9100;
	v30 =	vld.idx.msk [tilespmem:v9+s2+$0x0], $0xffff;
	v14 =	vsub.f32 v23, v29;
	v10 =	vand.u32 $0x7FFFFFFF, v10  }
0x39: {  	v19 =	vor.u32 $0x80, v1;
	v20 =	vld.idx.msk [tilespmem:v7+s2+$0x0], $0xffff;
	v4 =	vsub.f32 v4, v62;
	[tilespmem:s29+$0xFFFFFF70] =	vst v10  }
0x3a: {  	v31 =	vor.u32 $0x80, v0;
	v3 =	vsub.f32 v3, v63;
	v37 =	vand.u32 $0x7FFFFFFF, v14;
	v10 =	vld.idx.msk [tilespmem:v16+s2+$0x0], $0xffff  }
0x3b: {  	v11 =	vsub.f32 v58, v11;
	[tilespmem:s29+$0xFFFFFF50] =	vst v37;
	v27 =	vld [tilespmem:s28+$0xFFFFFFF0];
	v4 =	vand.u32 $0x7FFFFFFF, v4  }
0x3c: {  	v3 =	vand.u32 $0x7FFFFFFF, v3;
	v47 =	vld [tilespmem:s28+$0xFFFFFFD0];
	[tilespmem:s29+$0xFFFFFF00] =	vst v4  }
0x3d: {  	v21 =	vor.u32 $0x80, v2;
	v4 =	vand.u32 $0x7FFFFFFF, v11;
	v11 =	vld [tilespmem:s28+$0xFFFFFF60];
	[tilespmem:s29+$0xFFFFFF20] =	vst v3  }
0x3e: {  	v24 =	vor.u32 $0x80, v6;
	[tilespmem:s29+$0xFFFFFF10] =	vst v4;
	v4 =	vld.idx.msk [tilespmem:v19+s2+$0x0], $0xffff  }
0x3f: {  	v15 =	vsub.f32 v59, v28;
	v16 =	vld.idx.msk [tilespmem:v31+s2+$0x0], $0xffff  }
0x40: {  	v22 =	vor.u32 $0x100, v5;
	v18 =	vsub.f32 v18, v20;
	v39 =	vld [tilespmem:s28+$0xFFFFFF80]  }
0x41: {  	v3 =	vand.u32 $0x7FFFFFFF, v15;
	v41 =	vld [tilespmem:s28+$0xFFFFFFA0];
	v10 =	vsub.f32 v27, v10  }
0x42: {  	[tilespmem:s29+$0xFFFFFF30] =	vst v3;
	v3 =	vand.u32 $0x7FFFFFFF, v18;
	v33 =	vld.idx.msk [tilespmem:v21+s2+$0x0], $0xffff  }
0x43: {  	v32 =	vor.u32 $0x80, v7;
	[tilespmem:s29+$0xFFFFFF40] =	vst v3;
	v3 =	vld.idx.msk [tilespmem:v24+s2+$0x0], $0xffff;
	v10 =	vand.u32 $0x7FFFFFFF, v10  }
0x44: {  	v40 =	vld [tilespmem:s28+$0xFFFFFF90];
	[tilespmem:s29+$0xFFFFFFF0] =	vst v10  }
0x45: {  	v35 =	vor.u32 $0x80, v9;
	v34 =	vld.idx.msk [tilespmem:v22+s2+$0x0], $0xffff  }
0x46: {  	v11 =	vsub.f32 v11, v30;
	v36 =	vld [tilespmem:s28+$0x70]  }
0x47: {  	v44 =	vld [tilespmem:s28+$0xFFFFFFB0]  }
0x48: {  	v43 =	vor.u32 $0x100, v2;
	v12 =	vld.idx.msk [tilespmem:v32+s2+$0x0], $0xffff;
	v4 =	vsub.f32 v39, v4;
	v11 =	vand.u32 $0x7FFFFFFF, v11  }
0x49: {  	v46 =	vld [tilespmem:s28+$0xFFFFFFC0];
	v15 =	vsub.f32 v40, v33;
	[tilespmem:s29+$0xFFFFFF60] =	vst v11  }
0x4a: {  	v5 =	vor.u32 $0x180, v5;
	v4 =	vand.u32 $0x7FFFFFFF, v4;
	v11 =	vld.idx.msk [tilespmem:v35+s2+$0x0], $0xffff  }
0x4b: {  	v10 =	vor.u32 $0x80, v8;
	[tilespmem:s29+$0xFFFFFF80] =	vst v4;
	v4 =	vand.u32 $0x7FFFFFFF, v15;
	v48 =	vld [tilespmem:s28+$0xFFFFFFE0];
	v38 =	vsub.f32 v36, v34  }
0x4c: {  	v49 =	vor.u32 $0x100, v6;
	[tilespmem:s29+$0xFFFFFF90] =	vst v4;
	v53 =	vld [tilespmem:s28+$0x0]  }
0x4d: {  	v3 =	vsub.f32 v44, v3;
	v20 =	vld.idx.msk [tilespmem:v43+s2+$0x0], $0xffff;
	v13 =	vand.u32 $0x7FFFFFFF, v38  }
0x4e: {  	v45 =	vor.u32 $0x100, v0;
	v54 =	vld [tilespmem:s28+$0x10];
	[tilespmem:s29+$0x70] =	vst v13  }
0x4f: {  	v16 =	vsub.f32 v41, v16;
	v3 =	vand.u32 $0x7FFFFFFF, v3;
	v13 =	vld.idx.msk [tilespmem:v5+s2+$0x0], $0xffff;
	v5 =	vor.u32 $0x100, v1  }
0x50: {  	[tilespmem:s29+$0xFFFFFFB0] =	vst v3;
	v10 =	vld.idx.msk [tilespmem:v10+s2+$0x0], $0xffff  }
0x51: {  	v12 =	vsub.f32 v46, v12;
	v4 =	vand.u32 $0x7FFFFFFF, v16;
	v55 =	vld.idx.msk [tilespmem:v49+s2+$0x0], $0xffff  }
0x52: {  	v50 =	vor.u32 $0x100, v7;
	[tilespmem:s29+$0xFFFFFFA0] =	vst v4;
	v56 =	vld [tilespmem:s28+$0x30]  }
0x53: {  	v3 =	vand.u32 $0x7FFFFFFF, v12;
	v51 =	vld.idx.msk [tilespmem:v45+s2+$0x0], $0xffff  }
0x54: {  	v4 =	vor.u32 $0x100, v8;
	[tilespmem:s29+$0xFFFFFFC0] =	vst v3;
	v5 =	vld.idx.msk [tilespmem:v5+s2+$0x0], $0xffff  }
0x55: {  	v58 =	vld [tilespmem:s28+$0x40];
	v10 =	vsub.f32 v47, v10  }
0x56: {  	v52 =	vor.u32 $0x100, v9;
	v11 =	vsub.f32 v48, v11;
	v42 =	vld [tilespmem:s28+$0xF0]  }
0x57: {  	v3 =	vand.u32 $0x7FFFFFFF, v10;
	v10 =	vld.idx.msk [tilespmem:v50+s2+$0x0], $0xffff  }
0x58: {  	v1 =	vor.u32 $0x180, v1;
	[tilespmem:s29+$0xFFFFFFD0] =	vst v3;
	v3 =	vand.u32 $0x7FFFFFFF, v11;
	v11 =	vld [tilespmem:s28+$0x20]  }
0x59: {  	v4 =	vld.idx.msk [tilespmem:v4+s2+$0x0], $0xffff;
	v5 =	vsub.f32 v53, v5  }
0x5a: {  	v2 =	vor.u32 $0x180, v2;
	v57 =	vsub.f32 v54, v20;
	[tilespmem:s29+$0xFFFFFFE0] =	vst v3;
	v59 =	vld [tilespmem:s28+$0x50]  }
0x5b: {  	v3 =	vld.idx.msk [tilespmem:v52+s2+$0x0], $0xffff;
	v5 =	vand.u32 $0x7FFFFFFF, v5  }
0x5c: {  	v0 =	vor.u32 $0x180, v0;
	v60 =	vld [tilespmem:s28+$0x60];
	[tilespmem:s29+$0x0] =	vst v5;
	v5 =	vand.u32 $0x7FFFFFFF, v57  }
0x5d: {  	v6 =	vor.u32 $0x180, v6;
	[tilespmem:s29+$0x10] =	vst v5;
	v1 =	vld.idx.msk [tilespmem:v1+s2+$0x0], $0xffff;
	v5 =	vsub.f32 v11, v51  }
0x5e: {  	v7 =	vor.u32 $0x180, v7;
	v11 =	vsub.f32 v56, v55;
	v62 =	vld [tilespmem:s28+$0x80]  }
0x5f: {  	v61 =	vor.u32 $0x180, v8;
	v8 =	vsub.f32 v58, v10;
	v2 =	vld.idx.msk [tilespmem:v2+s2+$0x0], $0xffff;
	v5 =	vand.u32 $0x7FFFFFFF, v5  }
0x60: {  	v9 =	vor.u32 $0x180, v9;
	v10 =	vsub.f32 v59, v4;
	v63 =	vld [tilespmem:s28+$0x90];
	[tilespmem:s29+$0x20] =	vst v5;
	v5 =	vand.u32 $0x7FFFFFFF, v11  }
0x61: {  	v3 =	vsub.f32 v60, v3;
	v4 =	vld.idx.msk [tilespmem:v0+s2+$0x0], $0xffff;
	[tilespmem:s29+$0x30] =	vst v5;
	v0 =	vand.u32 $0x7FFFFFFF, v8  }
0x62: {  	v5 =	vld.idx.msk [tilespmem:v6+s2+$0x0], $0xffff;
	[tilespmem:s29+$0x40] =	vst v0;
	v0 =	vand.u32 $0x7FFFFFFF, v10  }
0x63: {  	v6 =	vsub.f32 v42, v13;
	v8 =	vld.idx.msk [tilespmem:v7+s2+$0x0], $0xffff;
	[tilespmem:s29+$0x50] =	vst v0;
	v0 =	vand.u32 $0x7FFFFFFF, v3  }
0x64: {  	v1 =	vsub.f32 v62, v1;
	v10 =	vld.idx.msk [tilespmem:v61+s2+$0x0], $0xffff;
	[tilespmem:s29+$0x60] =	vst v0  }
0x65: {  	s30 =	sshll.u32 s25, $0x1;
	v2 =	vsub.f32 v63, v2;
	v0 =	vand.u32 $0x7FFFFFFF, v6;
	v9 =	vld.idx.msk [tilespmem:v9+s2+$0x0], $0xffff  }
0x66: {  	s31 =	simm.s32 $0x9100;
	s0 =	simm.s32 $0x0;
	s3 =	simm.s32 $0x80C0;
	v1 =	vand.u32 $0x7FFFFFFF, v1;
	[tilespmem:s29+$0xF0] =	vst v0;
	v0 =	vld [tilespmem:s28+$0xA0]  }
.LBB2_3:
0x67: {  	v3 =	vld [tilespmem:s3+$0x30];
	s0 =	sadd.s32 $0x8, s0;
	[tilespmem:s29+$0x80] =	vst v1;
	v1 =	vand.u32 $0x7FFFFFFF, v2  }
0x68: {  	v2 =	vld [tilespmem:s3+$0xFFFFFFD0];
	p1 =	slt.u32 s0, $0xF8;
	[tilespmem:s29+$0x90] =	vst v1  }
0x69: {  	v1 =	vld [tilespmem:s3+$0xFFFFFFE0]  }
0x6a: {  	v6 =	vld [tilespmem:s3+$0xFFFFFFF0]  }
0x6b: {  	v7 =	vld [tilespmem:s3+$0x0];
	v18 =	vsub.f32 v0, v4  }
0x6c: {  	v0 =	vld [tilespmem:s3+$0x10];
	v4 =	vshll.u32 v3, $0x2  }
0x6d: {  	v3 =	vand.u32 $0x7F, v3;
	v11 =	vshll.u32 v2, $0x2;
	v12 =	vld [tilespmem:s3+$0x20];
	v4 =	vand.u32 $0xFFFFFE00, v4  }
0x6e: {  	v13 =	vld [tilespmem:s3+$0xFFFFFFC0];
	v14 =	vand.u32 $0xFFFFFE00, v11;
	v15 =	vshll.u32 v1, $0x2;
	v11 =	vor.u32 v3, v4  }
0x6f: {  	v2 =	vand.u32 $0x7F, v2;
	v3 =	vand.u32 $0xFFFFFE00, v15;
	v4 =	vshll.u32 v6, $0x2;
	v19 =	vld [tilespmem:s28+$0xB0]  }
0x70: {  	v1 =	vand.u32 $0x7F, v1;
	v4 =	vand.u32 $0xFFFFFE00, v4;
	v15 =	vshll.u32 v7, $0x2;
	v20 =	vld [tilespmem:s28+$0xC0]  }
0x71: {  	v6 =	vand.u32 $0x7F, v6;
	v15 =	vand.u32 $0xFFFFFE00, v15;
	v16 =	vshll.u32 v0, $0x2;
	v21 =	vld [tilespmem:s28+$0xD0]  }
0x72: {  	v7 =	vand.u32 $0x7F, v7;
	v16 =	vand.u32 $0xFFFFFE00, v16;
	v17 =	vshll.u32 v12, $0x2;
	v22 =	vld [tilespmem:s28+$0xE0]  }
0x73: {  	s28 =	sadd.s32 $0x200, s28;
	v23 =	vand.u32 $0x7F, v13;
	v13 =	vshll.u32 v13, $0x2;
	v17 =	vand.u32 $0xFFFFFE00, v17;
	v24 =	vld.idx.msk [tilespmem:v11+s2+$0x0], $0xffff  }
0x74: {  	v0 =	vand.u32 $0x7F, v0;
	v12 =	vand.u32 $0x7F, v12;
	v13 =	vand.u32 $0xFFFFFE00, v13;
	v25 =	vld [tilespmem:s28+$0xFFFFFF70]  }
0x75: {  	v2 =	vor.u32 v2, v14;
	v1 =	vor.u32 v1, v3;
	v23 =	vor.u32 v23, v13;
	v26 =	vld [tilespmem:s28+$0xFFFFFF00]  }
0x76: {  	v28 =	vor.u32 v6, v4;
	v29 =	vor.u32 v7, v15;
	v30 =	vor.u32 v0, v16;
	v27 =	vld [tilespmem:s28+$0xFFFFFF10]  }
0x77: {  	v32 =	vor.u32 $0x80, v2;
	v34 =	vor.u32 v12, v17;
	v31 =	vor.u32 $0x80, v23;
	v33 =	vld [tilespmem:s28+$0xFFFFFF20]  }
0x78: {  	v35 =	vor.u32 $0x80, v1;
	v37 =	vor.u32 $0x80, v28;
	v0 =	vor.u32 $0x80, v11;
	v36 =	vld [tilespmem:s28+$0xFFFFFF30]  }
0x79: {  	v39 =	vor.u32 $0x80, v29;
	v40 =	vor.u32 $0x80, v30;
	v38 =	vld [tilespmem:s28+$0xFFFFFF40];
	v3 =	vsub.f32 v25, v24  }
0x7a: {  	v16 =	vor.u32 $0x100, v2;
	v41 =	vor.u32 $0x80, v34;
	v25 =	vor.u32 $0x100, v23;
	v24 =	vld.idx.msk [tilespmem:v23+s2+$0x0], $0xffff  }
0x7b: {  	s29 =	sadd.s32 $0x200, s29;
	v14 =	vor.u32 $0x100, v28;
	v17 =	vor.u32 $0x100, v1;
	v42 =	vld.idx.msk [tilespmem:v2+s2+$0x0], $0xffff;
	v3 =	vand.u32 $0x7FFFFFFF, v3  }
0x7c: {  	v15 =	vor.u32 $0x100, v29;
	v13 =	vor.u32 $0x100, v30;
	v12 =	vor.u32 $0x100, v34;
	v43 =	vld.idx.msk [tilespmem:v1+s2+$0x0], $0xffff;
	[tilespmem:s29+$0xFFFFFF70] =	vst v3  }
0x7d: {  	v6 =	vor.u32 $0x180, v2;
	v4 =	vor.u32 $0x180, v1;
	v7 =	vor.u32 $0x180, v23;
	v23 =	vld.idx.msk [tilespmem:v0+s2+$0x0], $0xffff  }
0x7e: {  	v2 =	vor.u32 $0x180, v29;
	v3 =	vor.u32 $0x180, v28;
	v0 =	vor.u32 $0x180, v30;
	v44 =	vld [tilespmem:s28+$0xFFFFFFF0]  }
0x7f: {  	v5 =	vsub.f32 v19, v5;
	v8 =	vsub.f32 v20, v8;
	v1 =	vor.u32 $0x180, v34;
	v28 =	vld.idx.msk [tilespmem:v28+s2+$0x0], $0xffff  }
0x80: {  	v18 =	vand.u32 $0x7FFFFFFF, v18;
	v10 =	vsub.f32 v21, v10;
	v19 =	vsub.f32 v26, v24;
	v20 =	vld.idx.msk [tilespmem:v29+s2+$0x0], $0xffff  }
0x81: {  	v5 =	vand.u32 $0x7FFFFFFF, v5;
	v9 =	vsub.f32 v22, v9;
	v21 =	vsub.f32 v27, v42;
	v24 =	vld.idx.msk [tilespmem:v30+s2+$0x0], $0xffff;
	[tilespmem:s31+$0xA0] =	vst v18  }
0x82: {  	v26 =	vor.u32 $0x100, v11;
	v18 =	vand.u32 $0x7FFFFFFF, v19;
	v19 =	vsub.f32 v33, v43;
	v22 =	vld.idx.msk [tilespmem:v34+s2+$0x0], $0xffff;
	[tilespmem:s31+$0xB0] =	vst v5  }
0x83: {  	v8 =	vand.u32 $0x7FFFFFFF, v8;
	v5 =	vand.u32 $0x7FFFFFFF, v21;
	[tilespmem:s29+$0xFFFFFF00] =	vst v18;
	v18 =	vld [tilespmem:s28+$0xFFFFFF50];
	v21 =	vsub.f32 v44, v23  }
0x84: {  	v10 =	vand.u32 $0x7FFFFFFF, v10;
	v9 =	vand.u32 $0x7FFFFFFF, v9;
	[tilespmem:s29+$0xFFFFFF10] =	vst v5;
	v5 =	vand.u32 $0x7FFFFFFF, v19;
	v19 =	vld [tilespmem:s28+$0xFFFFFF60]  }
0x85: {  	v23 =	vld.idx.msk [tilespmem:v31+s2+$0x0], $0xffff;
	[tilespmem:s29+$0xFFFFFF20] =	vst v5;
	v5 =	vsub.f32 v36, v28;
	v21 =	vand.u32 $0x7FFFFFFF, v21  }
0x86: {  	v20 =	vsub.f32 v38, v20;
	v27 =	vld.idx.msk [tilespmem:v32+s2+$0x0], $0xffff;
	[tilespmem:s29+$0xFFFFFFF0] =	vst v21  }
0x87: {  	v5 =	vand.u32 $0x7FFFFFFF, v5;
	v21 =	vld.idx.msk [tilespmem:v26+s2+$0x0], $0xffff;
	[tilespmem:s31+$0xC0] =	vst v8  }
0x88: {  	[tilespmem:s29+$0xFFFFFF30] =	vst v5;
	v5 =	vand.u32 $0x7FFFFFFF, v20;
	v8 =	vsub.f32 v18, v24;
	v18 =	vld [tilespmem:s28+$0x70]  }
0x89: {  	v20 =	vld.idx.msk [tilespmem:v35+s2+$0x0], $0xffff;
	[tilespmem:s29+$0xFFFFFF40] =	vst v5;
	v5 =	vsub.f32 v19, v22  }
0x8a: {  	v19 =	vld.idx.msk [tilespmem:v37+s2+$0x0], $0xffff;
	v8 =	vand.u32 $0x7FFFFFFF, v8;
	[tilespmem:s31+$0xD0] =	vst v10  }
0x8b: {  	v10 =	vld.idx.msk [tilespmem:v39+s2+$0x0], $0xffff;
	[tilespmem:s29+$0xFFFFFF50] =	vst v8;
	v5 =	vand.u32 $0x7FFFFFFF, v5  }
0x8c: {  	v8 =	vld.idx.msk [tilespmem:v40+s2+$0x0], $0xffff;
	[tilespmem:s29+$0xFFFFFF60] =	vst v5;
	v5 =	vor.u32 $0x180, v11  }
0x8d: {  	v11 =	vld.idx.msk [tilespmem:v41+s2+$0x0], $0xffff;
	v18 =	vsub.f32 v18, v21;
	[tilespmem:s31+$0xE0] =	vst v9;
	s31 =	smov.u32 s29  }
0x8e: {  	v9 =	vld [tilespmem:s28+$0xFFFFFF80]  }
0x8f: {  	v21 =	vld [tilespmem:s28+$0xFFFFFF90];
	v18 =	vand.u32 $0x7FFFFFFF, v18  }
0x90: {  	v22 =	vld [tilespmem:s28+$0xFFFFFFA0];
	[tilespmem:s29+$0x70] =	vst v18  }
0x91: {  	v5 =	vld.idx.msk [tilespmem:v5+s2+$0x0], $0xffff  }
0x92: {  	v18 =	vld [tilespmem:s28+$0xF0]  }
0x93: {  	v9 =	vsub.f32 v9, v23;
	v23 =	vld [tilespmem:s28+$0xFFFFFFB0]  }
0x94: {  	v21 =	vsub.f32 v21, v27;
	v24 =	vld [tilespmem:s28+$0xFFFFFFC0]  }
0x95: {  	v9 =	vand.u32 $0x7FFFFFFF, v9;
	v20 =	vsub.f32 v22, v20;
	v22 =	vld [tilespmem:s28+$0xFFFFFFD0]  }
0x96: {  	[tilespmem:s29+$0xFFFFFF80] =	vst v9;
	v9 =	vand.u32 $0x7FFFFFFF, v21;
	v21 =	vld [tilespmem:s28+$0xFFFFFFE0]  }
0x97: {  	v25 =	vld.idx.msk [tilespmem:v25+s2+$0x0], $0xffff;
	[tilespmem:s29+$0xFFFFFF90] =	vst v9;
	v9 =	vand.u32 $0x7FFFFFFF, v20;
	v5 =	vsub.f32 v18, v5  }
0x98: {  	v16 =	vld.idx.msk [tilespmem:v16+s2+$0x0], $0xffff;
	[tilespmem:s29+$0xFFFFFFA0] =	vst v9;
	v9 =	vsub.f32 v23, v19  }
0x99: {  	v17 =	vld.idx.msk [tilespmem:v17+s2+$0x0], $0xffff;
	v10 =	vsub.f32 v24, v10;
	v5 =	vand.u32 $0x7FFFFFFF, v5  }
0x9a: {  	v18 =	vld [tilespmem:s28+$0x0];
	v9 =	vand.u32 $0x7FFFFFFF, v9;
	v8 =	vsub.f32 v22, v8;
	[tilespmem:s29+$0xF0] =	vst v5  }
0x9b: {  	v5 =	vld [tilespmem:s28+$0x10];
	[tilespmem:s29+$0xFFFFFFB0] =	vst v9;
	v9 =	vand.u32 $0x7FFFFFFF, v10;
	v10 =	vsub.f32 v21, v11  }
0x9c: {  	v11 =	vld.idx.msk [tilespmem:v14+s2+$0x0], $0xffff;
	[tilespmem:s29+$0xFFFFFFC0] =	vst v9;
	v8 =	vand.u32 $0x7FFFFFFF, v8  }
0x9d: {  	v9 =	vld.idx.msk [tilespmem:v15+s2+$0x0], $0xffff;
	[tilespmem:s29+$0xFFFFFFD0] =	vst v8;
	v8 =	vand.u32 $0x7FFFFFFF, v10  }
0x9e: {  	v10 =	vld.idx.msk [tilespmem:v13+s2+$0x0], $0xffff;
	[tilespmem:s29+$0xFFFFFFE0] =	vst v8  }
0x9f: {  	v8 =	vsub.f32 v18, v25;
	v12 =	vld.idx.msk [tilespmem:v12+s2+$0x0], $0xffff  }
0xa0: {  	v5 =	vsub.f32 v5, v16;
	v13 =	vld [tilespmem:s28+$0x20]  }
0xa1: {  	v8 =	vand.u32 $0x7FFFFFFF, v8;
	v14 =	vld [tilespmem:s28+$0x30]  }
0xa2: {  	[tilespmem:s29+$0x0] =	vst v8;
	v5 =	vand.u32 $0x7FFFFFFF, v5;
	v8 =	vld [tilespmem:s28+$0x40]  }
0xa3: {  	[tilespmem:s29+$0x10] =	vst v5;
	v5 =	vld [tilespmem:s28+$0x50]  }
0xa4: {  	v15 =	vld [tilespmem:s28+$0x60]  }
0xa5: {  	v7 =	vld.idx.msk [tilespmem:v7+s2+$0x0], $0xffff;
	v13 =	vsub.f32 v13, v17  }
0xa6: {  	v6 =	vld.idx.msk [tilespmem:v6+s2+$0x0], $0xffff;
	v11 =	vsub.f32 v14, v11  }
0xa7: {  	v14 =	vld [tilespmem:s28+$0x80];
	v13 =	vand.u32 $0x7FFFFFFF, v13;
	v8 =	vsub.f32 v8, v9  }
0xa8: {  	v9 =	vld [tilespmem:s28+$0x90];
	[tilespmem:s29+$0x20] =	vst v13;
	v11 =	vand.u32 $0x7FFFFFFF, v11;
	v10 =	vsub.f32 v5, v10  }
0xa9: {  	v4 =	vld.idx.msk [tilespmem:v4+s2+$0x0], $0xffff;
	[tilespmem:s29+$0x30] =	vst v11;
	v8 =	vand.u32 $0x7FFFFFFF, v8;
	v11 =	vsub.f32 v15, v12  }
.Ltmp0:
0xaa: {  	v5 =	vld.idx.msk [tilespmem:v3+s2+$0x0], $0xffff;
	[tilespmem:s29+$0x40] =	vst v8;
	v3 =	vand.u32 $0x7FFFFFFF, v10;
	(pc) =	sbr.rel @p1 .LBB2_3-.Ltmp0, $4  }
0xab: {  	v8 =	vld.idx.msk [tilespmem:v2+s2+$0x0], $0xffff;
	[tilespmem:s29+$0x50] =	vst v3;
	v2 =	vand.u32 $0x7FFFFFFF, v11  }
0xac: {  	v3 =	vsub.f32 v14, v7;
	v10 =	vld.idx.msk [tilespmem:v0+s2+$0x0], $0xffff;
	[tilespmem:s29+$0x60] =	vst v2  }
0xad: {  	v2 =	vsub.f32 v9, v6;
	v9 =	vld.idx.msk [tilespmem:v1+s2+$0x0], $0xffff  }
0xae: {  	s3 =	sadd.s32 $0x80, s3;
	v1 =	vand.u32 $0x7FFFFFFF, v3;
	v0 =	vld [tilespmem:s28+$0xA0]  }
0xaf: {  	v3 =	vld [tilespmem:s28+$0xB0]  }
0xb0: {  	v6 =	vld [tilespmem:s28+$0xC0]  }
0xb1: {  	v7 =	vld [tilespmem:s28+$0xD0]  }
0xb2: {  	v11 =	vld [tilespmem:s28+$0xE0]  }
0xb3: {  	v0 =	vsub.f32 v0, v4  }
0xb4: {  	[tilespmem:s29+$0x80] =	vst v1;
	v1 =	vand.u32 $0x7FFFFFFF, v2;
	v2 =	vsub.f32 v3, v5  }
0xb5: {  	[tilespmem:s29+$0x90] =	vst v1;
	v1 =	vsub.f32 v6, v8;
	v0 =	vand.u32 $0x7FFFFFFF, v0  }
0xb6: {  	v3 =	vsub.f32 v7, v10;
	[tilespmem:s31+$0xA0] =	vst v0;
	v0 =	vand.u32 $0x7FFFFFFF, v2  }
0xb7: {  	s0 =	sshll.u32 s25, $0x16;
	v2 =	vsub.f32 v11, v9;
	[tilespmem:s31+$0xB0] =	vst v0;
	v0 =	vand.u32 $0x7FFFFFFF, v1  }
0xb8: {  	s0 =	sor.u32 s7, s0;
	v1 =	vand.u32 $0x7FFFFFFF, v3;
	[tilespmem:s31+$0xC0] =	vst v0  }
0xb9: {  	s0 =	sshrl.u32 s0, $0x3;
	v0 =	vand.u32 $0x7FFFFFFF, v2;
	[tilespmem:s31+$0xD0] =	vst v1  }
0xba: {  	s3 =	sadd.s32 s1, s0;
	[tilespmem:s31+$0xE0] =	vst v0  }
0xbb: {  	[hbm4b:s3+s14] =	stream.strided.scatter [tilespmem:s20], [sflag:$0x1], $0x4000, s15, s14, $0x38;
	[tilespmem:$0x11000] =	vst v63  }
0xbc: {  	s0 =	sadd.s32 s0, s8  }
0xbd: {  	[hbm4b:s0+s14] =	stream.strided.scatter [tilespmem:s20], [sflag:$0x1], $0x4000, s15, s14, $0x38;
	[tilespmem:$0x11000] =	vst v63  }
0xbe: {  	s0 =	simm.s32 @!p0 $0x2  }
0xbf: {  	_ =	swait.ge @!p0 [sflag:s0], $0x4000  }
0xc0: {  	[sflag:s0] =	ssyncset.done @!p0 $0x0  }
0xc1: {  	s28 =	sor.u32 $0x1, s30;
	[sflag:s0] =	ssyncadd.s32 @!p0 $0xFFFFC000  }
0xc2: {  	s31 =	sshll.u32 s28, $0x4;
	_ =	swait.ge @!p0 [sflag:s0], $0x4000  }
0xc3: {  	s26 =	sadd.s32 s4, s26;
	s3 =	sand.u32 $0x70, s31;
	[sflag:s0] =	ssyncset.done @!p0 $0x0  }
0xc4: {  	s26 =	sadd.s32 s3, s26;
	[sflag:s0] =	ssyncadd.s32 @!p0 $0xFFFFC000  }
0xc5: {  	[tilespmem:s19], [sflag:$0x3] =	stream.strided.gather [hbm4b:s26+s18], $0x1000, s15, s18, $0x38;
	[tilespmem:$0x11000] =	vst v63  }
0xc6: {  	_ =	swait.ge [sflag:s16], $0x1000  }
0xc7: {  	[sflag:s16] =	ssyncset.done $0x0  }
0xc8: {  	s31 =	simm.s32 $0x8040;
	[sflag:s16] =	ssyncadd.s32 $0xFFFFF000  }
0xc9: {  	v0 =	vld [tilespmem:s31+$0x30]  }
0xca: {  	v1 =	vld [tilespmem:s31+$0xFFFFFFD0]  }
0xcb: {  	v3 =	vld [tilespmem:s31+$0xFFFFFFE0]  }
0xcc: {  	v6 =	vld [tilespmem:s31+$0xFFFFFFF0]  }
0xcd: {  	v8 =	vld [tilespmem:s31+$0x10]  }
0xce: {  	v4 =	vld [tilespmem:s31+$0xFFFFFFC0]  }
0xcf: {  	v7 =	vld [tilespmem:s31+$0x0];
	v2 =	vshll.u32 v0, $0x2  }
0xd0: {  	s26 =	simm.s32 $0x4100;
	v9 =	vld [tilespmem:s31+$0x20];
	v0 =	vand.u32 $0x7F, v0;
	v11 =	vshll.u32 v3, $0x2;
	v13 =	vand.u32 $0x7F, v1  }
0xd1: {  	v12 =	vld [tilespmem:s26+$0xFFFFFF70];
	v14 =	vshll.u32 v6, $0x2;
	v3 =	vand.u32 $0x7F, v3;
	v2 =	vand.u32 $0xFFFFFE00, v2  }
0xd2: {  	v55 =	vld [tilespmem:s26+$0xFFFFFF10];
	v17 =	vshll.u32 v8, $0x2;
	v8 =	vand.u32 $0x7F, v8;
	v5 =	vor.u32 v0, v2  }
0xd3: {  	v56 =	vld [tilespmem:s26+$0xFFFFFF30];
	v57 =	vand.u32 $0xFFFFFE00, v17;
	v0 =	vshll.u32 v1, $0x2;
	v2 =	vshll.u32 v4, $0x2  }
0xd4: {  	v18 =	vld [tilespmem:s26+$0xFFFFFF40];
	v4 =	vand.u32 $0x7F, v4;
	v8 =	vor.u32 v8, v57;
	v2 =	vand.u32 $0xFFFFFE00, v2  }
0xd5: {  	v23 =	vld [tilespmem:s26+$0xFFFFFF50];
	v11 =	vand.u32 $0xFFFFFE00, v11;
	v0 =	vand.u32 $0xFFFFFE00, v0;
	v1 =	vor.u32 v4, v2  }
0xd6: {  	v15 =	vshll.u32 v7, $0x2;
	v4 =	vld [tilespmem:s26+$0xFFFFFF00];
	v2 =	vor.u32 v13, v0;
	v0 =	vor.u32 v3, v11  }
0xd7: {  	v6 =	vand.u32 $0x7F, v6;
	v58 =	vshll.u32 v9, $0x2;
	v14 =	vand.u32 $0xFFFFFE00, v14;
	v10 =	vld.idx.msk [tilespmem:v5+s2+$0x0], $0xffff  }
0xd8: {  	v9 =	vand.u32 $0x7F, v9;
	v17 =	vand.u32 $0xFFFFFE00, v58;
	v6 =	vor.u32 v6, v14;
	v3 =	vld [tilespmem:s26+$0xFFFFFF20]  }
0xd9: {  	v7 =	vand.u32 $0x7F, v7;
	v9 =	vor.u32 v9, v17;
	v11 =	vand.u32 $0xFFFFFE00, v15;
	v63 =	vld.idx.msk [tilespmem:v8+s2+$0x0], $0xffff  }
0xda: {  	v7 =	vor.u32 v7, v11;
	v59 =	vld.idx.msk [tilespmem:v1+s2+$0x0], $0xffff  }
0xdb: {  	v16 =	vor.u32 $0x80, v5;
	v60 =	vld.idx.msk [tilespmem:v0+s2+$0x0], $0xffff  }
0xdc: {  	v11 =	vld.idx.msk [tilespmem:v2+s2+$0x0], $0xffff;
	v10 =	vsub.f32 v12, v10  }
0xdd: {  	v62 =	vld.idx.msk [tilespmem:v6+s2+$0x0], $0xffff  }
0xde: {  	s29 =	simm.s32 $0xD100;
	v28 =	vld.idx.msk [tilespmem:v9+s2+$0x0], $0xffff;
	v14 =	vsub.f32 v23, v63;
	v10 =	vand.u32 $0x7FFFFFFF, v10  }
0xdf: {  	v19 =	vor.u32 $0x80, v1;
	v20 =	vld.idx.msk [tilespmem:v7+s2+$0x0], $0xffff;
	v4 =	vsub.f32 v4, v59;
	[tilespmem:s29+$0xFFFFFF70] =	vst v10  }
0xe0: {  	v29 =	vor.u32 $0x80, v0;
	v3 =	vsub.f32 v3, v60;
	v35 =	vand.u32 $0x7FFFFFFF, v14;
	v10 =	vld.idx.msk [tilespmem:v16+s2+$0x0], $0xffff  }
0xe1: {  	v11 =	vsub.f32 v55, v11;
	[tilespmem:s29+$0xFFFFFF50] =	vst v35;
	v61 =	vld [tilespmem:s26+$0xFFFFFFF0];
	v4 =	vand.u32 $0x7FFFFFFF, v4  }
0xe2: {  	v3 =	vand.u32 $0x7FFFFFFF, v3;
	v46 =	vld [tilespmem:s26+$0xFFFFFFD0];
	[tilespmem:s29+$0xFFFFFF00] =	vst v4  }
0xe3: {  	v21 =	vor.u32 $0x80, v2;
	v4 =	vand.u32 $0x7FFFFFFF, v11;
	v11 =	vld [tilespmem:s26+$0xFFFFFF60];
	[tilespmem:s29+$0xFFFFFF20] =	vst v3  }
0xe4: {  	v24 =	vor.u32 $0x80, v6;
	[tilespmem:s29+$0xFFFFFF10] =	vst v4;
	v4 =	vld.idx.msk [tilespmem:v19+s2+$0x0], $0xffff  }
0xe5: {  	v15 =	vsub.f32 v56, v62;
	v16 =	vld.idx.msk [tilespmem:v29+s2+$0x0], $0xffff  }
0xe6: {  	v18 =	vsub.f32 v18, v20;
	v37 =	vld [tilespmem:s26+$0xFFFFFF80]  }
0xe7: {  	v30 =	vor.u32 $0x80, v7;
	v3 =	vand.u32 $0x7FFFFFFF, v15;
	v39 =	vld [tilespmem:s26+$0xFFFFFFA0]  }
0xe8: {  	[tilespmem:s29+$0xFFFFFF30] =	vst v3;
	v3 =	vand.u32 $0x7FFFFFFF, v18;
	v31 =	vld.idx.msk [tilespmem:v21+s2+$0x0], $0xffff  }
0xe9: {  	v22 =	vor.u32 $0x100, v5;
	[tilespmem:s29+$0xFFFFFF40] =	vst v3;
	v3 =	vld.idx.msk [tilespmem:v24+s2+$0x0], $0xffff  }
0xea: {  	v38 =	vld [tilespmem:s26+$0xFFFFFF90];
	v10 =	vsub.f32 v61, v10  }
0xeb: {  	v33 =	vor.u32 $0x80, v9;
	v43 =	vld [tilespmem:s26+$0xFFFFFFB0]  }
0xec: {  	v12 =	vld.idx.msk [tilespmem:v30+s2+$0x0], $0xffff;
	v11 =	vsub.f32 v11, v28;
	v10 =	vand.u32 $0x7FFFFFFF, v10  }
0xed: {  	v45 =	vld [tilespmem:s26+$0xFFFFFFC0];
	[tilespmem:s29+$0xFFFFFFF0] =	vst v10  }
0xee: {  	v42 =	vor.u32 $0x100, v2;
	v4 =	vsub.f32 v37, v4;
	v11 =	vand.u32 $0x7FFFFFFF, v11;
	v32 =	vld.idx.msk [tilespmem:v22+s2+$0x0], $0xffff  }
0xef: {  	v15 =	vsub.f32 v38, v31;
	v34 =	vld [tilespmem:s26+$0x70];
	[tilespmem:s29+$0xFFFFFF60] =	vst v11  }
0xf0: {  	v48 =	vor.u32 $0x100, v6;
	v4 =	vand.u32 $0x7FFFFFFF, v4;
	v11 =	vld.idx.msk [tilespmem:v33+s2+$0x0], $0xffff  }
0xf1: {  	v10 =	vor.u32 $0x80, v8;
	v3 =	vsub.f32 v43, v3;
	[tilespmem:s29+$0xFFFFFF80] =	vst v4;
	v4 =	vand.u32 $0x7FFFFFFF, v15;
	v47 =	vld [tilespmem:s26+$0xFFFFFFE0]  }
0xf2: {  	[tilespmem:s29+$0xFFFFFF90] =	vst v4;
	v52 =	vld [tilespmem:s26+$0x0]  }
0xf3: {  	v44 =	vor.u32 $0x100, v0;
	v3 =	vand.u32 $0x7FFFFFFF, v3;
	v20 =	vld.idx.msk [tilespmem:v42+s2+$0x0], $0xffff  }
0xf4: {  	v16 =	vsub.f32 v39, v16;
	[tilespmem:s29+$0xFFFFFFB0] =	vst v3;
	v53 =	vld [tilespmem:s26+$0x10]  }
0xf5: {  	v40 =	vor.u32 $0x100, v1;
	v12 =	vsub.f32 v45, v12;
	v54 =	vld.idx.msk [tilespmem:v48+s2+$0x0], $0xffff  }
0xf6: {  	v5 =	vor.u32 $0x180, v5;
	v4 =	vand.u32 $0x7FFFFFFF, v16;
	v10 =	vld.idx.msk [tilespmem:v10+s2+$0x0], $0xffff  }
0xf7: {  	v3 =	vand.u32 $0x7FFFFFFF, v12;
	[tilespmem:s29+$0xFFFFFFA0] =	vst v4;
	v55 =	vld [tilespmem:s26+$0x30];
	v36 =	vsub.f32 v34, v32  }
0xf8: {  	v49 =	vor.u32 $0x100, v7;
	[tilespmem:s29+$0xFFFFFFC0] =	vst v3;
	v50 =	vld.idx.msk [tilespmem:v44+s2+$0x0], $0xffff  }
0xf9: {  	v57 =	vld [tilespmem:s26+$0x40];
	v13 =	vand.u32 $0x7FFFFFFF, v36  }
0xfa: {  	v4 =	vor.u32 $0x100, v8;
	[tilespmem:s29+$0x70] =	vst v13;
	v13 =	vld.idx.msk [tilespmem:v40+s2+$0x0], $0xffff  }
0xfb: {  	v5 =	vld.idx.msk [tilespmem:v5+s2+$0x0], $0xffff;
	v10 =	vsub.f32 v46, v10  }
0xfc: {  	v51 =	vor.u32 $0x100, v9;
	v11 =	vsub.f32 v47, v11;
	v41 =	vld [tilespmem:s26+$0xF0]  }
0xfd: {  	v3 =	vand.u32 $0x7FFFFFFF, v10;
	v10 =	vld.idx.msk [tilespmem:v49+s2+$0x0], $0xffff  }
0xfe: {  	v2 =	vor.u32 $0x180, v2;
	[tilespmem:s29+$0xFFFFFFD0] =	vst v3;
	v3 =	vand.u32 $0x7FFFFFFF, v11;
	v11 =	vld [tilespmem:s26+$0x20]  }
0xff: {  	v1 =	vor.u32 $0x180, v1;
	v56 =	vsub.f32 v53, v20;
	v4 =	vld.idx.msk [tilespmem:v4+s2+$0x0], $0xffff  }
0x100: {  	[tilespmem:s29+$0xFFFFFFE0] =	vst v3;
	v13 =	vsub.f32 v52, v13;
	v58 =	vld [tilespmem:s26+$0x50]  }
0x101: {  	v59 =	vand.u32 $0x7FFFFFFF, v56;
	v3 =	vld.idx.msk [tilespmem:v51+s2+$0x0], $0xffff  }
0x102: {  	v0 =	vor.u32 $0x180, v0;
	[tilespmem:s29+$0x10] =	vst v59;
	v60 =	vld [tilespmem:s26+$0x60];
	v13 =	vand.u32 $0x7FFFFFFF, v13  }
0x103: {  	v6 =	vor.u32 $0x180, v6;
	v2 =	vld.idx.msk [tilespmem:v2+s2+$0x0], $0xffff;
	[tilespmem:s29+$0x0] =	vst v13;
	v11 =	vsub.f32 v11, v50  }
0x104: {  	v7 =	vor.u32 $0x180, v7;
	v12 =	vsub.f32 v55, v54;
	v1 =	vld.idx.msk [tilespmem:v1+s2+$0x0], $0xffff  }
0x105: {  	v61 =	vor.u32 $0x180, v8;
	v10 =	vsub.f32 v57, v10;
	v62 =	vld [tilespmem:s26+$0x80];
	v8 =	vand.u32 $0x7FFFFFFF, v11  }
0x106: {  	v9 =	vor.u32 $0x180, v9;
	v63 =	vsub.f32 v58, v4;
	v11 =	vld [tilespmem:s26+$0x90];
	[tilespmem:s29+$0x20] =	vst v8;
	v8 =	vand.u32 $0x7FFFFFFF, v12  }
0x107: {  	v3 =	vsub.f32 v60, v3;
	v4 =	vld.idx.msk [tilespmem:v0+s2+$0x0], $0xffff;
	[tilespmem:s29+$0x30] =	vst v8;
	v0 =	vand.u32 $0x7FFFFFFF, v10  }
0x108: {  	v6 =	vld.idx.msk [tilespmem:v6+s2+$0x0], $0xffff;
	[tilespmem:s29+$0x40] =	vst v0;
	v0 =	vand.u32 $0x7FFFFFFF, v63  }
0x109: {  	v5 =	vsub.f32 v41, v5;
	v8 =	vld.idx.msk [tilespmem:v7+s2+$0x0], $0xffff;
	[tilespmem:s29+$0x50] =	vst v0;
	v0 =	vand.u32 $0x7FFFFFFF, v3  }
0x10a: {  	v1 =	vsub.f32 v62, v1;
	v10 =	vld.idx.msk [tilespmem:v61+s2+$0x0], $0xffff;
	[tilespmem:s29+$0x60] =	vst v0  }
0x10b: {  	v0 =	vand.u32 $0x7FFFFFFF, v5;
	v2 =	vsub.f32 v11, v2;
	v9 =	vld.idx.msk [tilespmem:v9+s2+$0x0], $0xffff  }
0x10c: {  	s30 =	simm.s32 $0xD100;
	s3 =	simm.s32 $0x80C0;
	s0 =	simm.s32 $0x0;
	v1 =	vand.u32 $0x7FFFFFFF, v1;
	[tilespmem:s29+$0xF0] =	vst v0;
	v0 =	vld [tilespmem:s26+$0xA0]  }
.LBB2_5:
0x10d: {  	v3 =	vld [tilespmem:s3+$0x30];
	s0 =	sadd.s32 $0x8, s0;
	[tilespmem:s29+$0x80] =	vst v1;
	v1 =	vand.u32 $0x7FFFFFFF, v2  }
0x10e: {  	v2 =	vld [tilespmem:s3+$0xFFFFFFD0];
	p0 =	slt.u32 s0, $0xF8;
	[tilespmem:s29+$0x90] =	vst v1  }
0x10f: {  	v1 =	vld [tilespmem:s3+$0xFFFFFFE0]  }
0x110: {  	v5 =	vld [tilespmem:s3+$0xFFFFFFF0]  }
0x111: {  	v7 =	vld [tilespmem:s3+$0x0];
	v18 =	vsub.f32 v0, v4  }
0x112: {  	v0 =	vld [tilespmem:s3+$0x10];
	v4 =	vshll.u32 v3, $0x2  }
0x113: {  	v3 =	vand.u32 $0x7F, v3;
	v11 =	vshll.u32 v2, $0x2;
	v12 =	vld [tilespmem:s3+$0x20];
	v4 =	vand.u32 $0xFFFFFE00, v4  }
0x114: {  	v13 =	vld [tilespmem:s3+$0xFFFFFFC0];
	v14 =	vand.u32 $0xFFFFFE00, v11;
	v15 =	vshll.u32 v1, $0x2;
	v11 =	vor.u32 v3, v4  }
0x115: {  	v2 =	vand.u32 $0x7F, v2;
	v3 =	vand.u32 $0xFFFFFE00, v15;
	v4 =	vshll.u32 v5, $0x2;
	v19 =	vld [tilespmem:s26+$0xB0]  }
0x116: {  	v1 =	vand.u32 $0x7F, v1;
	v4 =	vand.u32 $0xFFFFFE00, v4;
	v15 =	vshll.u32 v7, $0x2;
	v20 =	vld [tilespmem:s26+$0xC0]  }
0x117: {  	v5 =	vand.u32 $0x7F, v5;
	v15 =	vand.u32 $0xFFFFFE00, v15;
	v16 =	vshll.u32 v0, $0x2;
	v21 =	vld [tilespmem:s26+$0xD0]  }
0x118: {  	v7 =	vand.u32 $0x7F, v7;
	v16 =	vand.u32 $0xFFFFFE00, v16;
	v17 =	vshll.u32 v12, $0x2;
	v22 =	vld [tilespmem:s26+$0xE0]  }
0x119: {  	s26 =	sadd.s32 $0x200, s26;
	v23 =	vand.u32 $0x7F, v13;
	v13 =	vshll.u32 v13, $0x2;
	v17 =	vand.u32 $0xFFFFFE00, v17;
	v24 =	vld.idx.msk [tilespmem:v11+s2+$0x0], $0xffff  }
0x11a: {  	v0 =	vand.u32 $0x7F, v0;
	v12 =	vand.u32 $0x7F, v12;
	v13 =	vand.u32 $0xFFFFFE00, v13;
	v25 =	vld [tilespmem:s26+$0xFFFFFF70]  }
0x11b: {  	v2 =	vor.u32 v2, v14;
	v1 =	vor.u32 v1, v3;
	v23 =	vor.u32 v23, v13;
	v26 =	vld [tilespmem:s26+$0xFFFFFF00]  }
0x11c: {  	v28 =	vor.u32 v5, v4;
	v29 =	vor.u32 v7, v15;
	v30 =	vor.u32 v0, v16;
	v27 =	vld [tilespmem:s26+$0xFFFFFF10]  }
0x11d: {  	v32 =	vor.u32 $0x80, v2;
	v34 =	vor.u32 v12, v17;
	v31 =	vor.u32 $0x80, v23;
	v33 =	vld [tilespmem:s26+$0xFFFFFF20]  }
0x11e: {  	v35 =	vor.u32 $0x80, v1;
	v37 =	vor.u32 $0x80, v28;
	v0 =	vor.u32 $0x80, v11;
	v36 =	vld [tilespmem:s26+$0xFFFFFF30]  }
0x11f: {  	v39 =	vor.u32 $0x80, v29;
	v40 =	vor.u32 $0x80, v30;
	v38 =	vld [tilespmem:s26+$0xFFFFFF40];
	v3 =	vsub.f32 v25, v24  }
0x120: {  	v16 =	vor.u32 $0x100, v2;
	v41 =	vor.u32 $0x80, v34;
	v25 =	vor.u32 $0x100, v23;
	v24 =	vld.idx.msk [tilespmem:v23+s2+$0x0], $0xffff  }
0x121: {  	s29 =	sadd.s32 $0x200, s29;
	v14 =	vor.u32 $0x100, v28;
	v17 =	vor.u32 $0x100, v1;
	v42 =	vld.idx.msk [tilespmem:v2+s2+$0x0], $0xffff;
	v3 =	vand.u32 $0x7FFFFFFF, v3  }
0x122: {  	v15 =	vor.u32 $0x100, v29;
	v13 =	vor.u32 $0x100, v30;
	v12 =	vor.u32 $0x100, v34;
	v43 =	vld.idx.msk [tilespmem:v1+s2+$0x0], $0xffff;
	[tilespmem:s29+$0xFFFFFF70] =	vst v3  }
0x123: {  	v5 =	vor.u32 $0x180, v2;
	v4 =	vor.u32 $0x180, v1;
	v7 =	vor.u32 $0x180, v23;
	v23 =	vld.idx.msk [tilespmem:v0+s2+$0x0], $0xffff  }
0x124: {  	v2 =	vor.u32 $0x180, v29;
	v3 =	vor.u32 $0x180, v28;
	v0 =	vor.u32 $0x180, v30;
	v44 =	vld [tilespmem:s26+$0xFFFFFFF0]  }
0x125: {  	v6 =	vsub.f32 v19, v6;
	v8 =	vsub.f32 v20, v8;
	v1 =	vor.u32 $0x180, v34;
	v28 =	vld.idx.msk [tilespmem:v28+s2+$0x0], $0xffff  }
0x126: {  	v18 =	vand.u32 $0x7FFFFFFF, v18;
	v10 =	vsub.f32 v21, v10;
	v19 =	vsub.f32 v26, v24;
	v20 =	vld.idx.msk [tilespmem:v29+s2+$0x0], $0xffff  }
0x127: {  	v6 =	vand.u32 $0x7FFFFFFF, v6;
	v9 =	vsub.f32 v22, v9;
	v21 =	vsub.f32 v27, v42;
	v24 =	vld.idx.msk [tilespmem:v30+s2+$0x0], $0xffff;
	[tilespmem:s30+$0xA0] =	vst v18  }
0x128: {  	v26 =	vor.u32 $0x100, v11;
	v18 =	vand.u32 $0x7FFFFFFF, v19;
	v19 =	vsub.f32 v33, v43;
	v22 =	vld.idx.msk [tilespmem:v34+s2+$0x0], $0xffff;
	[tilespmem:s30+$0xB0] =	vst v6  }
0x129: {  	v8 =	vand.u32 $0x7FFFFFFF, v8;
	v6 =	vand.u32 $0x7FFFFFFF, v21;
	[tilespmem:s29+$0xFFFFFF00] =	vst v18;
	v18 =	vld [tilespmem:s26+$0xFFFFFF50];
	v21 =	vsub.f32 v44, v23  }
0x12a: {  	v10 =	vand.u32 $0x7FFFFFFF, v10;
	v9 =	vand.u32 $0x7FFFFFFF, v9;
	[tilespmem:s29+$0xFFFFFF10] =	vst v6;
	v6 =	vand.u32 $0x7FFFFFFF, v19;
	v19 =	vld [tilespmem:s26+$0xFFFFFF60]  }
0x12b: {  	v23 =	vld.idx.msk [tilespmem:v31+s2+$0x0], $0xffff;
	[tilespmem:s29+$0xFFFFFF20] =	vst v6;
	v6 =	vsub.f32 v36, v28;
	v21 =	vand.u32 $0x7FFFFFFF, v21  }
0x12c: {  	v20 =	vsub.f32 v38, v20;
	v27 =	vld.idx.msk [tilespmem:v32+s2+$0x0], $0xffff;
	[tilespmem:s29+$0xFFFFFFF0] =	vst v21  }
0x12d: {  	v6 =	vand.u32 $0x7FFFFFFF, v6;
	v21 =	vld.idx.msk [tilespmem:v26+s2+$0x0], $0xffff;
	[tilespmem:s30+$0xC0] =	vst v8  }
0x12e: {  	[tilespmem:s29+$0xFFFFFF30] =	vst v6;
	v6 =	vand.u32 $0x7FFFFFFF, v20;
	v8 =	vsub.f32 v18, v24;
	v18 =	vld [tilespmem:s26+$0x70]  }
0x12f: {  	v20 =	vld.idx.msk [tilespmem:v35+s2+$0x0], $0xffff;
	[tilespmem:s29+$0xFFFFFF40] =	vst v6;
	v6 =	vsub.f32 v19, v22  }
0x130: {  	v19 =	vld.idx.msk [tilespmem:v37+s2+$0x0], $0xffff;
	v8 =	vand.u32 $0x7FFFFFFF, v8;
	[tilespmem:s30+$0xD0] =	vst v10  }
0x131: {  	v10 =	vld.idx.msk [tilespmem:v39+s2+$0x0], $0xffff;
	[tilespmem:s29+$0xFFFFFF50] =	vst v8;
	v6 =	vand.u32 $0x7FFFFFFF, v6  }
0x132: {  	v8 =	vld.idx.msk [tilespmem:v40+s2+$0x0], $0xffff;
	[tilespmem:s29+$0xFFFFFF60] =	vst v6;
	v6 =	vor.u32 $0x180, v11  }
0x133: {  	v11 =	vld.idx.msk [tilespmem:v41+s2+$0x0], $0xffff;
	v18 =	vsub.f32 v18, v21;
	[tilespmem:s30+$0xE0] =	vst v9;
	s30 =	smov.u32 s29  }
0x134: {  	v9 =	vld [tilespmem:s26+$0xFFFFFF80]  }
0x135: {  	v21 =	vld [tilespmem:s26+$0xFFFFFF90];
	v18 =	vand.u32 $0x7FFFFFFF, v18  }
0x136: {  	v22 =	vld [tilespmem:s26+$0xFFFFFFA0];
	[tilespmem:s29+$0x70] =	vst v18  }
0x137: {  	v6 =	vld.idx.msk [tilespmem:v6+s2+$0x0], $0xffff  }
0x138: {  	v18 =	vld [tilespmem:s26+$0xF0]  }
0x139: {  	v9 =	vsub.f32 v9, v23;
	v23 =	vld [tilespmem:s26+$0xFFFFFFB0]  }
0x13a: {  	v21 =	vsub.f32 v21, v27;
	v24 =	vld [tilespmem:s26+$0xFFFFFFC0]  }
0x13b: {  	v9 =	vand.u32 $0x7FFFFFFF, v9;
	v20 =	vsub.f32 v22, v20;
	v22 =	vld [tilespmem:s26+$0xFFFFFFD0]  }
0x13c: {  	[tilespmem:s29+$0xFFFFFF80] =	vst v9;
	v9 =	vand.u32 $0x7FFFFFFF, v21;
	v21 =	vld [tilespmem:s26+$0xFFFFFFE0]  }
0x13d: {  	v25 =	vld.idx.msk [tilespmem:v25+s2+$0x0], $0xffff;
	[tilespmem:s29+$0xFFFFFF90] =	vst v9;
	v9 =	vand.u32 $0x7FFFFFFF, v20;
	v6 =	vsub.f32 v18, v6  }
0x13e: {  	v16 =	vld.idx.msk [tilespmem:v16+s2+$0x0], $0xffff;
	[tilespmem:s29+$0xFFFFFFA0] =	vst v9;
	v9 =	vsub.f32 v23, v19  }
0x13f: {  	v17 =	vld.idx.msk [tilespmem:v17+s2+$0x0], $0xffff;
	v10 =	vsub.f32 v24, v10;
	v6 =	vand.u32 $0x7FFFFFFF, v6  }
0x140: {  	v18 =	vld [tilespmem:s26+$0x0];
	v9 =	vand.u32 $0x7FFFFFFF, v9;
	v8 =	vsub.f32 v22, v8;
	[tilespmem:s29+$0xF0] =	vst v6  }
0x141: {  	v6 =	vld [tilespmem:s26+$0x10];
	[tilespmem:s29+$0xFFFFFFB0] =	vst v9;
	v9 =	vand.u32 $0x7FFFFFFF, v10;
	v10 =	vsub.f32 v21, v11  }
0x142: {  	v11 =	vld.idx.msk [tilespmem:v14+s2+$0x0], $0xffff;
	[tilespmem:s29+$0xFFFFFFC0] =	vst v9;
	v8 =	vand.u32 $0x7FFFFFFF, v8  }
0x143: {  	v9 =	vld.idx.msk [tilespmem:v15+s2+$0x0], $0xffff;
	[tilespmem:s29+$0xFFFFFFD0] =	vst v8;
	v8 =	vand.u32 $0x7FFFFFFF, v10  }
0x144: {  	v10 =	vld.idx.msk [tilespmem:v13+s2+$0x0], $0xffff;
	[tilespmem:s29+$0xFFFFFFE0] =	vst v8  }
0x145: {  	v8 =	vsub.f32 v18, v25;
	v12 =	vld.idx.msk [tilespmem:v12+s2+$0x0], $0xffff  }
0x146: {  	v6 =	vsub.f32 v6, v16;
	v13 =	vld [tilespmem:s26+$0x20]  }
0x147: {  	v8 =	vand.u32 $0x7FFFFFFF, v8;
	v14 =	vld [tilespmem:s26+$0x30]  }
0x148: {  	[tilespmem:s29+$0x0] =	vst v8;
	v6 =	vand.u32 $0x7FFFFFFF, v6;
	v8 =	vld [tilespmem:s26+$0x40]  }
0x149: {  	[tilespmem:s29+$0x10] =	vst v6;
	v6 =	vld [tilespmem:s26+$0x50]  }
0x14a: {  	v15 =	vld [tilespmem:s26+$0x60]  }
0x14b: {  	v7 =	vld.idx.msk [tilespmem:v7+s2+$0x0], $0xffff;
	v13 =	vsub.f32 v13, v17  }
0x14c: {  	v5 =	vld.idx.msk [tilespmem:v5+s2+$0x0], $0xffff;
	v11 =	vsub.f32 v14, v11  }
0x14d: {  	v14 =	vld [tilespmem:s26+$0x80];
	v13 =	vand.u32 $0x7FFFFFFF, v13;
	v8 =	vsub.f32 v8, v9  }
0x14e: {  	v9 =	vld [tilespmem:s26+$0x90];
	[tilespmem:s29+$0x20] =	vst v13;
	v11 =	vand.u32 $0x7FFFFFFF, v11;
	v10 =	vsub.f32 v6, v10  }
0x14f: {  	v4 =	vld.idx.msk [tilespmem:v4+s2+$0x0], $0xffff;
	[tilespmem:s29+$0x30] =	vst v11;
	v8 =	vand.u32 $0x7FFFFFFF, v8;
	v11 =	vsub.f32 v15, v12  }
.Ltmp1:
0x150: {  	v6 =	vld.idx.msk [tilespmem:v3+s2+$0x0], $0xffff;
	[tilespmem:s29+$0x40] =	vst v8;
	v3 =	vand.u32 $0x7FFFFFFF, v10;
	(pc) =	sbr.rel @p0 .LBB2_5-.Ltmp1, $4  }
0x151: {  	v8 =	vld.idx.msk [tilespmem:v2+s2+$0x0], $0xffff;
	[tilespmem:s29+$0x50] =	vst v3;
	v2 =	vand.u32 $0x7FFFFFFF, v11  }
0x152: {  	v3 =	vsub.f32 v14, v7;
	v10 =	vld.idx.msk [tilespmem:v0+s2+$0x0], $0xffff;
	[tilespmem:s29+$0x60] =	vst v2  }
0x153: {  	v2 =	vsub.f32 v9, v5;
	v9 =	vld.idx.msk [tilespmem:v1+s2+$0x0], $0xffff  }
0x154: {  	s3 =	sadd.s32 $0x80, s3;
	v1 =	vand.u32 $0x7FFFFFFF, v3;
	v0 =	vld [tilespmem:s26+$0xA0]  }
0x155: {  	v3 =	vld [tilespmem:s26+$0xB0]  }
0x156: {  	v5 =	vld [tilespmem:s26+$0xC0]  }
0x157: {  	v7 =	vld [tilespmem:s26+$0xD0]  }
0x158: {  	v11 =	vld [tilespmem:s26+$0xE0]  }
0x159: {  	v0 =	vsub.f32 v0, v4  }
0x15a: {  	[tilespmem:s29+$0x80] =	vst v1;
	v2 =	vand.u32 $0x7FFFFFFF, v2;
	v56 =	vsub.f32 v3, v6  }
0x15b: {  	[tilespmem:s29+$0x90] =	vst v2;
	v57 =	vsub.f32 v5, v8;
	v0 =	vand.u32 $0x7FFFFFFF, v0  }
0x15c: {  	v58 =	vsub.f32 v7, v10;
	[tilespmem:s30+$0xA0] =	vst v0;
	v59 =	vand.u32 $0x7FFFFFFF, v56  }
0x15d: {  	s0 =	sshll.u32 s28, $0x15;
	s25 =	sadd.s32 $0x1, s25;
	v60 =	vsub.f32 v11, v9;
	v61 =	vand.u32 $0x7FFFFFFF, v57;
	[tilespmem:s30+$0xB0] =	vst v59  }
0x15e: {  	s0 =	sor.u32 s7, s0;
	p0 =	sne.s32 s25, $0x8;
	v62 =	vand.u32 $0x7FFFFFFF, v58;
	[tilespmem:s30+$0xC0] =	vst v61  }
.Ltmp2:
0x15f: {  	s0 =	sshrl.u32 s0, $0x3;
	v63 =	vand.u32 $0x7FFFFFFF, v60;
	[tilespmem:s30+$0xD0] =	vst v62;
	(pc) =	sbr.rel @p0 .LBB2_2-.Ltmp2, $4  }
0x160: {  	s3 =	sadd.s32 s1, s0;
	[tilespmem:s30+$0xE0] =	vst v63  }
0x161: {  	[hbm4b:s3+s14] =	stream.strided.scatter [tilespmem:s21], [sflag:$0x2], $0x4000, s15, s14, $0x38;
	[tilespmem:$0x11000] =	vst v63  }
0x162: {  	s0 =	sadd.s32 s0, s8  }
0x163: {  	[hbm4b:s0+s14] =	stream.strided.scatter [tilespmem:s21], [sflag:$0x2], $0x4000, s15, s14, $0x38;
	[tilespmem:$0x11000] =	vst v63  }
0x164: {  	_ =	swait.ge [sflag:s22], $0x4000  }
0x165: {  	[sflag:s22] =	ssyncset.done $0x0  }
0x166: {  	[sflag:s22] =	ssyncadd.s32 $0xFFFFC000  }
0x167: {  	_ =	swait.ge [sflag:s22], $0x4000  }
0x168: {  	[sflag:s22] =	ssyncset.done $0x0  }
0x169: {  	[sflag:s22] =	ssyncadd.s32 $0xFFFFC000  }
0x16a: {  	_ =	swait.ge [sflag:s23], $0x4000  }
0x16b: {  	[sflag:s23] =	ssyncset.done $0x0  }
0x16c: {  	[sflag:s23] =	ssyncadd.s32 $0xFFFFC000  }
0x16d: {  	_ =	swait.ge [sflag:s23], $0x4000  }
0x16e: {  	[sflag:s23] =	ssyncset.done $0x0  }
0x16f: {  	s25 =	simm.s32 $0x0;
	[sflag:s23] =	ssyncadd.s32 $0xFFFFC000  }
0x170: {  	[tilespmem:s25], [sflag:$0x3] =	stream.strided.gather [hbm4b:s9+s14], $0x4000, s15, s14, $0x38;
	[tilespmem:$0x11000] =	vst v63  }
0x171: {  	_ =	swait.ge [sflag:s16], $0x4000  }
0x172: {  	[sflag:s16] =	ssyncset.done $0x0  }
0x173: {  	[sflag:s16] =	ssyncadd.s32 $0xFFFFC000  }
0x174: {  	[tilespmem:s17], [sflag:$0x3] =	stream.strided.gather [hbm4b:s10+s14], $0x4000, s15, s14, $0x38;
	[tilespmem:$0x11000] =	vst v63  }
0x175: {  	_ =	swait.ge [sflag:s16], $0x4000  }
0x176: {  	[sflag:s16] =	ssyncset.done $0x0  }
0x177: {  	[sflag:s16] =	ssyncadd.s32 $0xFFFFC000  }
.LBB2_8:
0x178: {  	p0 =	seq.s32 s25, $0x0  }
0x179: {  	s0 =	simm.s32 @!p0 $0x1  }
0x17a: {  	_ =	swait.ge @!p0 [sflag:s0], $0x4000  }
0x17b: {  	[sflag:s0] =	ssyncset.done @!p0 $0x0  }
0x17c: {  	s3 =	sshll.u32 s25, $0x5;
	[sflag:s0] =	ssyncadd.s32 @!p0 $0xFFFFC000  }
0x17d: {  	s26 =	sshll.u32 s25, $0xA;
	s3 =	sand.u32 $0x60, s3;
	_ =	swait.ge @!p0 [sflag:s0], $0x4000  }
0x17e: {  	s26 =	sand.u32 $0x1000, s26;
	s3 =	sadd.s32 s4, s3;
	[sflag:s0] =	ssyncset.done @!p0 $0x0  }
0x17f: {  	s3 =	sadd.s32 s26, s3;
	[sflag:s0] =	ssyncadd.s32 @!p0 $0xFFFFC000  }
0x180: {  	[tilespmem:s19], [sflag:$0x3] =	stream.strided.gather [hbm4b:s3+s18], $0x1000, s15, s18, $0x38;
	[tilespmem:$0x11000] =	vst v63  }
0x181: {  	_ =	swait.ge [sflag:s16], $0x1000  }
0x182: {  	[sflag:s16] =	ssyncset.done $0x0  }
0x183: {  	s3 =	simm.s32 $0x8040;
	[sflag:s16] =	ssyncadd.s32 $0xFFFFF000  }
0x184: {  	v0 =	vld [tilespmem:s3+$0x30]  }
0x185: {  	v1 =	vld [tilespmem:s3+$0xFFFFFFD0]  }
0x186: {  	v3 =	vld [tilespmem:s3+$0xFFFFFFE0]  }
0x187: {  	v6 =	vld [tilespmem:s3+$0xFFFFFFF0]  }
0x188: {  	v8 =	vld [tilespmem:s3+$0x10]  }
0x189: {  	v4 =	vld [tilespmem:s3+$0xFFFFFFC0]  }
0x18a: {  	v7 =	vld [tilespmem:s3+$0x0];
	v2 =	vshll.u32 v0, $0x2  }
0x18b: {  	s28 =	simm.s32 $0x4100;
	v9 =	vld [tilespmem:s3+$0x20];
	v0 =	vand.u32 $0x7F, v0;
	v11 =	vshll.u32 v3, $0x2;
	v13 =	vand.u32 $0x7F, v1  }
0x18c: {  	v12 =	vld [tilespmem:s28+$0xFFFFFF70];
	v14 =	vshll.u32 v6, $0x2;
	v3 =	vand.u32 $0x7F, v3;
	v2 =	vand.u32 $0xFFFFFE00, v2  }
0x18d: {  	v58 =	vld [tilespmem:s28+$0xFFFFFF10];
	v17 =	vshll.u32 v8, $0x2;
	v8 =	vand.u32 $0x7F, v8;
	v5 =	vor.u32 v0, v2  }
0x18e: {  	v59 =	vld [tilespmem:s28+$0xFFFFFF30];
	v60 =	vand.u32 $0xFFFFFE00, v17;
	v0 =	vshll.u32 v1, $0x2;
	v2 =	vshll.u32 v4, $0x2  }
0x18f: {  	v18 =	vld [tilespmem:s28+$0xFFFFFF40];
	v4 =	vand.u32 $0x7F, v4;
	v8 =	vor.u32 v8, v60;
	v2 =	vand.u32 $0xFFFFFE00, v2  }
0x190: {  	v23 =	vld [tilespmem:s28+$0xFFFFFF50];
	v11 =	vand.u32 $0xFFFFFE00, v11;
	v0 =	vand.u32 $0xFFFFFE00, v0;
	v1 =	vor.u32 v4, v2  }
0x191: {  	v15 =	vshll.u32 v7, $0x2;
	v4 =	vld [tilespmem:s28+$0xFFFFFF00];
	v2 =	vor.u32 v13, v0;
	v0 =	vor.u32 v3, v11  }
0x192: {  	v6 =	vand.u32 $0x7F, v6;
	v61 =	vshll.u32 v9, $0x2;
	v14 =	vand.u32 $0xFFFFFE00, v14;
	v10 =	vld.idx.msk [tilespmem:v5+s2+$0x0], $0xffff  }
0x193: {  	v9 =	vand.u32 $0x7F, v9;
	v17 =	vand.u32 $0xFFFFFE00, v61;
	v6 =	vor.u32 v6, v14;
	v3 =	vld [tilespmem:s28+$0xFFFFFF20]  }
0x194: {  	v7 =	vand.u32 $0x7F, v7;
	v9 =	vor.u32 v9, v17;
	v11 =	vand.u32 $0xFFFFFE00, v15;
	v29 =	vld.idx.msk [tilespmem:v8+s2+$0x0], $0xffff  }
0x195: {  	v7 =	vor.u32 v7, v11;
	v62 =	vld.idx.msk [tilespmem:v1+s2+$0x0], $0xffff  }
0x196: {  	v16 =	vor.u32 $0x80, v5;
	v63 =	vld.idx.msk [tilespmem:v0+s2+$0x0], $0xffff  }
0x197: {  	v11 =	vld.idx.msk [tilespmem:v2+s2+$0x0], $0xffff;
	v10 =	vsub.f32 v12, v10  }
0x198: {  	v28 =	vld.idx.msk [tilespmem:v6+s2+$0x0], $0xffff  }
0x199: {  	s29 =	simm.s32 $0x9100;
	v30 =	vld.idx.msk [tilespmem:v9+s2+$0x0], $0xffff;
	v14 =	vsub.f32 v23, v29;
	v10 =	vand.u32 $0x7FFFFFFF, v10  }
0x19a: {  	v19 =	vor.u32 $0x80, v1;
	v20 =	vld.idx.msk [tilespmem:v7+s2+$0x0], $0xffff;
	v4 =	vsub.f32 v4, v62;
	[tilespmem:s29+$0xFFFFFF70] =	vst v10  }
0x19b: {  	v31 =	vor.u32 $0x80, v0;
	v3 =	vsub.f32 v3, v63;
	v37 =	vand.u32 $0x7FFFFFFF, v14;
	v10 =	vld.idx.msk [tilespmem:v16+s2+$0x0], $0xffff  }
0x19c: {  	v11 =	vsub.f32 v58, v11;
	[tilespmem:s29+$0xFFFFFF50] =	vst v37;
	v27 =	vld [tilespmem:s28+$0xFFFFFFF0];
	v4 =	vand.u32 $0x7FFFFFFF, v4  }
0x19d: {  	v3 =	vand.u32 $0x7FFFFFFF, v3;
	v47 =	vld [tilespmem:s28+$0xFFFFFFD0];
	[tilespmem:s29+$0xFFFFFF00] =	vst v4  }
0x19e: {  	v21 =	vor.u32 $0x80, v2;
	v4 =	vand.u32 $0x7FFFFFFF, v11;
	v11 =	vld [tilespmem:s28+$0xFFFFFF60];
	[tilespmem:s29+$0xFFFFFF20] =	vst v3  }
0x19f: {  	v24 =	vor.u32 $0x80, v6;
	[tilespmem:s29+$0xFFFFFF10] =	vst v4;
	v4 =	vld.idx.msk [tilespmem:v19+s2+$0x0], $0xffff  }
0x1a0: {  	v15 =	vsub.f32 v59, v28;
	v16 =	vld.idx.msk [tilespmem:v31+s2+$0x0], $0xffff  }
0x1a1: {  	v22 =	vor.u32 $0x100, v5;
	v18 =	vsub.f32 v18, v20;
	v39 =	vld [tilespmem:s28+$0xFFFFFF80]  }
0x1a2: {  	v3 =	vand.u32 $0x7FFFFFFF, v15;
	v41 =	vld [tilespmem:s28+$0xFFFFFFA0];
	v10 =	vsub.f32 v27, v10  }
0x1a3: {  	[tilespmem:s29+$0xFFFFFF30] =	vst v3;
	v3 =	vand.u32 $0x7FFFFFFF, v18;
	v33 =	vld.idx.msk [tilespmem:v21+s2+$0x0], $0xffff  }
0x1a4: {  	v32 =	vor.u32 $0x80, v7;
	[tilespmem:s29+$0xFFFFFF40] =	vst v3;
	v3 =	vld.idx.msk [tilespmem:v24+s2+$0x0], $0xffff;
	v10 =	vand.u32 $0x7FFFFFFF, v10  }
0x1a5: {  	v40 =	vld [tilespmem:s28+$0xFFFFFF90];
	[tilespmem:s29+$0xFFFFFFF0] =	vst v10  }
0x1a6: {  	v35 =	vor.u32 $0x80, v9;
	v34 =	vld.idx.msk [tilespmem:v22+s2+$0x0], $0xffff  }
0x1a7: {  	v11 =	vsub.f32 v11, v30;
	v36 =	vld [tilespmem:s28+$0x70]  }
0x1a8: {  	v44 =	vld [tilespmem:s28+$0xFFFFFFB0]  }
0x1a9: {  	v43 =	vor.u32 $0x100, v2;
	v12 =	vld.idx.msk [tilespmem:v32+s2+$0x0], $0xffff;
	v4 =	vsub.f32 v39, v4;
	v11 =	vand.u32 $0x7FFFFFFF, v11  }
0x1aa: {  	v46 =	vld [tilespmem:s28+$0xFFFFFFC0];
	v15 =	vsub.f32 v40, v33;
	[tilespmem:s29+$0xFFFFFF60] =	vst v11  }
0x1ab: {  	v5 =	vor.u32 $0x180, v5;
	v4 =	vand.u32 $0x7FFFFFFF, v4;
	v11 =	vld.idx.msk [tilespmem:v35+s2+$0x0], $0xffff  }
0x1ac: {  	v10 =	vor.u32 $0x80, v8;
	[tilespmem:s29+$0xFFFFFF80] =	vst v4;
	v4 =	vand.u32 $0x7FFFFFFF, v15;
	v48 =	vld [tilespmem:s28+$0xFFFFFFE0];
	v38 =	vsub.f32 v36, v34  }
0x1ad: {  	v49 =	vor.u32 $0x100, v6;
	[tilespmem:s29+$0xFFFFFF90] =	vst v4;
	v53 =	vld [tilespmem:s28+$0x0]  }
0x1ae: {  	v3 =	vsub.f32 v44, v3;
	v20 =	vld.idx.msk [tilespmem:v43+s2+$0x0], $0xffff;
	v13 =	vand.u32 $0x7FFFFFFF, v38  }
0x1af: {  	v45 =	vor.u32 $0x100, v0;
	v54 =	vld [tilespmem:s28+$0x10];
	[tilespmem:s29+$0x70] =	vst v13  }
0x1b0: {  	v16 =	vsub.f32 v41, v16;
	v3 =	vand.u32 $0x7FFFFFFF, v3;
	v13 =	vld.idx.msk [tilespmem:v5+s2+$0x0], $0xffff;
	v5 =	vor.u32 $0x100, v1  }
0x1b1: {  	[tilespmem:s29+$0xFFFFFFB0] =	vst v3;
	v10 =	vld.idx.msk [tilespmem:v10+s2+$0x0], $0xffff  }
0x1b2: {  	v12 =	vsub.f32 v46, v12;
	v4 =	vand.u32 $0x7FFFFFFF, v16;
	v55 =	vld.idx.msk [tilespmem:v49+s2+$0x0], $0xffff  }
0x1b3: {  	v50 =	vor.u32 $0x100, v7;
	[tilespmem:s29+$0xFFFFFFA0] =	vst v4;
	v56 =	vld [tilespmem:s28+$0x30]  }
0x1b4: {  	v3 =	vand.u32 $0x7FFFFFFF, v12;
	v51 =	vld.idx.msk [tilespmem:v45+s2+$0x0], $0xffff  }
0x1b5: {  	v4 =	vor.u32 $0x100, v8;
	[tilespmem:s29+$0xFFFFFFC0] =	vst v3;
	v5 =	vld.idx.msk [tilespmem:v5+s2+$0x0], $0xffff  }
0x1b6: {  	v58 =	vld [tilespmem:s28+$0x40];
	v10 =	vsub.f32 v47, v10  }
0x1b7: {  	v52 =	vor.u32 $0x100, v9;
	v11 =	vsub.f32 v48, v11;
	v42 =	vld [tilespmem:s28+$0xF0]  }
0x1b8: {  	v3 =	vand.u32 $0x7FFFFFFF, v10;
	v10 =	vld.idx.msk [tilespmem:v50+s2+$0x0], $0xffff  }
0x1b9: {  	v1 =	vor.u32 $0x180, v1;
	[tilespmem:s29+$0xFFFFFFD0] =	vst v3;
	v3 =	vand.u32 $0x7FFFFFFF, v11;
	v11 =	vld [tilespmem:s28+$0x20]  }
0x1ba: {  	v4 =	vld.idx.msk [tilespmem:v4+s2+$0x0], $0xffff;
	v5 =	vsub.f32 v53, v5  }
0x1bb: {  	v2 =	vor.u32 $0x180, v2;
	v57 =	vsub.f32 v54, v20;
	[tilespmem:s29+$0xFFFFFFE0] =	vst v3;
	v59 =	vld [tilespmem:s28+$0x50]  }
0x1bc: {  	v3 =	vld.idx.msk [tilespmem:v52+s2+$0x0], $0xffff;
	v5 =	vand.u32 $0x7FFFFFFF, v5  }
0x1bd: {  	v0 =	vor.u32 $0x180, v0;
	v60 =	vld [tilespmem:s28+$0x60];
	[tilespmem:s29+$0x0] =	vst v5;
	v5 =	vand.u32 $0x7FFFFFFF, v57  }
0x1be: {  	v6 =	vor.u32 $0x180, v6;
	[tilespmem:s29+$0x10] =	vst v5;
	v1 =	vld.idx.msk [tilespmem:v1+s2+$0x0], $0xffff;
	v5 =	vsub.f32 v11, v51  }
0x1bf: {  	v7 =	vor.u32 $0x180, v7;
	v11 =	vsub.f32 v56, v55;
	v62 =	vld [tilespmem:s28+$0x80]  }
0x1c0: {  	v61 =	vor.u32 $0x180, v8;
	v8 =	vsub.f32 v58, v10;
	v2 =	vld.idx.msk [tilespmem:v2+s2+$0x0], $0xffff;
	v5 =	vand.u32 $0x7FFFFFFF, v5  }
0x1c1: {  	v9 =	vor.u32 $0x180, v9;
	v10 =	vsub.f32 v59, v4;
	v63 =	vld [tilespmem:s28+$0x90];
	[tilespmem:s29+$0x20] =	vst v5;
	v5 =	vand.u32 $0x7FFFFFFF, v11  }
0x1c2: {  	v3 =	vsub.f32 v60, v3;
	v4 =	vld.idx.msk [tilespmem:v0+s2+$0x0], $0xffff;
	[tilespmem:s29+$0x30] =	vst v5;
	v0 =	vand.u32 $0x7FFFFFFF, v8  }
0x1c3: {  	v5 =	vld.idx.msk [tilespmem:v6+s2+$0x0], $0xffff;
	[tilespmem:s29+$0x40] =	vst v0;
	v0 =	vand.u32 $0x7FFFFFFF, v10  }
0x1c4: {  	v6 =	vsub.f32 v42, v13;
	v8 =	vld.idx.msk [tilespmem:v7+s2+$0x0], $0xffff;
	[tilespmem:s29+$0x50] =	vst v0;
	v0 =	vand.u32 $0x7FFFFFFF, v3  }
0x1c5: {  	v1 =	vsub.f32 v62, v1;
	v10 =	vld.idx.msk [tilespmem:v61+s2+$0x0], $0xffff;
	[tilespmem:s29+$0x60] =	vst v0  }
0x1c6: {  	s30 =	sshll.u32 s25, $0x1;
	v2 =	vsub.f32 v63, v2;
	v0 =	vand.u32 $0x7FFFFFFF, v6;
	v9 =	vld.idx.msk [tilespmem:v9+s2+$0x0], $0xffff  }
0x1c7: {  	s31 =	simm.s32 $0x9100;
	s0 =	simm.s32 $0x0;
	s3 =	simm.s32 $0x80C0;
	v1 =	vand.u32 $0x7FFFFFFF, v1;
	[tilespmem:s29+$0xF0] =	vst v0;
	v0 =	vld [tilespmem:s28+$0xA0]  }
.LBB2_9:
0x1c8: {  	v3 =	vld [tilespmem:s3+$0x30];
	s0 =	sadd.s32 $0x8, s0;
	[tilespmem:s29+$0x80] =	vst v1;
	v1 =	vand.u32 $0x7FFFFFFF, v2  }
0x1c9: {  	v2 =	vld [tilespmem:s3+$0xFFFFFFD0];
	p1 =	slt.u32 s0, $0xF8;
	[tilespmem:s29+$0x90] =	vst v1  }
0x1ca: {  	v1 =	vld [tilespmem:s3+$0xFFFFFFE0]  }
0x1cb: {  	v6 =	vld [tilespmem:s3+$0xFFFFFFF0]  }
0x1cc: {  	v7 =	vld [tilespmem:s3+$0x0];
	v18 =	vsub.f32 v0, v4  }
0x1cd: {  	v0 =	vld [tilespmem:s3+$0x10];
	v4 =	vshll.u32 v3, $0x2  }
0x1ce: {  	v3 =	vand.u32 $0x7F, v3;
	v11 =	vshll.u32 v2, $0x2;
	v12 =	vld [tilespmem:s3+$0x20];
	v4 =	vand.u32 $0xFFFFFE00, v4  }
0x1cf: {  	v13 =	vld [tilespmem:s3+$0xFFFFFFC0];
	v14 =	vand.u32 $0xFFFFFE00, v11;
	v15 =	vshll.u32 v1, $0x2;
	v11 =	vor.u32 v3, v4  }
0x1d0: {  	v2 =	vand.u32 $0x7F, v2;
	v3 =	vand.u32 $0xFFFFFE00, v15;
	v4 =	vshll.u32 v6, $0x2;
	v19 =	vld [tilespmem:s28+$0xB0]  }
0x1d1: {  	v1 =	vand.u32 $0x7F, v1;
	v4 =	vand.u32 $0xFFFFFE00, v4;
	v15 =	vshll.u32 v7, $0x2;
	v20 =	vld [tilespmem:s28+$0xC0]  }
0x1d2: {  	v6 =	vand.u32 $0x7F, v6;
	v15 =	vand.u32 $0xFFFFFE00, v15;
	v16 =	vshll.u32 v0, $0x2;
	v21 =	vld [tilespmem:s28+$0xD0]  }
0x1d3: {  	v7 =	vand.u32 $0x7F, v7;
	v16 =	vand.u32 $0xFFFFFE00, v16;
	v17 =	vshll.u32 v12, $0x2;
	v22 =	vld [tilespmem:s28+$0xE0]  }
0x1d4: {  	s28 =	sadd.s32 $0x200, s28;
	v23 =	vand.u32 $0x7F, v13;
	v13 =	vshll.u32 v13, $0x2;
	v17 =	vand.u32 $0xFFFFFE00, v17;
	v24 =	vld.idx.msk [tilespmem:v11+s2+$0x0], $0xffff  }
0x1d5: {  	v0 =	vand.u32 $0x7F, v0;
	v12 =	vand.u32 $0x7F, v12;
	v13 =	vand.u32 $0xFFFFFE00, v13;
	v25 =	vld [tilespmem:s28+$0xFFFFFF70]  }
0x1d6: {  	v2 =	vor.u32 v2, v14;
	v1 =	vor.u32 v1, v3;
	v23 =	vor.u32 v23, v13;
	v26 =	vld [tilespmem:s28+$0xFFFFFF00]  }
0x1d7: {  	v28 =	vor.u32 v6, v4;
	v29 =	vor.u32 v7, v15;
	v30 =	vor.u32 v0, v16;
	v27 =	vld [tilespmem:s28+$0xFFFFFF10]  }
0x1d8: {  	v32 =	vor.u32 $0x80, v2;
	v34 =	vor.u32 v12, v17;
	v31 =	vor.u32 $0x80, v23;
	v33 =	vld [tilespmem:s28+$0xFFFFFF20]  }
0x1d9: {  	v35 =	vor.u32 $0x80, v1;
	v37 =	vor.u32 $0x80, v28;
	v0 =	vor.u32 $0x80, v11;
	v36 =	vld [tilespmem:s28+$0xFFFFFF30]  }
0x1da: {  	v39 =	vor.u32 $0x80, v29;
	v40 =	vor.u32 $0x80, v30;
	v38 =	vld [tilespmem:s28+$0xFFFFFF40];
	v3 =	vsub.f32 v25, v24  }
0x1db: {  	v16 =	vor.u32 $0x100, v2;
	v41 =	vor.u32 $0x80, v34;
	v25 =	vor.u32 $0x100, v23;
	v24 =	vld.idx.msk [tilespmem:v23+s2+$0x0], $0xffff  }
0x1dc: {  	s29 =	sadd.s32 $0x200, s29;
	v14 =	vor.u32 $0x100, v28;
	v17 =	vor.u32 $0x100, v1;
	v42 =	vld.idx.msk [tilespmem:v2+s2+$0x0], $0xffff;
	v3 =	vand.u32 $0x7FFFFFFF, v3  }
0x1dd: {  	v15 =	vor.u32 $0x100, v29;
	v13 =	vor.u32 $0x100, v30;
	v12 =	vor.u32 $0x100, v34;
	v43 =	vld.idx.msk [tilespmem:v1+s2+$0x0], $0xffff;
	[tilespmem:s29+$0xFFFFFF70] =	vst v3  }
0x1de: {  	v6 =	vor.u32 $0x180, v2;
	v4 =	vor.u32 $0x180, v1;
	v7 =	vor.u32 $0x180, v23;
	v23 =	vld.idx.msk [tilespmem:v0+s2+$0x0], $0xffff  }
0x1df: {  	v2 =	vor.u32 $0x180, v29;
	v3 =	vor.u32 $0x180, v28;
	v0 =	vor.u32 $0x180, v30;
	v44 =	vld [tilespmem:s28+$0xFFFFFFF0]  }
0x1e0: {  	v5 =	vsub.f32 v19, v5;
	v8 =	vsub.f32 v20, v8;
	v1 =	vor.u32 $0x180, v34;
	v28 =	vld.idx.msk [tilespmem:v28+s2+$0x0], $0xffff  }
0x1e1: {  	v18 =	vand.u32 $0x7FFFFFFF, v18;
	v10 =	vsub.f32 v21, v10;
	v19 =	vsub.f32 v26, v24;
	v20 =	vld.idx.msk [tilespmem:v29+s2+$0x0], $0xffff  }
0x1e2: {  	v5 =	vand.u32 $0x7FFFFFFF, v5;
	v9 =	vsub.f32 v22, v9;
	v21 =	vsub.f32 v27, v42;
	v24 =	vld.idx.msk [tilespmem:v30+s2+$0x0], $0xffff;
	[tilespmem:s31+$0xA0] =	vst v18  }
0x1e3: {  	v26 =	vor.u32 $0x100, v11;
	v18 =	vand.u32 $0x7FFFFFFF, v19;
	v19 =	vsub.f32 v33, v43;
	v22 =	vld.idx.msk [tilespmem:v34+s2+$0x0], $0xffff;
	[tilespmem:s31+$0xB0] =	vst v5  }
0x1e4: {  	v8 =	vand.u32 $0x7FFFFFFF, v8;
	v5 =	vand.u32 $0x7FFFFFFF, v21;
	[tilespmem:s29+$0xFFFFFF00] =	vst v18;
	v18 =	vld [tilespmem:s28+$0xFFFFFF50];
	v21 =	vsub.f32 v44, v23  }
0x1e5: {  	v10 =	vand.u32 $0x7FFFFFFF, v10;
	v9 =	vand.u32 $0x7FFFFFFF, v9;
	[tilespmem:s29+$0xFFFFFF10] =	vst v5;
	v5 =	vand.u32 $0x7FFFFFFF, v19;
	v19 =	vld [tilespmem:s28+$0xFFFFFF60]  }
0x1e6: {  	v23 =	vld.idx.msk [tilespmem:v31+s2+$0x0], $0xffff;
	[tilespmem:s29+$0xFFFFFF20] =	vst v5;
	v5 =	vsub.f32 v36, v28;
	v21 =	vand.u32 $0x7FFFFFFF, v21  }
0x1e7: {  	v20 =	vsub.f32 v38, v20;
	v27 =	vld.idx.msk [tilespmem:v32+s2+$0x0], $0xffff;
	[tilespmem:s29+$0xFFFFFFF0] =	vst v21  }
0x1e8: {  	v5 =	vand.u32 $0x7FFFFFFF, v5;
	v21 =	vld.idx.msk [tilespmem:v26+s2+$0x0], $0xffff;
	[tilespmem:s31+$0xC0] =	vst v8  }
0x1e9: {  	[tilespmem:s29+$0xFFFFFF30] =	vst v5;
	v5 =	vand.u32 $0x7FFFFFFF, v20;
	v8 =	vsub.f32 v18, v24;
	v18 =	vld [tilespmem:s28+$0x70]  }
0x1ea: {  	v20 =	vld.idx.msk [tilespmem:v35+s2+$0x0], $0xffff;
	[tilespmem:s29+$0xFFFFFF40] =	vst v5;
	v5 =	vsub.f32 v19, v22  }
0x1eb: {  	v19 =	vld.idx.msk [tilespmem:v37+s2+$0x0], $0xffff;
	v8 =	vand.u32 $0x7FFFFFFF, v8;
	[tilespmem:s31+$0xD0] =	vst v10  }
0x1ec: {  	v10 =	vld.idx.msk [tilespmem:v39+s2+$0x0], $0xffff;
	[tilespmem:s29+$0xFFFFFF50] =	vst v8;
	v5 =	vand.u32 $0x7FFFFFFF, v5  }
0x1ed: {  	v8 =	vld.idx.msk [tilespmem:v40+s2+$0x0], $0xffff;
	[tilespmem:s29+$0xFFFFFF60] =	vst v5;
	v5 =	vor.u32 $0x180, v11  }
0x1ee: {  	v11 =	vld.idx.msk [tilespmem:v41+s2+$0x0], $0xffff;
	v18 =	vsub.f32 v18, v21;
	[tilespmem:s31+$0xE0] =	vst v9;
	s31 =	smov.u32 s29  }
0x1ef: {  	v9 =	vld [tilespmem:s28+$0xFFFFFF80]  }
0x1f0: {  	v21 =	vld [tilespmem:s28+$0xFFFFFF90];
	v18 =	vand.u32 $0x7FFFFFFF, v18  }
0x1f1: {  	v22 =	vld [tilespmem:s28+$0xFFFFFFA0];
	[tilespmem:s29+$0x70] =	vst v18  }
0x1f2: {  	v5 =	vld.idx.msk [tilespmem:v5+s2+$0x0], $0xffff  }
0x1f3: {  	v18 =	vld [tilespmem:s28+$0xF0]  }
0x1f4: {  	v9 =	vsub.f32 v9, v23;
	v23 =	vld [tilespmem:s28+$0xFFFFFFB0]  }
0x1f5: {  	v21 =	vsub.f32 v21, v27;
	v24 =	vld [tilespmem:s28+$0xFFFFFFC0]  }
0x1f6: {  	v9 =	vand.u32 $0x7FFFFFFF, v9;
	v20 =	vsub.f32 v22, v20;
	v22 =	vld [tilespmem:s28+$0xFFFFFFD0]  }
0x1f7: {  	[tilespmem:s29+$0xFFFFFF80] =	vst v9;
	v9 =	vand.u32 $0x7FFFFFFF, v21;
	v21 =	vld [tilespmem:s28+$0xFFFFFFE0]  }
0x1f8: {  	v25 =	vld.idx.msk [tilespmem:v25+s2+$0x0], $0xffff;
	[tilespmem:s29+$0xFFFFFF90] =	vst v9;
	v9 =	vand.u32 $0x7FFFFFFF, v20;
	v5 =	vsub.f32 v18, v5  }
0x1f9: {  	v16 =	vld.idx.msk [tilespmem:v16+s2+$0x0], $0xffff;
	[tilespmem:s29+$0xFFFFFFA0] =	vst v9;
	v9 =	vsub.f32 v23, v19  }
0x1fa: {  	v17 =	vld.idx.msk [tilespmem:v17+s2+$0x0], $0xffff;
	v10 =	vsub.f32 v24, v10;
	v5 =	vand.u32 $0x7FFFFFFF, v5  }
0x1fb: {  	v18 =	vld [tilespmem:s28+$0x0];
	v9 =	vand.u32 $0x7FFFFFFF, v9;
	v8 =	vsub.f32 v22, v8;
	[tilespmem:s29+$0xF0] =	vst v5  }
0x1fc: {  	v5 =	vld [tilespmem:s28+$0x10];
	[tilespmem:s29+$0xFFFFFFB0] =	vst v9;
	v9 =	vand.u32 $0x7FFFFFFF, v10;
	v10 =	vsub.f32 v21, v11  }
0x1fd: {  	v11 =	vld.idx.msk [tilespmem:v14+s2+$0x0], $0xffff;
	[tilespmem:s29+$0xFFFFFFC0] =	vst v9;
	v8 =	vand.u32 $0x7FFFFFFF, v8  }
0x1fe: {  	v9 =	vld.idx.msk [tilespmem:v15+s2+$0x0], $0xffff;
	[tilespmem:s29+$0xFFFFFFD0] =	vst v8;
	v8 =	vand.u32 $0x7FFFFFFF, v10  }
0x1ff: {  	v10 =	vld.idx.msk [tilespmem:v13+s2+$0x0], $0xffff;
	[tilespmem:s29+$0xFFFFFFE0] =	vst v8  }
0x200: {  	v8 =	vsub.f32 v18, v25;
	v12 =	vld.idx.msk [tilespmem:v12+s2+$0x0], $0xffff  }
0x201: {  	v5 =	vsub.f32 v5, v16;
	v13 =	vld [tilespmem:s28+$0x20]  }
0x202: {  	v8 =	vand.u32 $0x7FFFFFFF, v8;
	v14 =	vld [tilespmem:s28+$0x30]  }
0x203: {  	[tilespmem:s29+$0x0] =	vst v8;
	v5 =	vand.u32 $0x7FFFFFFF, v5;
	v8 =	vld [tilespmem:s28+$0x40]  }
0x204: {  	[tilespmem:s29+$0x10] =	vst v5;
	v5 =	vld [tilespmem:s28+$0x50]  }
0x205: {  	v15 =	vld [tilespmem:s28+$0x60]  }
0x206: {  	v7 =	vld.idx.msk [tilespmem:v7+s2+$0x0], $0xffff;
	v13 =	vsub.f32 v13, v17  }
0x207: {  	v6 =	vld.idx.msk [tilespmem:v6+s2+$0x0], $0xffff;
	v11 =	vsub.f32 v14, v11  }
0x208: {  	v14 =	vld [tilespmem:s28+$0x80];
	v13 =	vand.u32 $0x7FFFFFFF, v13;
	v8 =	vsub.f32 v8, v9  }
0x209: {  	v9 =	vld [tilespmem:s28+$0x90];
	[tilespmem:s29+$0x20] =	vst v13;
	v11 =	vand.u32 $0x7FFFFFFF, v11;
	v10 =	vsub.f32 v5, v10  }
0x20a: {  	v4 =	vld.idx.msk [tilespmem:v4+s2+$0x0], $0xffff;
	[tilespmem:s29+$0x30] =	vst v11;
	v8 =	vand.u32 $0x7FFFFFFF, v8;
	v11 =	vsub.f32 v15, v12  }
.Ltmp3:
0x20b: {  	v5 =	vld.idx.msk [tilespmem:v3+s2+$0x0], $0xffff;
	[tilespmem:s29+$0x40] =	vst v8;
	v3 =	vand.u32 $0x7FFFFFFF, v10;
	(pc) =	sbr.rel @p1 .LBB2_9-.Ltmp3, $4  }
0x20c: {  	v8 =	vld.idx.msk [tilespmem:v2+s2+$0x0], $0xffff;
	[tilespmem:s29+$0x50] =	vst v3;
	v2 =	vand.u32 $0x7FFFFFFF, v11  }
0x20d: {  	v3 =	vsub.f32 v14, v7;
	v10 =	vld.idx.msk [tilespmem:v0+s2+$0x0], $0xffff;
	[tilespmem:s29+$0x60] =	vst v2  }
0x20e: {  	v2 =	vsub.f32 v9, v6;
	v9 =	vld.idx.msk [tilespmem:v1+s2+$0x0], $0xffff  }
0x20f: {  	s3 =	sadd.s32 $0x80, s3;
	v1 =	vand.u32 $0x7FFFFFFF, v3;
	v0 =	vld [tilespmem:s28+$0xA0]  }
0x210: {  	v3 =	vld [tilespmem:s28+$0xB0]  }
0x211: {  	v6 =	vld [tilespmem:s28+$0xC0]  }
0x212: {  	v7 =	vld [tilespmem:s28+$0xD0]  }
0x213: {  	v11 =	vld [tilespmem:s28+$0xE0]  }
0x214: {  	v0 =	vsub.f32 v0, v4  }
0x215: {  	[tilespmem:s29+$0x80] =	vst v1;
	v1 =	vand.u32 $0x7FFFFFFF, v2;
	v2 =	vsub.f32 v3, v5  }
0x216: {  	[tilespmem:s29+$0x90] =	vst v1;
	v1 =	vsub.f32 v6, v8;
	v0 =	vand.u32 $0x7FFFFFFF, v0  }
0x217: {  	v3 =	vsub.f32 v7, v10;
	[tilespmem:s31+$0xA0] =	vst v0;
	v0 =	vand.u32 $0x7FFFFFFF, v2  }
0x218: {  	s0 =	sshll.u32 s25, $0x16;
	v2 =	vsub.f32 v11, v9;
	[tilespmem:s31+$0xB0] =	vst v0;
	v0 =	vand.u32 $0x7FFFFFFF, v1  }
0x219: {  	s0 =	sor.u32 s7, s0;
	v1 =	vand.u32 $0x7FFFFFFF, v3;
	[tilespmem:s31+$0xC0] =	vst v0  }
0x21a: {  	s0 =	sshrl.u32 s0, $0x3;
	v0 =	vand.u32 $0x7FFFFFFF, v2;
	[tilespmem:s31+$0xD0] =	vst v1  }
0x21b: {  	s3 =	sadd.s32 s0, s11;
	[tilespmem:s31+$0xE0] =	vst v0  }
0x21c: {  	[hbm4b:s3+s14] =	stream.strided.scatter [tilespmem:s20], [sflag:$0x1], $0x4000, s15, s14, $0x38;
	[tilespmem:$0x11000] =	vst v63  }
0x21d: {  	s0 =	sadd.s32 s0, s12  }
0x21e: {  	[hbm4b:s0+s14] =	stream.strided.scatter [tilespmem:s20], [sflag:$0x1], $0x4000, s15, s14, $0x38;
	[tilespmem:$0x11000] =	vst v63  }
0x21f: {  	s0 =	simm.s32 @!p0 $0x2  }
0x220: {  	_ =	swait.ge @!p0 [sflag:s0], $0x4000  }
0x221: {  	[sflag:s0] =	ssyncset.done @!p0 $0x0  }
0x222: {  	s28 =	sor.u32 $0x1, s30;
	[sflag:s0] =	ssyncadd.s32 @!p0 $0xFFFFC000  }
0x223: {  	s31 =	sshll.u32 s28, $0x4;
	_ =	swait.ge @!p0 [sflag:s0], $0x4000  }
0x224: {  	s26 =	sadd.s32 s4, s26;
	s3 =	sand.u32 $0x70, s31;
	[sflag:s0] =	ssyncset.done @!p0 $0x0  }
0x225: {  	s26 =	sadd.s32 s3, s26;
	[sflag:s0] =	ssyncadd.s32 @!p0 $0xFFFFC000  }
0x226: {  	[tilespmem:s19], [sflag:$0x3] =	stream.strided.gather [hbm4b:s26+s18], $0x1000, s15, s18, $0x38;
	[tilespmem:$0x11000] =	vst v63  }
0x227: {  	_ =	swait.ge [sflag:s16], $0x1000  }
0x228: {  	[sflag:s16] =	ssyncset.done $0x0  }
0x229: {  	s31 =	simm.s32 $0x8040;
	[sflag:s16] =	ssyncadd.s32 $0xFFFFF000  }
0x22a: {  	v0 =	vld [tilespmem:s31+$0x30]  }
0x22b: {  	v1 =	vld [tilespmem:s31+$0xFFFFFFD0]  }
0x22c: {  	v3 =	vld [tilespmem:s31+$0xFFFFFFE0]  }
0x22d: {  	v6 =	vld [tilespmem:s31+$0xFFFFFFF0]  }
0x22e: {  	v8 =	vld [tilespmem:s31+$0x10]  }
0x22f: {  	v4 =	vld [tilespmem:s31+$0xFFFFFFC0]  }
0x230: {  	v7 =	vld [tilespmem:s31+$0x0];
	v2 =	vshll.u32 v0, $0x2  }
0x231: {  	s26 =	simm.s32 $0x4100;
	v9 =	vld [tilespmem:s31+$0x20];
	v0 =	vand.u32 $0x7F, v0;
	v11 =	vshll.u32 v3, $0x2;
	v13 =	vand.u32 $0x7F, v1  }
0x232: {  	v12 =	vld [tilespmem:s26+$0xFFFFFF70];
	v14 =	vshll.u32 v6, $0x2;
	v3 =	vand.u32 $0x7F, v3;
	v2 =	vand.u32 $0xFFFFFE00, v2  }
0x233: {  	v55 =	vld [tilespmem:s26+$0xFFFFFF10];
	v17 =	vshll.u32 v8, $0x2;
	v8 =	vand.u32 $0x7F, v8;
	v5 =	vor.u32 v0, v2  }
0x234: {  	v56 =	vld [tilespmem:s26+$0xFFFFFF30];
	v57 =	vand.u32 $0xFFFFFE00, v17;
	v0 =	vshll.u32 v1, $0x2;
	v2 =	vshll.u32 v4, $0x2  }
0x235: {  	v18 =	vld [tilespmem:s26+$0xFFFFFF40];
	v4 =	vand.u32 $0x7F, v4;
	v8 =	vor.u32 v8, v57;
	v2 =	vand.u32 $0xFFFFFE00, v2  }
0x236: {  	v23 =	vld [tilespmem:s26+$0xFFFFFF50];
	v11 =	vand.u32 $0xFFFFFE00, v11;
	v0 =	vand.u32 $0xFFFFFE00, v0;
	v1 =	vor.u32 v4, v2  }
0x237: {  	v15 =	vshll.u32 v7, $0x2;
	v4 =	vld [tilespmem:s26+$0xFFFFFF00];
	v2 =	vor.u32 v13, v0;
	v0 =	vor.u32 v3, v11  }
0x238: {  	v6 =	vand.u32 $0x7F, v6;
	v58 =	vshll.u32 v9, $0x2;
	v14 =	vand.u32 $0xFFFFFE00, v14;
	v10 =	vld.idx.msk [tilespmem:v5+s2+$0x0], $0xffff  }
0x239: {  	v9 =	vand.u32 $0x7F, v9;
	v17 =	vand.u32 $0xFFFFFE00, v58;
	v6 =	vor.u32 v6, v14;
	v3 =	vld [tilespmem:s26+$0xFFFFFF20]  }
0x23a: {  	v7 =	vand.u32 $0x7F, v7;
	v9 =	vor.u32 v9, v17;
	v11 =	vand.u32 $0xFFFFFE00, v15;
	v63 =	vld.idx.msk [tilespmem:v8+s2+$0x0], $0xffff  }
0x23b: {  	v7 =	vor.u32 v7, v11;
	v59 =	vld.idx.msk [tilespmem:v1+s2+$0x0], $0xffff  }
0x23c: {  	v16 =	vor.u32 $0x80, v5;
	v60 =	vld.idx.msk [tilespmem:v0+s2+$0x0], $0xffff  }
0x23d: {  	v11 =	vld.idx.msk [tilespmem:v2+s2+$0x0], $0xffff;
	v10 =	vsub.f32 v12, v10  }
0x23e: {  	v62 =	vld.idx.msk [tilespmem:v6+s2+$0x0], $0xffff  }
0x23f: {  	s29 =	simm.s32 $0xD100;
	v28 =	vld.idx.msk [tilespmem:v9+s2+$0x0], $0xffff;
	v14 =	vsub.f32 v23, v63;
	v10 =	vand.u32 $0x7FFFFFFF, v10  }
0x240: {  	v19 =	vor.u32 $0x80, v1;
	v20 =	vld.idx.msk [tilespmem:v7+s2+$0x0], $0xffff;
	v4 =	vsub.f32 v4, v59;
	[tilespmem:s29+$0xFFFFFF70] =	vst v10  }
0x241: {  	v29 =	vor.u32 $0x80, v0;
	v3 =	vsub.f32 v3, v60;
	v35 =	vand.u32 $0x7FFFFFFF, v14;
	v10 =	vld.idx.msk [tilespmem:v16+s2+$0x0], $0xffff  }
0x242: {  	v11 =	vsub.f32 v55, v11;
	[tilespmem:s29+$0xFFFFFF50] =	vst v35;
	v61 =	vld [tilespmem:s26+$0xFFFFFFF0];
	v4 =	vand.u32 $0x7FFFFFFF, v4  }
0x243: {  	v3 =	vand.u32 $0x7FFFFFFF, v3;
	v46 =	vld [tilespmem:s26+$0xFFFFFFD0];
	[tilespmem:s29+$0xFFFFFF00] =	vst v4  }
0x244: {  	v21 =	vor.u32 $0x80, v2;
	v4 =	vand.u32 $0x7FFFFFFF, v11;
	v11 =	vld [tilespmem:s26+$0xFFFFFF60];
	[tilespmem:s29+$0xFFFFFF20] =	vst v3  }
0x245: {  	v24 =	vor.u32 $0x80, v6;
	[tilespmem:s29+$0xFFFFFF10] =	vst v4;
	v4 =	vld.idx.msk [tilespmem:v19+s2+$0x0], $0xffff  }
0x246: {  	v15 =	vsub.f32 v56, v62;
	v16 =	vld.idx.msk [tilespmem:v29+s2+$0x0], $0xffff  }
0x247: {  	v18 =	vsub.f32 v18, v20;
	v37 =	vld [tilespmem:s26+$0xFFFFFF80]  }
0x248: {  	v30 =	vor.u32 $0x80, v7;
	v3 =	vand.u32 $0x7FFFFFFF, v15;
	v39 =	vld [tilespmem:s26+$0xFFFFFFA0]  }
0x249: {  	[tilespmem:s29+$0xFFFFFF30] =	vst v3;
	v3 =	vand.u32 $0x7FFFFFFF, v18;
	v31 =	vld.idx.msk [tilespmem:v21+s2+$0x0], $0xffff  }
0x24a: {  	v22 =	vor.u32 $0x100, v5;
	[tilespmem:s29+$0xFFFFFF40] =	vst v3;
	v3 =	vld.idx.msk [tilespmem:v24+s2+$0x0], $0xffff  }
0x24b: {  	v38 =	vld [tilespmem:s26+$0xFFFFFF90];
	v10 =	vsub.f32 v61, v10  }
0x24c: {  	v33 =	vor.u32 $0x80, v9;
	v43 =	vld [tilespmem:s26+$0xFFFFFFB0]  }
0x24d: {  	v12 =	vld.idx.msk [tilespmem:v30+s2+$0x0], $0xffff;
	v11 =	vsub.f32 v11, v28;
	v10 =	vand.u32 $0x7FFFFFFF, v10  }
0x24e: {  	v45 =	vld [tilespmem:s26+$0xFFFFFFC0];
	[tilespmem:s29+$0xFFFFFFF0] =	vst v10  }
0x24f: {  	v42 =	vor.u32 $0x100, v2;
	v4 =	vsub.f32 v37, v4;
	v11 =	vand.u32 $0x7FFFFFFF, v11;
	v32 =	vld.idx.msk [tilespmem:v22+s2+$0x0], $0xffff  }
0x250: {  	v15 =	vsub.f32 v38, v31;
	v34 =	vld [tilespmem:s26+$0x70];
	[tilespmem:s29+$0xFFFFFF60] =	vst v11  }
0x251: {  	v48 =	vor.u32 $0x100, v6;
	v4 =	vand.u32 $0x7FFFFFFF, v4;
	v11 =	vld.idx.msk [tilespmem:v33+s2+$0x0], $0xffff  }
0x252: {  	v10 =	vor.u32 $0x80, v8;
	v3 =	vsub.f32 v43, v3;
	[tilespmem:s29+$0xFFFFFF80] =	vst v4;
	v4 =	vand.u32 $0x7FFFFFFF, v15;
	v47 =	vld [tilespmem:s26+$0xFFFFFFE0]  }
0x253: {  	[tilespmem:s29+$0xFFFFFF90] =	vst v4;
	v52 =	vld [tilespmem:s26+$0x0]  }
0x254: {  	v44 =	vor.u32 $0x100, v0;
	v3 =	vand.u32 $0x7FFFFFFF, v3;
	v20 =	vld.idx.msk [tilespmem:v42+s2+$0x0], $0xffff  }
0x255: {  	v16 =	vsub.f32 v39, v16;
	[tilespmem:s29+$0xFFFFFFB0] =	vst v3;
	v53 =	vld [tilespmem:s26+$0x10]  }
0x256: {  	v40 =	vor.u32 $0x100, v1;
	v12 =	vsub.f32 v45, v12;
	v54 =	vld.idx.msk [tilespmem:v48+s2+$0x0], $0xffff  }
0x257: {  	v5 =	vor.u32 $0x180, v5;
	v4 =	vand.u32 $0x7FFFFFFF, v16;
	v10 =	vld.idx.msk [tilespmem:v10+s2+$0x0], $0xffff  }
0x258: {  	v3 =	vand.u32 $0x7FFFFFFF, v12;
	[tilespmem:s29+$0xFFFFFFA0] =	vst v4;
	v55 =	vld [tilespmem:s26+$0x30];
	v36 =	vsub.f32 v34, v32  }
0x259: {  	v49 =	vor.u32 $0x100, v7;
	[tilespmem:s29+$0xFFFFFFC0] =	vst v3;
	v50 =	vld.idx.msk [tilespmem:v44+s2+$0x0], $0xffff  }
0x25a: {  	v57 =	vld [tilespmem:s26+$0x40];
	v13 =	vand.u32 $0x7FFFFFFF, v36  }
0x25b: {  	v4 =	vor.u32 $0x100, v8;
	[tilespmem:s29+$0x70] =	vst v13;
	v13 =	vld.idx.msk [tilespmem:v40+s2+$0x0], $0xffff  }
0x25c: {  	v5 =	vld.idx.msk [tilespmem:v5+s2+$0x0], $0xffff;
	v10 =	vsub.f32 v46, v10  }
0x25d: {  	v51 =	vor.u32 $0x100, v9;
	v11 =	vsub.f32 v47, v11;
	v41 =	vld [tilespmem:s26+$0xF0]  }
0x25e: {  	v3 =	vand.u32 $0x7FFFFFFF, v10;
	v10 =	vld.idx.msk [tilespmem:v49+s2+$0x0], $0xffff  }
0x25f: {  	v2 =	vor.u32 $0x180, v2;
	[tilespmem:s29+$0xFFFFFFD0] =	vst v3;
	v3 =	vand.u32 $0x7FFFFFFF, v11;
	v11 =	vld [tilespmem:s26+$0x20]  }
0x260: {  	v1 =	vor.u32 $0x180, v1;
	v56 =	vsub.f32 v53, v20;
	v4 =	vld.idx.msk [tilespmem:v4+s2+$0x0], $0xffff  }
0x261: {  	[tilespmem:s29+$0xFFFFFFE0] =	vst v3;
	v13 =	vsub.f32 v52, v13;
	v58 =	vld [tilespmem:s26+$0x50]  }
0x262: {  	v59 =	vand.u32 $0x7FFFFFFF, v56;
	v3 =	vld.idx.msk [tilespmem:v51+s2+$0x0], $0xffff  }
0x263: {  	v0 =	vor.u32 $0x180, v0;
	[tilespmem:s29+$0x10] =	vst v59;
	v60 =	vld [tilespmem:s26+$0x60];
	v13 =	vand.u32 $0x7FFFFFFF, v13  }
0x264: {  	v6 =	vor.u32 $0x180, v6;
	v2 =	vld.idx.msk [tilespmem:v2+s2+$0x0], $0xffff;
	[tilespmem:s29+$0x0] =	vst v13;
	v11 =	vsub.f32 v11, v50  }
0x265: {  	v7 =	vor.u32 $0x180, v7;
	v12 =	vsub.f32 v55, v54;
	v1 =	vld.idx.msk [tilespmem:v1+s2+$0x0], $0xffff  }
0x266: {  	v61 =	vor.u32 $0x180, v8;
	v10 =	vsub.f32 v57, v10;
	v62 =	vld [tilespmem:s26+$0x80];
	v8 =	vand.u32 $0x7FFFFFFF, v11  }
0x267: {  	v9 =	vor.u32 $0x180, v9;
	v63 =	vsub.f32 v58, v4;
	v11 =	vld [tilespmem:s26+$0x90];
	[tilespmem:s29+$0x20] =	vst v8;
	v8 =	vand.u32 $0x7FFFFFFF, v12  }
0x268: {  	v3 =	vsub.f32 v60, v3;
	v4 =	vld.idx.msk [tilespmem:v0+s2+$0x0], $0xffff;
	[tilespmem:s29+$0x30] =	vst v8;
	v0 =	vand.u32 $0x7FFFFFFF, v10  }
0x269: {  	v6 =	vld.idx.msk [tilespmem:v6+s2+$0x0], $0xffff;
	[tilespmem:s29+$0x40] =	vst v0;
	v0 =	vand.u32 $0x7FFFFFFF, v63  }
0x26a: {  	v5 =	vsub.f32 v41, v5;
	v8 =	vld.idx.msk [tilespmem:v7+s2+$0x0], $0xffff;
	[tilespmem:s29+$0x50] =	vst v0;
	v0 =	vand.u32 $0x7FFFFFFF, v3  }
0x26b: {  	v1 =	vsub.f32 v62, v1;
	v10 =	vld.idx.msk [tilespmem:v61+s2+$0x0], $0xffff;
	[tilespmem:s29+$0x60] =	vst v0  }
0x26c: {  	v0 =	vand.u32 $0x7FFFFFFF, v5;
	v2 =	vsub.f32 v11, v2;
	v9 =	vld.idx.msk [tilespmem:v9+s2+$0x0], $0xffff  }
0x26d: {  	s30 =	simm.s32 $0xD100;
	s3 =	simm.s32 $0x80C0;
	s0 =	simm.s32 $0x0;
	v1 =	vand.u32 $0x7FFFFFFF, v1;
	[tilespmem:s29+$0xF0] =	vst v0;
	v0 =	vld [tilespmem:s26+$0xA0]  }
.LBB2_11:
0x26e: {  	v3 =	vld [tilespmem:s3+$0x30];
	s0 =	sadd.s32 $0x8, s0;
	[tilespmem:s29+$0x80] =	vst v1;
	v1 =	vand.u32 $0x7FFFFFFF, v2  }
0x26f: {  	v2 =	vld [tilespmem:s3+$0xFFFFFFD0];
	p0 =	slt.u32 s0, $0xF8;
	[tilespmem:s29+$0x90] =	vst v1  }
0x270: {  	v1 =	vld [tilespmem:s3+$0xFFFFFFE0]  }
0x271: {  	v5 =	vld [tilespmem:s3+$0xFFFFFFF0]  }
0x272: {  	v7 =	vld [tilespmem:s3+$0x0];
	v18 =	vsub.f32 v0, v4  }
0x273: {  	v0 =	vld [tilespmem:s3+$0x10];
	v4 =	vshll.u32 v3, $0x2  }
0x274: {  	v3 =	vand.u32 $0x7F, v3;
	v11 =	vshll.u32 v2, $0x2;
	v12 =	vld [tilespmem:s3+$0x20];
	v4 =	vand.u32 $0xFFFFFE00, v4  }
0x275: {  	v13 =	vld [tilespmem:s3+$0xFFFFFFC0];
	v14 =	vand.u32 $0xFFFFFE00, v11;
	v15 =	vshll.u32 v1, $0x2;
	v11 =	vor.u32 v3, v4  }
0x276: {  	v2 =	vand.u32 $0x7F, v2;
	v3 =	vand.u32 $0xFFFFFE00, v15;
	v4 =	vshll.u32 v5, $0x2;
	v19 =	vld [tilespmem:s26+$0xB0]  }
0x277: {  	v1 =	vand.u32 $0x7F, v1;
	v4 =	vand.u32 $0xFFFFFE00, v4;
	v15 =	vshll.u32 v7, $0x2;
	v20 =	vld [tilespmem:s26+$0xC0]  }
0x278: {  	v5 =	vand.u32 $0x7F, v5;
	v15 =	vand.u32 $0xFFFFFE00, v15;
	v16 =	vshll.u32 v0, $0x2;
	v21 =	vld [tilespmem:s26+$0xD0]  }
0x279: {  	v7 =	vand.u32 $0x7F, v7;
	v16 =	vand.u32 $0xFFFFFE00, v16;
	v17 =	vshll.u32 v12, $0x2;
	v22 =	vld [tilespmem:s26+$0xE0]  }
0x27a: {  	s26 =	sadd.s32 $0x200, s26;
	v23 =	vand.u32 $0x7F, v13;
	v13 =	vshll.u32 v13, $0x2;
	v17 =	vand.u32 $0xFFFFFE00, v17;
	v24 =	vld.idx.msk [tilespmem:v11+s2+$0x0], $0xffff  }
0x27b: {  	v0 =	vand.u32 $0x7F, v0;
	v12 =	vand.u32 $0x7F, v12;
	v13 =	vand.u32 $0xFFFFFE00, v13;
	v25 =	vld [tilespmem:s26+$0xFFFFFF70]  }
0x27c: {  	v2 =	vor.u32 v2, v14;
	v1 =	vor.u32 v1, v3;
	v23 =	vor.u32 v23, v13;
	v26 =	vld [tilespmem:s26+$0xFFFFFF00]  }
0x27d: {  	v28 =	vor.u32 v5, v4;
	v29 =	vor.u32 v7, v15;
	v30 =	vor.u32 v0, v16;
	v27 =	vld [tilespmem:s26+$0xFFFFFF10]  }
0x27e: {  	v32 =	vor.u32 $0x80, v2;
	v34 =	vor.u32 v12, v17;
	v31 =	vor.u32 $0x80, v23;
	v33 =	vld [tilespmem:s26+$0xFFFFFF20]  }
0x27f: {  	v35 =	vor.u32 $0x80, v1;
	v37 =	vor.u32 $0x80, v28;
	v0 =	vor.u32 $0x80, v11;
	v36 =	vld [tilespmem:s26+$0xFFFFFF30]  }
0x280: {  	v39 =	vor.u32 $0x80, v29;
	v40 =	vor.u32 $0x80, v30;
	v38 =	vld [tilespmem:s26+$0xFFFFFF40];
	v3 =	vsub.f32 v25, v24  }
0x281: {  	v16 =	vor.u32 $0x100, v2;
	v41 =	vor.u32 $0x80, v34;
	v25 =	vor.u32 $0x100, v23;
	v24 =	vld.idx.msk [tilespmem:v23+s2+$0x0], $0xffff  }
0x282: {  	s29 =	sadd.s32 $0x200, s29;
	v14 =	vor.u32 $0x100, v28;
	v17 =	vor.u32 $0x100, v1;
	v42 =	vld.idx.msk [tilespmem:v2+s2+$0x0], $0xffff;
	v3 =	vand.u32 $0x7FFFFFFF, v3  }
0x283: {  	v15 =	vor.u32 $0x100, v29;
	v13 =	vor.u32 $0x100, v30;
	v12 =	vor.u32 $0x100, v34;
	v43 =	vld.idx.msk [tilespmem:v1+s2+$0x0], $0xffff;
	[tilespmem:s29+$0xFFFFFF70] =	vst v3  }
0x284: {  	v5 =	vor.u32 $0x180, v2;
	v4 =	vor.u32 $0x180, v1;
	v7 =	vor.u32 $0x180, v23;
	v23 =	vld.idx.msk [tilespmem:v0+s2+$0x0], $0xffff  }
0x285: {  	v2 =	vor.u32 $0x180, v29;
	v3 =	vor.u32 $0x180, v28;
	v0 =	vor.u32 $0x180, v30;
	v44 =	vld [tilespmem:s26+$0xFFFFFFF0]  }
0x286: {  	v6 =	vsub.f32 v19, v6;
	v8 =	vsub.f32 v20, v8;
	v1 =	vor.u32 $0x180, v34;
	v28 =	vld.idx.msk [tilespmem:v28+s2+$0x0], $0xffff  }
0x287: {  	v18 =	vand.u32 $0x7FFFFFFF, v18;
	v10 =	vsub.f32 v21, v10;
	v19 =	vsub.f32 v26, v24;
	v20 =	vld.idx.msk [tilespmem:v29+s2+$0x0], $0xffff  }
0x288: {  	v6 =	vand.u32 $0x7FFFFFFF, v6;
	v9 =	vsub.f32 v22, v9;
	v21 =	vsub.f32 v27, v42;
	v24 =	vld.idx.msk [tilespmem:v30+s2+$0x0], $0xffff;
	[tilespmem:s30+$0xA0] =	vst v18  }
0x289: {  	v26 =	vor.u32 $0x100, v11;
	v18 =	vand.u32 $0x7FFFFFFF, v19;
	v19 =	vsub.f32 v33, v43;
	v22 =	vld.idx.msk [tilespmem:v34+s2+$0x0], $0xffff;
	[tilespmem:s30+$0xB0] =	vst v6  }
0x28a: {  	v8 =	vand.u32 $0x7FFFFFFF, v8;
	v6 =	vand.u32 $0x7FFFFFFF, v21;
	[tilespmem:s29+$0xFFFFFF00] =	vst v18;
	v18 =	vld [tilespmem:s26+$0xFFFFFF50];
	v21 =	vsub.f32 v44, v23  }
0x28b: {  	v10 =	vand.u32 $0x7FFFFFFF, v10;
	v9 =	vand.u32 $0x7FFFFFFF, v9;
	[tilespmem:s29+$0xFFFFFF10] =	vst v6;
	v6 =	vand.u32 $0x7FFFFFFF, v19;
	v19 =	vld [tilespmem:s26+$0xFFFFFF60]  }
0x28c: {  	v23 =	vld.idx.msk [tilespmem:v31+s2+$0x0], $0xffff;
	[tilespmem:s29+$0xFFFFFF20] =	vst v6;
	v6 =	vsub.f32 v36, v28;
	v21 =	vand.u32 $0x7FFFFFFF, v21  }
0x28d: {  	v20 =	vsub.f32 v38, v20;
	v27 =	vld.idx.msk [tilespmem:v32+s2+$0x0], $0xffff;
	[tilespmem:s29+$0xFFFFFFF0] =	vst v21  }
0x28e: {  	v6 =	vand.u32 $0x7FFFFFFF, v6;
	v21 =	vld.idx.msk [tilespmem:v26+s2+$0x0], $0xffff;
	[tilespmem:s30+$0xC0] =	vst v8  }
0x28f: {  	[tilespmem:s29+$0xFFFFFF30] =	vst v6;
	v6 =	vand.u32 $0x7FFFFFFF, v20;
	v8 =	vsub.f32 v18, v24;
	v18 =	vld [tilespmem:s26+$0x70]  }
0x290: {  	v20 =	vld.idx.msk [tilespmem:v35+s2+$0x0], $0xffff;
	[tilespmem:s29+$0xFFFFFF40] =	vst v6;
	v6 =	vsub.f32 v19, v22  }
0x291: {  	v19 =	vld.idx.msk [tilespmem:v37+s2+$0x0], $0xffff;
	v8 =	vand.u32 $0x7FFFFFFF, v8;
	[tilespmem:s30+$0xD0] =	vst v10  }
0x292: {  	v10 =	vld.idx.msk [tilespmem:v39+s2+$0x0], $0xffff;
	[tilespmem:s29+$0xFFFFFF50] =	vst v8;
	v6 =	vand.u32 $0x7FFFFFFF, v6  }
0x293: {  	v8 =	vld.idx.msk [tilespmem:v40+s2+$0x0], $0xffff;
	[tilespmem:s29+$0xFFFFFF60] =	vst v6;
	v6 =	vor.u32 $0x180, v11  }
0x294: {  	v11 =	vld.idx.msk [tilespmem:v41+s2+$0x0], $0xffff;
	v18 =	vsub.f32 v18, v21;
	[tilespmem:s30+$0xE0] =	vst v9;
	s30 =	smov.u32 s29  }
0x295: {  	v9 =	vld [tilespmem:s26+$0xFFFFFF80]  }
0x296: {  	v21 =	vld [tilespmem:s26+$0xFFFFFF90];
	v18 =	vand.u32 $0x7FFFFFFF, v18  }
0x297: {  	v22 =	vld [tilespmem:s26+$0xFFFFFFA0];
	[tilespmem:s29+$0x70] =	vst v18  }
0x298: {  	v6 =	vld.idx.msk [tilespmem:v6+s2+$0x0], $0xffff  }
0x299: {  	v18 =	vld [tilespmem:s26+$0xF0]  }
0x29a: {  	v9 =	vsub.f32 v9, v23;
	v23 =	vld [tilespmem:s26+$0xFFFFFFB0]  }
0x29b: {  	v21 =	vsub.f32 v21, v27;
	v24 =	vld [tilespmem:s26+$0xFFFFFFC0]  }
0x29c: {  	v9 =	vand.u32 $0x7FFFFFFF, v9;
	v20 =	vsub.f32 v22, v20;
	v22 =	vld [tilespmem:s26+$0xFFFFFFD0]  }
0x29d: {  	[tilespmem:s29+$0xFFFFFF80] =	vst v9;
	v9 =	vand.u32 $0x7FFFFFFF, v21;
	v21 =	vld [tilespmem:s26+$0xFFFFFFE0]  }
0x29e: {  	v25 =	vld.idx.msk [tilespmem:v25+s2+$0x0], $0xffff;
	[tilespmem:s29+$0xFFFFFF90] =	vst v9;
	v9 =	vand.u32 $0x7FFFFFFF, v20;
	v6 =	vsub.f32 v18, v6  }
0x29f: {  	v16 =	vld.idx.msk [tilespmem:v16+s2+$0x0], $0xffff;
	[tilespmem:s29+$0xFFFFFFA0] =	vst v9;
	v9 =	vsub.f32 v23, v19  }
0x2a0: {  	v17 =	vld.idx.msk [tilespmem:v17+s2+$0x0], $0xffff;
	v10 =	vsub.f32 v24, v10;
	v6 =	vand.u32 $0x7FFFFFFF, v6  }
0x2a1: {  	v18 =	vld [tilespmem:s26+$0x0];
	v9 =	vand.u32 $0x7FFFFFFF, v9;
	v8 =	vsub.f32 v22, v8;
	[tilespmem:s29+$0xF0] =	vst v6  }
0x2a2: {  	v6 =	vld [tilespmem:s26+$0x10];
	[tilespmem:s29+$0xFFFFFFB0] =	vst v9;
	v9 =	vand.u32 $0x7FFFFFFF, v10;
	v10 =	vsub.f32 v21, v11  }
0x2a3: {  	v11 =	vld.idx.msk [tilespmem:v14+s2+$0x0], $0xffff;
	[tilespmem:s29+$0xFFFFFFC0] =	vst v9;
	v8 =	vand.u32 $0x7FFFFFFF, v8  }
0x2a4: {  	v9 =	vld.idx.msk [tilespmem:v15+s2+$0x0], $0xffff;
	[tilespmem:s29+$0xFFFFFFD0] =	vst v8;
	v8 =	vand.u32 $0x7FFFFFFF, v10  }
0x2a5: {  	v10 =	vld.idx.msk [tilespmem:v13+s2+$0x0], $0xffff;
	[tilespmem:s29+$0xFFFFFFE0] =	vst v8  }
0x2a6: {  	v8 =	vsub.f32 v18, v25;
	v12 =	vld.idx.msk [tilespmem:v12+s2+$0x0], $0xffff  }
0x2a7: {  	v6 =	vsub.f32 v6, v16;
	v13 =	vld [tilespmem:s26+$0x20]  }
0x2a8: {  	v8 =	vand.u32 $0x7FFFFFFF, v8;
	v14 =	vld [tilespmem:s26+$0x30]  }
0x2a9: {  	[tilespmem:s29+$0x0] =	vst v8;
	v6 =	vand.u32 $0x7FFFFFFF, v6;
	v8 =	vld [tilespmem:s26+$0x40]  }
0x2aa: {  	[tilespmem:s29+$0x10] =	vst v6;
	v6 =	vld [tilespmem:s26+$0x50]  }
0x2ab: {  	v15 =	vld [tilespmem:s26+$0x60]  }
0x2ac: {  	v7 =	vld.idx.msk [tilespmem:v7+s2+$0x0], $0xffff;
	v13 =	vsub.f32 v13, v17  }
0x2ad: {  	v5 =	vld.idx.msk [tilespmem:v5+s2+$0x0], $0xffff;
	v11 =	vsub.f32 v14, v11  }
0x2ae: {  	v14 =	vld [tilespmem:s26+$0x80];
	v13 =	vand.u32 $0x7FFFFFFF, v13;
	v8 =	vsub.f32 v8, v9  }
0x2af: {  	v9 =	vld [tilespmem:s26+$0x90];
	[tilespmem:s29+$0x20] =	vst v13;
	v11 =	vand.u32 $0x7FFFFFFF, v11;
	v10 =	vsub.f32 v6, v10  }
0x2b0: {  	v4 =	vld.idx.msk [tilespmem:v4+s2+$0x0], $0xffff;
	[tilespmem:s29+$0x30] =	vst v11;
	v8 =	vand.u32 $0x7FFFFFFF, v8;
	v11 =	vsub.f32 v15, v12  }
.Ltmp4:
0x2b1: {  	v6 =	vld.idx.msk [tilespmem:v3+s2+$0x0], $0xffff;
	[tilespmem:s29+$0x40] =	vst v8;
	v3 =	vand.u32 $0x7FFFFFFF, v10;
	(pc) =	sbr.rel @p0 .LBB2_11-.Ltmp4, $4  }
0x2b2: {  	v8 =	vld.idx.msk [tilespmem:v2+s2+$0x0], $0xffff;
	[tilespmem:s29+$0x50] =	vst v3;
	v2 =	vand.u32 $0x7FFFFFFF, v11  }
0x2b3: {  	v3 =	vsub.f32 v14, v7;
	v10 =	vld.idx.msk [tilespmem:v0+s2+$0x0], $0xffff;
	[tilespmem:s29+$0x60] =	vst v2  }
0x2b4: {  	v2 =	vsub.f32 v9, v5;
	v9 =	vld.idx.msk [tilespmem:v1+s2+$0x0], $0xffff  }
0x2b5: {  	s3 =	sadd.s32 $0x80, s3;
	v1 =	vand.u32 $0x7FFFFFFF, v3;
	v0 =	vld [tilespmem:s26+$0xA0]  }
0x2b6: {  	v3 =	vld [tilespmem:s26+$0xB0]  }
0x2b7: {  	v5 =	vld [tilespmem:s26+$0xC0]  }
0x2b8: {  	v7 =	vld [tilespmem:s26+$0xD0]  }
0x2b9: {  	v11 =	vld [tilespmem:s26+$0xE0]  }
0x2ba: {  	v0 =	vsub.f32 v0, v4  }
0x2bb: {  	[tilespmem:s29+$0x80] =	vst v1;
	v2 =	vand.u32 $0x7FFFFFFF, v2;
	v56 =	vsub.f32 v3, v6  }
0x2bc: {  	[tilespmem:s29+$0x90] =	vst v2;
	v57 =	vsub.f32 v5, v8;
	v0 =	vand.u32 $0x7FFFFFFF, v0  }
0x2bd: {  	v58 =	vsub.f32 v7, v10;
	[tilespmem:s30+$0xA0] =	vst v0;
	v59 =	vand.u32 $0x7FFFFFFF, v56  }
0x2be: {  	s0 =	sshll.u32 s28, $0x15;
	s25 =	sadd.s32 $0x1, s25;
	v60 =	vsub.f32 v11, v9;
	v61 =	vand.u32 $0x7FFFFFFF, v57;
	[tilespmem:s30+$0xB0] =	vst v59  }
0x2bf: {  	s0 =	sor.u32 s7, s0;
	p0 =	sne.s32 s25, $0x8;
	v62 =	vand.u32 $0x7FFFFFFF, v58;
	[tilespmem:s30+$0xC0] =	vst v61  }
.Ltmp5:
0x2c0: {  	s0 =	sshrl.u32 s0, $0x3;
	v63 =	vand.u32 $0x7FFFFFFF, v60;
	[tilespmem:s30+$0xD0] =	vst v62;
	(pc) =	sbr.rel @p0 .LBB2_8-.Ltmp5, $4  }
0x2c1: {  	s3 =	sadd.s32 s0, s11;
	[tilespmem:s30+$0xE0] =	vst v63  }
0x2c2: {  	[hbm4b:s3+s14] =	stream.strided.scatter [tilespmem:s21], [sflag:$0x2], $0x4000, s15, s14, $0x38;
	[tilespmem:$0x11000] =	vst v63  }
0x2c3: {  	s0 =	sadd.s32 s0, s12  }
0x2c4: {  	[hbm4b:s0+s14] =	stream.strided.scatter [tilespmem:s21], [sflag:$0x2], $0x4000, s15, s14, $0x38;
	[tilespmem:$0x11000] =	vst v63  }
0x2c5: {  	_ =	swait.ge [sflag:s22], $0x4000  }
0x2c6: {  	[sflag:s22] =	ssyncset.done $0x0  }
0x2c7: {  	[sflag:s22] =	ssyncadd.s32 $0xFFFFC000  }
0x2c8: {  	_ =	swait.ge [sflag:s22], $0x4000  }
0x2c9: {  	[sflag:s22] =	ssyncset.done $0x0  }
0x2ca: {  	s24 =	sadd.s32 $0x1, s24;
	[sflag:s22] =	ssyncadd.s32 $0xFFFFC000  }
0x2cb: {  	p0 =	sne.s32 s24, s13;
	_ =	swait.ge [sflag:s23], $0x4000  }
.Ltmp6:
0x2cc: {  	[sflag:s23] =	ssyncset.done $0x0;
	(pc) =	sbr.rel @p0 .LBB2_1-.Ltmp6, $4  }
0x2cd: {  	[sflag:s23] =	ssyncadd.s32 $0xFFFFC000  }
0x2ce: {  	_ =	swait.ge [sflag:s23], $0x4000  }
0x2cf: {  	[sflag:s23] =	ssyncset.done $0x0  }
0x2d0: {  	[sflag:s23] =	ssyncadd.s32 $0xFFFFC000  }
0x2d1: {  	_ =	sfence.sel $0x180000  }
0x2d2: {  	[bflag:$0x0] =	sbarrier.arrive $0xFFFF  }
0x2d3: {  	_ =	strace $0x90000047  }
0x2d4: {  	s0 =	stileid.u32;
	[bflag:$0x2] =	sbarrier.arrive $0xFFFF  }
0x2d5: {  	p0 =	sne.s32 s0, $0x0;
	s0 =	rddreg [dreg:$0x2]  }
0x2d6: {  	s0 =	sadd.s32 @!p0 $0x100000, s0  }
0x2d7: {  	[sflag:s0] =	ssyncadd.tile.s32 @!p0 $0x1;
	_ =	shalt  }
.Lfunc_end2:
_tile_overlayer_lowered:
.L_overlay_start_2:
0x2d8: {  	(tag) =	ssettag $0x2  }
0x2d9: {  	s0 =	rddreg [dreg:$0x0];
	s2 =	stileid.u32  }
0x2da: {  	s1 =	rddreg [dreg:$0x1];
	p0 =	sne.s32 s2, $0x0  }
0x2db: {  	s3 =	rddreg [dreg:$0x2];
	[bflag:$0x3] =	sbarrier.arrive $0xFFFF;
	s2 =	simm.s32 @!p0 $0x1C03  }
0x2dc: {  	[timem:s3], [sflag:s2] =	dma.local @!p0 [hbm:s0], s1  }
0x2dd: {  	s0 =	simm.s32 @!p0 $0x3  }
0x2de: {  	_ =	swait.ge @!p0 [sflag:s0], s1  }
0x2df: {  	s1 =	ssub.s32 @!p0 $0x0, s1;
	[sflag:s0] =	ssyncset.done @!p0 $0x0  }
0x2e0: {  	[sflag:s0] =	ssyncadd.s32 @!p0 s1  }
0x2e1: {  	[bflag:$0x3] =	sbarrier.arrive $0xFFFF  }
0x2e2: {  	_ =	shalt  }

</sc_bundles>
